<compile_context>
chip_gen: v7x
topology: tpu7x:2x2x1
jax: 0.10.2.dev20260603
libtpu: 0.0.44.dev20260713+nightly
codegen_flags: <defaults>
</compile_context>

<pallas_src>
import jax
import jax.numpy as jnp
from jax import lax
from jax.experimental import pallas as pl
from jax.experimental.pallas import tpu as pltpu
from jax.experimental.pallas import tpu_sc as plsc

_N_RAYS = 4096
_TOTAL = 262144
_N_WORKERS = 32
_RAYS_PER_W = _N_RAYS // _N_WORKERS
_CHUNK = 256
_SBUF = _CHUNK + 8 + 16
_RBUF = 3 * _SBUF
_CUBUF = _RAYS_PER_W + 24

_PAD = 512
_SIG_OFF = 0
_DEL_OFF = _TOTAL + _PAD
_RGB_OFF = 2 * (_TOTAL + _PAD)
_CU_OFF = _RGB_OFF + 3 * _TOTAL + 3 * _PAD
_PACKED_LEN = _CU_OFF + 4120


def _sc_body(pk_hbm, out_hbm, cu_v,
             sb_a, db_a, rb_a, sb_b, db_b, rb_b, outb,
             sem1a, sem2a, sem3a, sem1b, sem2b, sem3b):
    wid = lax.axis_index("s") * 2 + lax.axis_index("c")
    base = pl.multiple_of(wid * _RAYS_PER_W, 8)
    pltpu.sync_copy(pk_hbm.at[pl.ds(_CU_OFF + base, _CUBUF)], cu_v)
    lane = lax.iota(jnp.int32, 16)

    def cu_window(j):
        return plsc.bitcast(cu_v[pl.ds(j, 16)], jnp.int32)

    def start_ray(j, sb, db, rb, s1, s2, s3):
        s0 = cu_window(j)[0]
        s_al = pl.multiple_of(s0 & -8, 8)
        pltpu.async_copy(pk_hbm.at[pl.ds(_SIG_OFF + s_al, _SBUF)], sb, s1)
        pltpu.async_copy(pk_hbm.at[pl.ds(_DEL_OFF + s_al, _SBUF)], db, s2)
        pltpu.async_copy(
            pk_hbm.at[pl.ds(pl.multiple_of(_RGB_OFF + s_al * 3, 8), _RBUF)], rb, s3)

    def wait_ray(sb, db, rb, s1, s2, s3):
        pltpu.make_async_copy(pk_hbm.at[pl.ds(0, _SBUF)], sb, s1).wait()
        pltpu.make_async_copy(pk_hbm.at[pl.ds(0, _SBUF)], db, s2).wait()
        pltpu.make_async_copy(pk_hbm.at[pl.ds(0, _RBUF)], rb, s3).wait()

    def compute_ray(j, sb, db, rb):
        cu_win = cu_window(j)
        s0 = cu_win[0]
        e0 = cu_win[1]

        def round_chunks(s_cur, m, st):
            ph = s_cur - (s_cur & -8)
            nch = (m + 15) >> 4

            def chunk_body(k, c):
                carry, aw, ar, ag, ab = c
                off = ph + k * 16
                sig = sb[pl.ds(off, 16)]
                dl = db[pl.ds(off, 16)]
                msk = (k * 16 + lane) < m
                x = jnp.where(msk, -jnp.maximum(sig, 0.0) * dl, 0.0)
                ci = plsc.cumsum(x)
                ce = ci - x
                w = jnp.exp(carry + ce) - jnp.exp(carry + ci)
                ridx = (off + lane) * 3
                rv = plsc.load_gather(rb, [ridx])
                gv = plsc.load_gather(rb, [ridx + 1])
                bv = plsc.load_gather(rb, [ridx + 2])
                return (carry + ci[15], aw + w, ar + w * rv,
                        ag + w * gv, ab + w * bv)

            return lax.fori_loop(0, nch, chunk_body, st)

        z = jnp.zeros((16,), jnp.float32)
        st = round_chunks(s0, jnp.minimum(e0 - s0, _CHUNK),
                          (jnp.float32(0.0), z, z, z, z))

        n_extra = jnp.maximum(((e0 - s0 + (_CHUNK - 1)) >> 8) - 1, 0)

        def extra(t, st):
            s_cur = s0 + (t + 1) * _CHUNK
            s_al = pl.multiple_of(s_cur & -8, 8)
            pltpu.sync_copy(pk_hbm.at[pl.ds(_SIG_OFF + s_al, _SBUF)], sb)
            pltpu.sync_copy(pk_hbm.at[pl.ds(_DEL_OFF + s_al, _SBUF)], db)
            pltpu.sync_copy(
                pk_hbm.at[pl.ds(pl.multiple_of(_RGB_OFF + s_al * 3, 8), _RBUF)], rb)
            return round_chunks(s_cur, jnp.minimum(e0 - s_cur, _CHUNK), st)

        _, aw, ar, ag, ab = lax.fori_loop(0, n_extra, extra, st)
        sr = jnp.sum(ar)
        sg = jnp.sum(ag)
        sb_ = jnp.sum(ab)
        sw = jnp.sum(aw)
        out_vec = jnp.where(lane == 0, sr,
                            jnp.where(lane == 1, sg,
                                      jnp.where(lane == 2, sb_,
                                                jnp.where(lane == 3, sw, 0.0))))
        outb[pl.ds(16 * j, 16)] = out_vec

    start_ray(0, sb_a, db_a, rb_a, sem1a, sem2a, sem3a)

    def pair_body(t, _):
        j0 = 2 * t
        start_ray(j0 + 1, sb_b, db_b, rb_b, sem1b, sem2b, sem3b)
        wait_ray(sb_a, db_a, rb_a, sem1a, sem2a, sem3a)
        compute_ray(j0, sb_a, db_a, rb_a)
        start_ray(j0 + 2, sb_a, db_a, rb_a, sem1a, sem2a, sem3a)
        wait_ray(sb_b, db_b, rb_b, sem1b, sem2b, sem3b)
        compute_ray(j0 + 1, sb_b, db_b, rb_b)
        return 0

    lax.fori_loop(0, _RAYS_PER_W // 2, pair_body, 0)
    wait_ray(sb_a, db_a, rb_a, sem1a, sem2a, sem3a)
    pltpu.sync_copy(outb, out_hbm.at[pl.ds(pl.multiple_of(wid * 16 * _RAYS_PER_W, 8),
                                           16 * _RAYS_PER_W)])


@jax.jit
def _sc_render(packed):
    mesh = plsc.VectorSubcoreMesh(core_axis_name="c", subcore_axis_name="s")
    f = pl.kernel(
        _sc_body,
        out_type=jax.ShapeDtypeStruct((_N_RAYS * 16,), jnp.float32),
        mesh=mesh,
        scratch_types=[
            pltpu.VMEM((_CUBUF,), jnp.float32),
            pltpu.VMEM((_SBUF,), jnp.float32),
            pltpu.VMEM((_SBUF,), jnp.float32),
            pltpu.VMEM((_RBUF,), jnp.float32),
            pltpu.VMEM((_SBUF,), jnp.float32),
            pltpu.VMEM((_SBUF,), jnp.float32),
            pltpu.VMEM((_RBUF,), jnp.float32),
            pltpu.VMEM((16 * _RAYS_PER_W,), jnp.float32),
            pltpu.SemaphoreType.DMA,
            pltpu.SemaphoreType.DMA,
            pltpu.SemaphoreType.DMA,
            pltpu.SemaphoreType.DMA,
            pltpu.SemaphoreType.DMA,
            pltpu.SemaphoreType.DMA,
        ],
        compiler_params=pltpu.CompilerParams(needs_layout_passes=False),
    )
    return f(packed)


def kernel(sigmas, rgbs, deltas, cu_seqlens, bg_color):
    total = sigmas.shape[0]
    zpad = jnp.zeros((_PAD,), jnp.float32)
    cu_f = lax.bitcast_convert_type(
        jnp.concatenate([cu_seqlens.astype(jnp.int32),
                         jnp.full((23,), total, jnp.int32)]), jnp.float32)
    packed = jnp.concatenate([
        sigmas, zpad,
        deltas, zpad,
        rgbs.reshape(-1), zpad, zpad, zpad,
        cu_f,
    ])
    acc = _sc_render(packed).reshape(_N_RAYS, 16)
    image = acc[:, 0:3] + (1.0 - acc[:, 3])[:, None] * bg_color
    depth = image[..., 0]
    return image[None], depth[None]

# --- scband reference (transcript-rebuilt; emitter-appended) ---
"""Pipeline reference for scband-nerf-renderer-65790309040804 (READ-ONLY COPY).

The authoritative reference and input builder live on the scoring server;
editing this copy changes nothing except your own understanding.
"""

import jax, jax.numpy as jnp
import numpy as np

N_RAYS = 4096
TOTAL = 262144

def setup_inputs(seed: int = 0) -> dict:
    key = jax.random.key(seed)
    k1, k2, k3, k4, k5 = jax.random.split(key, 5)
    sigmas = jax.random.normal(k1, (TOTAL,), dtype=jnp.float32) * 2.0
    rgbs = jax.random.uniform(k2, (TOTAL, 3), dtype=jnp.float32)
    deltas = jax.random.uniform(k3, (TOTAL,), dtype=jnp.float32) * 0.01 + 1e-4
    inner = jnp.sort(jax.random.randint(k4, (N_RAYS - 1,), 0, TOTAL)).astype(jnp.int32)
    cu_seqlens = jnp.concatenate([jnp.zeros((1,), jnp.int32), inner, jnp.full((1,), TOTAL, jnp.int32)])
    bg_color = jax.random.uniform(k5, (3,), dtype=jnp.float32)
    return {"sigmas": sigmas, "rgbs": rgbs, "deltas": deltas, "cu_seqlens": cu_seqlens, "bg_color": bg_color}

def reference(sigmas, rgbs, deltas, cu_seqlens, bg_color):
    # Faithful jax version of NerfRenderer.render's composite_rays_train path:
    # ragged per-ray volume-rendering compositing over flat samples.
    total = sigmas.shape[0]
    n_rays = cu_seqlens.shape[0] - 1
    # segment id for sample i = largest ray r with cu_seqlens[r] <= i
    seg_ids = jnp.searchsorted(cu_seqlens, jnp.arange(total, dtype=jnp.int32), side='right') - 1
    seg_ids = jnp.clip(seg_ids, 0, n_rays - 1)
    density = jnp.maximum(sigmas, 0.0)
    alpha = 1.0 - jnp.exp(-density * deltas)
    # per-ray exclusive cumprod of (1 - alpha) via segment-offset log-cumsum
    log_t = jnp.log1p(-alpha + 1e-10)
    c = jnp.cumsum(log_t)
    ce = jnp.concatenate([jnp.zeros((1,), c.dtype), c[:-1]])  # exclusive global cumsum
    seg_start = ce[cu_seqlens[seg_ids]]
    T = jnp.exp(ce - seg_start)
    weights = alpha * T
    weights_sum = jax.ops.segment_sum(weights, seg_ids, num_segments=n_rays)
    image = jax.ops.segment_sum(weights[:, None] * rgbs, seg_ids, num_segments=n_rays)
    image = image + (1.0 - weights_sum)[:, None] * bg_color
    depth = image[..., 0]
    image = image[None, ...]
    depth = depth[None, ...]
    return (image, depth)

if __name__ == "__main__":
    import jax
    _d = setup_inputs()
    print(jax.jit(kernel)(*tuple(_d.values())))

</pallas_src>

<mosaic_0001>
#map = affine_map<(d0, d1) -> (0)>
module attributes {stable_mosaic.version = 14 : i64} {
  func.func @_sc_body(%arg0: i32, %arg1: i32, %arg2: memref<1317400xf32, #tpu.memory_space<hbm>>, %arg3: memref<65536xf32, #tpu.memory_space<hbm>>, %arg4: memref<152xf32, #tpu.memory_space<vmem>>, %arg5: memref<280xf32, #tpu.memory_space<vmem>>, %arg6: memref<280xf32, #tpu.memory_space<vmem>>, %arg7: memref<840xf32, #tpu.memory_space<vmem>>, %arg8: memref<280xf32, #tpu.memory_space<vmem>>, %arg9: memref<280xf32, #tpu.memory_space<vmem>>, %arg10: memref<840xf32, #tpu.memory_space<vmem>>, %arg11: memref<2048xf32, #tpu.memory_space<vmem>>, %arg12: memref<!tpu.dma_semaphore, #tpu.memory_space<semaphore_mem>>, %arg13: memref<!tpu.dma_semaphore, #tpu.memory_space<semaphore_mem>>, %arg14: memref<!tpu.dma_semaphore, #tpu.memory_space<semaphore_mem>>, %arg15: memref<!tpu.dma_semaphore, #tpu.memory_space<semaphore_mem>>, %arg16: memref<!tpu.dma_semaphore, #tpu.memory_space<semaphore_mem>>, %arg17: memref<!tpu.dma_semaphore, #tpu.memory_space<semaphore_mem>>) attributes {dimension_semantics = [#tpu.dimension_semantics<core_parallel>, #tpu.dimension_semantics<subcore_parallel>], iteration_bounds = array<i64: 2, 16>, scalar_prefetch = 0 : i64, scratch_operands = 14 : i64, tpu.core_type = #tpu.core_type<sc_vector_subcore>, window_params = [{transform_indices = #map}, {transform_indices = #map}]} {
    %mul3A = arith.constant 2 : i32
    %mul3A_0 = arith.muli %arg1, %mul3A : i32
    %add3A = arith.addi %mul3A_0, %arg0 : i32
    %mul3A_1 = arith.constant 128 : i32
    %mul3A_2 = arith.muli %add3A, %mul3A_1 : i32
    %multiple_of3A = tpu.assume_multiple %mul3A_2, 8 : i32
    %add3A_3 = arith.constant 1313280 : i32
    %add3A_4 = arith.addi %add3A_3, %multiple_of3A : i32
    "tpu.region"() ({
      %run_scoped3A = tpu.sem_alloc : memref<!tpu.dma_semaphore, #tpu.memory_space<semaphore_mem>>
      %dma_start3A_44 = tpu.memref_slice %arg2[%add3A_4] : memref<1317400xf32, #tpu.memory_space<hbm>> -> memref<152xf32, #tpu.memory_space<hbm>>
      %dma_start3A_45 = tpu.memref_slice %arg2[%add3A_4] : memref<1317400xf32, #tpu.memory_space<hbm>> -> memref<152xf32, #tpu.memory_space<hbm>>
      tpu.enqueue_dma source(%dma_start3A_45 : memref<152xf32, #tpu.memory_space<hbm>>) target(%arg4 : memref<152xf32, #tpu.memory_space<vmem>>) target_semaphore(%run_scoped3A : memref<!tpu.dma_semaphore, #tpu.memory_space<semaphore_mem>>)
      %dma_wait3A_46 = tpu.memref_slice %arg2[%add3A_4] : memref<1317400xf32, #tpu.memory_space<hbm>> -> memref<152xf32, #tpu.memory_space<hbm>>
      %dma_wait3A_47 = tpu.memref_slice %arg2[%add3A_4] : memref<1317400xf32, #tpu.memory_space<hbm>> -> memref<152xf32, #tpu.memory_space<hbm>>
      tpu.wait_dma2 semaphore(%run_scoped3A : memref<!tpu.dma_semaphore, #tpu.memory_space<semaphore_mem>>) src(%dma_wait3A_47 : memref<152xf32, #tpu.memory_space<hbm>>) dst(%arg4 : memref<152xf32, #tpu.memory_space<vmem>>)
      tpu.yield
    }) : () -> ()
    %iota3A = tpu.iota {dimensions = array<i32: 0>} : vector<16xi32>
    %get3A = arith.constant 0 : index
    %get3A_5 = tpu.vector_load %arg4[%get3A] {strides = array<i32>} : memref<152xf32, #tpu.memory_space<vmem>>, vector<16xf32>,
    %bitcast3A = vector.bitcast %get3A_5 : vector<16xf32> to vector<16xi32>
    %slice3A = vector.extract_strided_slice %bitcast3A {offsets = [0], sizes = [1], strides = [1]} : vector<16xi32> to vector<1xi32>
    %squeeze3A = vector.extract %slice3A[0] : i32 from vector<1xi32>
    %and3A = arith.constant -8 : i32
    %and3A_6 = arith.andi %squeeze3A, %and3A : i32
    %multiple_of3A_7 = tpu.assume_multiple %and3A_6, 8 : i32
    %add3A_8 = arith.constant 0 : i32
    %add3A_9 = arith.addi %add3A_8, %multiple_of3A_7 : i32
    %dma_start3A = tpu.memref_slice %arg2[%add3A_9] : memref<1317400xf32, #tpu.memory_space<hbm>> -> memref<280xf32, #tpu.memory_space<hbm>>
    %dma_start3A_10 = tpu.memref_slice %arg2[%add3A_9] : memref<1317400xf32, #tpu.memory_space<hbm>> -> memref<280xf32, #tpu.memory_space<hbm>>
    tpu.enqueue_dma source(%dma_start3A_10 : memref<280xf32, #tpu.memory_space<hbm>>) target(%arg5 : memref<280xf32, #tpu.memory_space<vmem>>) target_semaphore(%arg12 : memref<!tpu.dma_semaphore, #tpu.memory_space<semaphore_mem>>)
    %add3A_11 = arith.constant 262656 : i32
    %add3A_12 = arith.addi %add3A_11, %multiple_of3A_7 : i32
    %dma_start3A_13 = tpu.memref_slice %arg2[%add3A_12] : memref<1317400xf32, #tpu.memory_space<hbm>> -> memref<280xf32, #tpu.memory_space<hbm>>
    %dma_start3A_14 = tpu.memref_slice %arg2[%add3A_12] : memref<1317400xf32, #tpu.memory_space<hbm>> -> memref<280xf32, #tpu.memory_space<hbm>>
    tpu.enqueue_dma source(%dma_start3A_14 : memref<280xf32, #tpu.memory_space<hbm>>) target(%arg6 : memref<280xf32, #tpu.memory_space<vmem>>) target_semaphore(%arg13 : memref<!tpu.dma_semaphore, #tpu.memory_space<semaphore_mem>>)
    %mul3A_15 = arith.constant 3 : i32
    %mul3A_16 = arith.muli %multiple_of3A_7, %mul3A_15 : i32
    %add3A_17 = arith.constant 525312 : i32
    %add3A_18 = arith.addi %add3A_17, %mul3A_16 : i32
    %multiple_of3A_19 = tpu.assume_multiple %add3A_18, 8 : i32
    %dma_start3A_20 = tpu.memref_slice %arg2[%multiple_of3A_19] : memref<1317400xf32, #tpu.memory_space<hbm>> -> memref<840xf32, #tpu.memory_space<hbm>>
    %dma_start3A_21 = tpu.memref_slice %arg2[%multiple_of3A_19] : memref<1317400xf32, #tpu.memory_space<hbm>> -> memref<840xf32, #tpu.memory_space<hbm>>
    tpu.enqueue_dma source(%dma_start3A_21 : memref<840xf32, #tpu.memory_space<hbm>>) target(%arg7 : memref<840xf32, #tpu.memory_space<vmem>>) target_semaphore(%arg14 : memref<!tpu.dma_semaphore, #tpu.memory_space<semaphore_mem>>)
    %scan3A = arith.constant 0 : i32
    %scan3A_22 = arith.constant 0 : i32
    %scan3A_23 = arith.constant 64 : i32
    %scan3A_24 = arith.addi %scan3A_22, %scan3A_23 : i32
    %scan3A_25 = arith.constant 1 : i32
    %scan3A_26 = scf.for %scan3A_44 = %scan3A_22 to %scan3A_24 step %scan3A_25 iter_args(%scan3A_45 = %scan3A) -> (i32)  : i32 {
      %mul3A_46 = arith.constant 2 : i32
      %mul3A_47 = arith.muli %mul3A_46, %scan3A_44 : i32
      %add3A_48 = arith.constant 1 : i32
      %add3A_49 = arith.addi %mul3A_47, %add3A_48 : i32
      %get3A_50 = arith.index_cast %add3A_49 : i32 to index
      %get3A_51 = tpu.vector_load %arg4[%get3A_50] {strides = array<i32>} : memref<152xf32, #tpu.memory_space<vmem>>, vector<16xf32>,
      %bitcast3A_52 = vector.bitcast %get3A_51 : vector<16xf32> to vector<16xi32>
      %slice3A_53 = vector.extract_strided_slice %bitcast3A_52 {offsets = [0], sizes = [1], strides = [1]} : vector<16xi32> to vector<1xi32>
      %squeeze3A_54 = vector.extract %slice3A_53[0] : i32 from vector<1xi32>
      %and3A_55 = arith.constant -8 : i32
      %and3A_56 = arith.andi %squeeze3A_54, %and3A_55 : i32
      %multiple_of3A_57 = tpu.assume_multiple %and3A_56, 8 : i32
      %add3A_58 = arith.constant 0 : i32
      %add3A_59 = arith.addi %add3A_58, %multiple_of3A_57 : i32
      %dma_start3A_60 = tpu.memref_slice %arg2[%add3A_59] : memref<1317400xf32, #tpu.memory_space<hbm>> -> memref<280xf32, #tpu.memory_space<hbm>>
      %dma_start3A_61 = tpu.memref_slice %arg2[%add3A_59] : memref<1317400xf32, #tpu.memory_space<hbm>> -> memref<280xf32, #tpu.memory_space<hbm>>
      tpu.enqueue_dma source(%dma_start3A_61 : memref<280xf32, #tpu.memory_space<hbm>>) target(%arg8 : memref<280xf32, #tpu.memory_space<vmem>>) target_semaphore(%arg15 : memref<!tpu.dma_semaphore, #tpu.memory_space<semaphore_mem>>)
      %add3A_62 = arith.constant 262656 : i32
      %add3A_63 = arith.addi %add3A_62, %multiple_of3A_57 : i32
      %dma_start3A_64 = tpu.memref_slice %arg2[%add3A_63] : memref<1317400xf32, #tpu.memory_space<hbm>> -> memref<280xf32, #tpu.memory_space<hbm>>
      %dma_start3A_65 = tpu.memref_slice %arg2[%add3A_63] : memref<1317400xf32, #tpu.memory_space<hbm>> -> memref<280xf32, #tpu.memory_space<hbm>>
      tpu.enqueue_dma source(%dma_start3A_65 : memref<280xf32, #tpu.memory_space<hbm>>) target(%arg9 : memref<280xf32, #tpu.memory_space<vmem>>) target_semaphore(%arg16 : memref<!tpu.dma_semaphore, #tpu.memory_space<semaphore_mem>>)
      %mul3A_66 = arith.constant 3 : i32
      %mul3A_67 = arith.muli %multiple_of3A_57, %mul3A_66 : i32
      %add3A_68 = arith.constant 525312 : i32
      %add3A_69 = arith.addi %add3A_68, %mul3A_67 : i32
      %multiple_of3A_70 = tpu.assume_multiple %add3A_69, 8 : i32
      %dma_start3A_71 = tpu.memref_slice %arg2[%multiple_of3A_70] : memref<1317400xf32, #tpu.memory_space<hbm>> -> memref<840xf32, #tpu.memory_space<hbm>>
      %dma_start3A_72 = tpu.memref_slice %arg2[%multiple_of3A_70] : memref<1317400xf32, #tpu.memory_space<hbm>> -> memref<840xf32, #tpu.memory_space<hbm>>
      tpu.enqueue_dma source(%dma_start3A_72 : memref<840xf32, #tpu.memory_space<hbm>>) target(%arg10 : memref<840xf32, #tpu.memory_space<vmem>>) target_semaphore(%arg17 : memref<!tpu.dma_semaphore, #tpu.memory_space<semaphore_mem>>)
      %dma_wait3A_73 = arith.constant 0 : i32
      %dma_wait3A_74 = tpu.memref_slice %arg2[%dma_wait3A_73] : memref<1317400xf32, #tpu.memory_space<hbm>> -> memref<280xf32, #tpu.memory_space<hbm>>
      %dma_wait3A_75 = arith.constant 0 : i32
      %dma_wait3A_76 = tpu.memref_slice %arg2[%dma_wait3A_75] : memref<1317400xf32, #tpu.memory_space<hbm>> -> memref<280xf32, #tpu.memory_space<hbm>>
      tpu.wait_dma2 semaphore(%arg12 : memref<!tpu.dma_semaphore, #tpu.memory_space<semaphore_mem>>) src(%dma_wait3A_76 : memref<280xf32, #tpu.memory_space<hbm>>) dst(%arg5 : memref<280xf32, #tpu.memory_space<vmem>>)
      %dma_wait3A_77 = arith.constant 0 : i32
      %dma_wait3A_78 = tpu.memref_slice %arg2[%dma_wait3A_77] : memref<1317400xf32, #tpu.memory_space<hbm>> -> memref<280xf32, #tpu.memory_space<hbm>>
      %dma_wait3A_79 = arith.constant 0 : i32
      %dma_wait3A_80 = tpu.memref_slice %arg2[%dma_wait3A_79] : memref<1317400xf32, #tpu.memory_space<hbm>> -> memref<280xf32, #tpu.memory_space<hbm>>
      tpu.wait_dma2 semaphore(%arg13 : memref<!tpu.dma_semaphore, #tpu.memory_space<semaphore_mem>>) src(%dma_wait3A_80 : memref<280xf32, #tpu.memory_space<hbm>>) dst(%arg6 : memref<280xf32, #tpu.memory_space<vmem>>)
      %dma_wait3A_81 = arith.constant 0 : i32
      %dma_wait3A_82 = tpu.memref_slice %arg2[%dma_wait3A_81] : memref<1317400xf32, #tpu.memory_space<hbm>> -> memref<840xf32, #tpu.memory_space<hbm>>
      %dma_wait3A_83 = arith.constant 0 : i32
      %dma_wait3A_84 = tpu.memref_slice %arg2[%dma_wait3A_83] : memref<1317400xf32, #tpu.memory_space<hbm>> -> memref<840xf32, #tpu.memory_space<hbm>>
      tpu.wait_dma2 semaphore(%arg14 : memref<!tpu.dma_semaphore, #tpu.memory_space<semaphore_mem>>) src(%dma_wait3A_84 : memref<840xf32, #tpu.memory_space<hbm>>) dst(%arg7 : memref<840xf32, #tpu.memory_space<vmem>>)
      %get3A_85 = arith.index_cast %mul3A_47 : i32 to index
      %get3A_86 = tpu.vector_load %arg4[%get3A_85] {strides = array<i32>} : memref<152xf32, #tpu.memory_space<vmem>>, vector<16xf32>,
      %bitcast3A_87 = vector.bitcast %get3A_86 : vector<16xf32> to vector<16xi32>
      %slice3A_88 = vector.extract_strided_slice %bitcast3A_87 {offsets = [0], sizes = [1], strides = [1]} : vector<16xi32> to vector<1xi32>
      %squeeze3A_89 = vector.extract %slice3A_88[0] : i32 from vector<1xi32>
      %slice3A_90 = vector.extract_strided_slice %bitcast3A_87 {offsets = [1], sizes = [1], strides = [1]} : vector<16xi32> to vector<1xi32>
      %squeeze3A_91 = vector.extract %slice3A_90[0] : i32 from vector<1xi32>
      %broadcast_in_dim3A = arith.constant 0.000000e+00 : f32
      %broadcast_in_dim3A_92 = vector.broadcast %broadcast_in_dim3A : f32 to vector<16xf32>
      %sub3A = arith.subi %squeeze3A_91, %squeeze3A_89 : i32
      %min3A = arith.constant 256 : i32
      %min3A_93 = arith.minsi %sub3A, %min3A : i32
      %and3A_94 = arith.constant -8 : i32
      %and3A_95 = arith.andi %squeeze3A_89, %and3A_94 : i32
      %sub3A_96 = arith.subi %squeeze3A_89, %and3A_95 : i32
      %add3A_97 = arith.constant 15 : i32
      %add3A_98 = arith.addi %min3A_93, %add3A_97 : i32
      %shift_right_arithmetic3A = arith.constant 4 : i32
      %shift_right_arithmetic3A_99 = arith.shrsi %add3A_98, %shift_right_arithmetic3A : i32
      %while3A = arith.constant 0 : i32
      %while3A_100 = arith.constant 0.000000e+00 : f32
      %while3A_101 = arith.subi %shift_right_arithmetic3A_99, %while3A : i32
      %while3A_102 = arith.addi %while3A, %while3A_101 : i32
      %while3A_103 = arith.constant 1 : i32
      %while3A_104 = arith.divsi %while3A_101, %while3A_103 : i32
      %while3A_105 = arith.muli %while3A_104, %while3A_103 : i32
      %while3A_106 = arith.addi %while3A, %while3A_105 : i32
      %while3A_107 = arith.constant 1 : i32
      %while3A_108:5 = scf.for %while3A_300 = %while3A to %while3A_106 step %while3A_107 iter_args(%while3A_301 = %while3A_100, %while3A_302 = %broadcast_in_dim3A_92, %while3A_303 = %broadcast_in_dim3A_92, %while3A_304 = %broadcast_in_dim3A_92, %while3A_305 = %broadcast_in_dim3A_92) -> (f32, vector<16xf32>, vector<16xf32>, vector<16xf32>, vector<16xf32>)  : i32 {
        %mul3A_306 = arith.constant 16 : i32
        %mul3A_307 = arith.muli %while3A_300, %mul3A_306 : i32
        %add3A_308 = arith.addi %sub3A_96, %mul3A_307 : i32
        %get3A_309 = arith.index_cast %add3A_308 : i32 to index
        %get3A_310 = tpu.vector_load %arg5[%get3A_309] {strides = array<i32>} : memref<280xf32, #tpu.memory_space<vmem>>, vector<16xf32>,
        %get3A_311 = arith.index_cast %add3A_308 : i32 to index
        %get3A_312 = tpu.vector_load %arg6[%get3A_311] {strides = array<i32>} : memref<280xf32, #tpu.memory_space<vmem>>, vector<16xf32>,
        %mul3A_313 = arith.constant 16 : i32
        %mul3A_314 = arith.muli %while3A_300, %mul3A_313 : i32
        %add3A_315 = vector.broadcast %mul3A_314 : i32 to vector<16xi32>
        %add3A_316 = arith.addi %add3A_315, %iota3A : vector<16xi32>
        %lt3A = vector.broadcast %min3A_93 : i32 to vector<16xi32>
        %lt3A_317 = arith.cmpi slt, %add3A_316, %lt3A : vector<16xi32>
        %max3A_318 = arith.constant 0.000000e+00 : f32
        %max3A_319 = vector.broadcast %max3A_318 : f32 to vector<16xf32>
        %max3A_320 = arith.maximumf %get3A_310, %max3A_319 : vector<16xf32>
        %neg3A = arith.constant 0.000000e+00 : f32
        %neg3A_321 = vector.broadcast %neg3A : f32 to vector<16xf32>
        %neg3A_322 = arith.subf %neg3A_321, %max3A_320 : vector<16xf32>
        %mul3A_323 = arith.mulf %neg3A_322, %get3A_312 : vector<16xf32>
        %jit3A_324 = arith.constant 0.000000e+00 : f32
        %broadcast_in_dim3A_325 = vector.broadcast %jit3A_324 : f32 to vector<16xf32>
        %select_n3A_326 = arith.select %lt3A_317, %mul3A_323, %broadcast_in_dim3A_325 : vector<16xi1>, vector<16xf32>
        %broadcast_in_dim3A_327 = arith.constant true
        %broadcast_in_dim3A_328 = vector.broadcast %broadcast_in_dim3A_327 : i1 to vector<16xi1>
        %masked_cumsum3A = tpu.scan <sum>, %select_n3A_326 masked %broadcast_in_dim3A_328 : vector<16xf32>, vector<16xi1> -> vector<16xf32>
        %sub3A_329 = arith.subf %masked_cumsum3A, %select_n3A_326 : vector<16xf32>
        %add3A_330 = vector.broadcast %while3A_301 : f32 to vector<16xf32>
        %add3A_331 = arith.addf %add3A_330, %sub3A_329 : vector<16xf32>
        %exp3A = math.exp %add3A_331 : vector<16xf32>
        %add3A_332 = vector.broadcast %while3A_301 : f32 to vector<16xf32>
        %add3A_333 = arith.addf %add3A_332, %masked_cumsum3A : vector<16xf32>
        %exp3A_334 = math.exp %add3A_333 : vector<16xf32>
        %sub3A_335 = arith.subf %exp3A, %exp3A_334 : vector<16xf32>
        %add3A_336 = vector.broadcast %add3A_308 : i32 to vector<16xi32>
        %add3A_337 = arith.addi %add3A_336, %iota3A : vector<16xi32>
        %mul3A_338 = arith.constant 3 : i32
        %mul3A_339 = vector.broadcast %mul3A_338 : i32 to vector<16xi32>
        %mul3A_340 = arith.muli %add3A_337, %mul3A_339 : vector<16xi32>
        %gather3A = tpu.vector_load_idx %arg7[%mul3A_340] : memref<840xf32, #tpu.memory_space<vmem>>[vector<16xi32>], vector<16xf32>,
        %add3A_341 = arith.constant 1 : i32
        %add3A_342 = vector.broadcast %add3A_341 : i32 to vector<16xi32>
        %add3A_343 = arith.addi %mul3A_340, %add3A_342 : vector<16xi32>
        %gather3A_344 = tpu.vector_load_idx %arg7[%add3A_343] : memref<840xf32, #tpu.memory_space<vmem>>[vector<16xi32>], vector<16xf32>,
        %add3A_345 = arith.constant 2 : i32
        %add3A_346 = vector.broadcast %add3A_345 : i32 to vector<16xi32>
        %add3A_347 = arith.addi %mul3A_340, %add3A_346 : vector<16xi32>
        %gather3A_348 = tpu.vector_load_idx %arg7[%add3A_347] : memref<840xf32, #tpu.memory_space<vmem>>[vector<16xi32>], vector<16xf32>,
        %slice3A_349 = vector.extract_strided_slice %masked_cumsum3A {offsets = [15], sizes = [1], strides = [1]} : vector<16xf32> to vector<1xf32>
        %squeeze3A_350 = vector.extract %slice3A_349[0] : f32 from vector<1xf32>
        %add3A_351 = arith.addf %while3A_301, %squeeze3A_350 : f32
        %add3A_352 = arith.addf %while3A_302, %sub3A_335 : vector<16xf32>
        %mul3A_353 = arith.mulf %sub3A_335, %gather3A : vector<16xf32>
        %add3A_354 = arith.addf %while3A_303, %mul3A_353 : vector<16xf32>
        %mul3A_355 = arith.mulf %sub3A_335, %gather3A_344 : vector<16xf32>
        %add3A_356 = arith.addf %while3A_304, %mul3A_355 : vector<16xf32>
        %mul3A_357 = arith.mulf %sub3A_335, %gather3A_348 : vector<16xf32>
        %add3A_358 = arith.addf %while3A_305, %mul3A_357 : vector<16xf32>
        scf.yield %add3A_351, %add3A_352, %add3A_354, %add3A_356, %add3A_358 : f32, vector<16xf32>, vector<16xf32>, vector<16xf32>, vector<16xf32>
      }
      %while3A_109 = arith.constant 1 : i32
      %while3A_110:5 = scf.for %while3A_300 = %while3A_106 to %while3A_102 step %while3A_109 iter_args(%while3A_301 = %while3A_108#0, %while3A_302 = %while3A_108#1, %while3A_303 = %while3A_108#2, %while3A_304 = %while3A_108#3, %while3A_305 = %while3A_108#4) -> (f32, vector<16xf32>, vector<16xf32>, vector<16xf32>, vector<16xf32>)  : i32 {
        %mul3A_306 = arith.constant 16 : i32
        %mul3A_307 = arith.muli %while3A_300, %mul3A_306 : i32
        %add3A_308 = arith.addi %sub3A_96, %mul3A_307 : i32
        %get3A_309 = arith.index_cast %add3A_308 : i32 to index
        %get3A_310 = tpu.vector_load %arg5[%get3A_309] {strides = array<i32>} : memref<280xf32, #tpu.memory_space<vmem>>, vector<16xf32>,
        %get3A_311 = arith.index_cast %add3A_308 : i32 to index
        %get3A_312 = tpu.vector_load %arg6[%get3A_311] {strides = array<i32>} : memref<280xf32, #tpu.memory_space<vmem>>, vector<16xf32>,
        %mul3A_313 = arith.constant 16 : i32
        %mul3A_314 = arith.muli %while3A_300, %mul3A_313 : i32
        %add3A_315 = vector.broadcast %mul3A_314 : i32 to vector<16xi32>
        %add3A_316 = arith.addi %add3A_315, %iota3A : vector<16xi32>
        %lt3A = vector.broadcast %min3A_93 : i32 to vector<16xi32>
        %lt3A_317 = arith.cmpi slt, %add3A_316, %lt3A : vector<16xi32>
        %max3A_318 = arith.constant 0.000000e+00 : f32
        %max3A_319 = vector.broadcast %max3A_318 : f32 to vector<16xf32>
        %max3A_320 = arith.maximumf %get3A_310, %max3A_319 : vector<16xf32>
        %neg3A = arith.constant 0.000000e+00 : f32
        %neg3A_321 = vector.broadcast %neg3A : f32 to vector<16xf32>
        %neg3A_322 = arith.subf %neg3A_321, %max3A_320 : vector<16xf32>
        %mul3A_323 = arith.mulf %neg3A_322, %get3A_312 : vector<16xf32>
        %jit3A_324 = arith.constant 0.000000e+00 : f32
        %broadcast_in_dim3A_325 = vector.broadcast %jit3A_324 : f32 to vector<16xf32>
        %select_n3A_326 = arith.select %lt3A_317, %mul3A_323, %broadcast_in_dim3A_325 : vector<16xi1>, vector<16xf32>
        %broadcast_in_dim3A_327 = arith.constant true
        %broadcast_in_dim3A_328 = vector.broadcast %broadcast_in_dim3A_327 : i1 to vector<16xi1>
        %masked_cumsum3A = tpu.scan <sum>, %select_n3A_326 masked %broadcast_in_dim3A_328 : vector<16xf32>, vector<16xi1> -> vector<16xf32>
        %sub3A_329 = arith.subf %masked_cumsum3A, %select_n3A_326 : vector<16xf32>
        %add3A_330 = vector.broadcast %while3A_301 : f32 to vector<16xf32>
        %add3A_331 = arith.addf %add3A_330, %sub3A_329 : vector<16xf32>
        %exp3A = math.exp %add3A_331 : vector<16xf32>
        %add3A_332 = vector.broadcast %while3A_301 : f32 to vector<16xf32>
        %add3A_333 = arith.addf %add3A_332, %masked_cumsum3A : vector<16xf32>
        %exp3A_334 = math.exp %add3A_333 : vector<16xf32>
        %sub3A_335 = arith.subf %exp3A, %exp3A_334 : vector<16xf32>
        %add3A_336 = vector.broadcast %add3A_308 : i32 to vector<16xi32>
        %add3A_337 = arith.addi %add3A_336, %iota3A : vector<16xi32>
        %mul3A_338 = arith.constant 3 : i32
        %mul3A_339 = vector.broadcast %mul3A_338 : i32 to vector<16xi32>
        %mul3A_340 = arith.muli %add3A_337, %mul3A_339 : vector<16xi32>
        %gather3A = tpu.vector_load_idx %arg7[%mul3A_340] : memref<840xf32, #tpu.memory_space<vmem>>[vector<16xi32>], vector<16xf32>,
        %add3A_341 = arith.constant 1 : i32
        %add3A_342 = vector.broadcast %add3A_341 : i32 to vector<16xi32>
        %add3A_343 = arith.addi %mul3A_340, %add3A_342 : vector<16xi32>
        %gather3A_344 = tpu.vector_load_idx %arg7[%add3A_343] : memref<840xf32, #tpu.memory_space<vmem>>[vector<16xi32>], vector<16xf32>,
        %add3A_345 = arith.constant 2 : i32
        %add3A_346 = vector.broadcast %add3A_345 : i32 to vector<16xi32>
        %add3A_347 = arith.addi %mul3A_340, %add3A_346 : vector<16xi32>
        %gather3A_348 = tpu.vector_load_idx %arg7[%add3A_347] : memref<840xf32, #tpu.memory_space<vmem>>[vector<16xi32>], vector<16xf32>,
        %slice3A_349 = vector.extract_strided_slice %masked_cumsum3A {offsets = [15], sizes = [1], strides = [1]} : vector<16xf32> to vector<1xf32>
        %squeeze3A_350 = vector.extract %slice3A_349[0] : f32 from vector<1xf32>
        %add3A_351 = arith.addf %while3A_301, %squeeze3A_350 : f32
        %add3A_352 = arith.addf %while3A_302, %sub3A_335 : vector<16xf32>
        %mul3A_353 = arith.mulf %sub3A_335, %gather3A : vector<16xf32>
        %add3A_354 = arith.addf %while3A_303, %mul3A_353 : vector<16xf32>
        %mul3A_355 = arith.mulf %sub3A_335, %gather3A_344 : vector<16xf32>
        %add3A_356 = arith.addf %while3A_304, %mul3A_355 : vector<16xf32>
        %mul3A_357 = arith.mulf %sub3A_335, %gather3A_348 : vector<16xf32>
        %add3A_358 = arith.addf %while3A_305, %mul3A_357 : vector<16xf32>
        scf.yield %add3A_351, %add3A_352, %add3A_354, %add3A_356, %add3A_358 : f32, vector<16xf32>, vector<16xf32>, vector<16xf32>, vector<16xf32>
      }
      %sub3A_111 = arith.subi %squeeze3A_91, %squeeze3A_89 : i32
      %add3A_112 = arith.constant 255 : i32
      %add3A_113 = arith.addi %sub3A_111, %add3A_112 : i32
      %shift_right_arithmetic3A_114 = arith.constant 8 : i32
      %shift_right_arithmetic3A_115 = arith.shrsi %add3A_113, %shift_right_arithmetic3A_114 : i32
      %sub3A_116 = arith.constant 1 : i32
      %sub3A_117 = arith.subi %shift_right_arithmetic3A_115, %sub3A_116 : i32
      %max3A = arith.constant 0 : i32
      %max3A_118 = arith.maxsi %sub3A_117, %max3A : i32
      %while3A_119 = arith.constant 0 : i32
      %while3A_120 = arith.subi %max3A_118, %while3A_119 : i32
      %while3A_121 = arith.addi %while3A_119, %while3A_120 : i32
      %while3A_122 = arith.constant 1 : i32
      %while3A_123 = arith.divsi %while3A_120, %while3A_122 : i32
      %while3A_124 = arith.muli %while3A_123, %while3A_122 : i32
      %while3A_125 = arith.addi %while3A_119, %while3A_124 : i32
      %while3A_126 = arith.constant 1 : i32
      %while3A_127:5 = scf.for %while3A_300 = %while3A_119 to %while3A_125 step %while3A_126 iter_args(%while3A_301 = %while3A_110#0, %while3A_302 = %while3A_110#1, %while3A_303 = %while3A_110#2, %while3A_304 = %while3A_110#3, %while3A_305 = %while3A_110#4) -> (f32, vector<16xf32>, vector<16xf32>, vector<16xf32>, vector<16xf32>)  : i32 {
        %add3A_306 = arith.constant 1 : i32
        %add3A_307 = arith.addi %while3A_300, %add3A_306 : i32
        %mul3A_308 = arith.constant 256 : i32
        %mul3A_309 = arith.muli %add3A_307, %mul3A_308 : i32
        %add3A_310 = arith.addi %squeeze3A_89, %mul3A_309 : i32
        %and3A_311 = arith.constant -8 : i32
        %and3A_312 = arith.andi %add3A_310, %and3A_311 : i32
        %multiple_of3A_313 = tpu.assume_multiple %and3A_312, 8 : i32
        %add3A_314 = arith.constant 0 : i32
        %add3A_315 = arith.addi %add3A_314, %multiple_of3A_313 : i32
        "tpu.region"() ({
          %run_scoped3A = tpu.sem_alloc : memref<!tpu.dma_semaphore, #tpu.memory_space<semaphore_mem>>
          %dma_start3A_344 = tpu.memref_slice %arg2[%add3A_315] : memref<1317400xf32, #tpu.memory_space<hbm>> -> memref<280xf32, #tpu.memory_space<hbm>>
          %dma_start3A_345 = tpu.memref_slice %arg2[%add3A_315] : memref<1317400xf32, #tpu.memory_space<hbm>> -> memref<280xf32, #tpu.memory_space<hbm>>
          tpu.enqueue_dma source(%dma_start3A_345 : memref<280xf32, #tpu.memory_space<hbm>>) target(%arg5 : memref<280xf32, #tpu.memory_space<vmem>>) target_semaphore(%run_scoped3A : memref<!tpu.dma_semaphore, #tpu.memory_space<semaphore_mem>>)
          %dma_wait3A_346 = tpu.memref_slice %arg2[%add3A_315] : memref<1317400xf32, #tpu.memory_space<hbm>> -> memref<280xf32, #tpu.memory_space<hbm>>
          %dma_wait3A_347 = tpu.memref_slice %arg2[%add3A_315] : memref<1317400xf32, #tpu.memory_space<hbm>> -> memref<280xf32, #tpu.memory_space<hbm>>
          tpu.wait_dma2 semaphore(%run_scoped3A : memref<!tpu.dma_semaphore, #tpu.memory_space<semaphore_mem>>) src(%dma_wait3A_347 : memref<280xf32, #tpu.memory_space<hbm>>) dst(%arg5 : memref<280xf32, #tpu.memory_space<vmem>>)
          tpu.yield
        }) : () -> ()
        %add3A_316 = arith.constant 262656 : i32
        %add3A_317 = arith.addi %add3A_316, %multiple_of3A_313 : i32
        "tpu.region"() ({
          %run_scoped3A = tpu.sem_alloc : memref<!tpu.dma_semaphore, #tpu.memory_space<semaphore_mem>>
          %dma_start3A_344 = tpu.memref_slice %arg2[%add3A_317] : memref<1317400xf32, #tpu.memory_space<hbm>> -> memref<280xf32, #tpu.memory_space<hbm>>
          %dma_start3A_345 = tpu.memref_slice %arg2[%add3A_317] : memref<1317400xf32, #tpu.memory_space<hbm>> -> memref<280xf32, #tpu.memory_space<hbm>>
          tpu.enqueue_dma source(%dma_start3A_345 : memref<280xf32, #tpu.memory_space<hbm>>) target(%arg6 : memref<280xf32, #tpu.memory_space<vmem>>) target_semaphore(%run_scoped3A : memref<!tpu.dma_semaphore, #tpu.memory_space<semaphore_mem>>)
          %dma_wait3A_346 = tpu.memref_slice %arg2[%add3A_317] : memref<1317400xf32, #tpu.memory_space<hbm>> -> memref<280xf32, #tpu.memory_space<hbm>>
          %dma_wait3A_347 = tpu.memref_slice %arg2[%add3A_317] : memref<1317400xf32, #tpu.memory_space<hbm>> -> memref<280xf32, #tpu.memory_space<hbm>>
          tpu.wait_dma2 semaphore(%run_scoped3A : memref<!tpu.dma_semaphore, #tpu.memory_space<semaphore_mem>>) src(%dma_wait3A_347 : memref<280xf32, #tpu.memory_space<hbm>>) dst(%arg6 : memref<280xf32, #tpu.memory_space<vmem>>)
          tpu.yield
        }) : () -> ()
        %mul3A_318 = arith.constant 3 : i32
        %mul3A_319 = arith.muli %multiple_of3A_313, %mul3A_318 : i32
        %add3A_320 = arith.constant 525312 : i32
        %add3A_321 = arith.addi %add3A_320, %mul3A_319 : i32
        %multiple_of3A_322 = tpu.assume_multiple %add3A_321, 8 : i32
        "tpu.region"() ({
          %run_scoped3A = tpu.sem_alloc : memref<!tpu.dma_semaphore, #tpu.memory_space<semaphore_mem>>
          %dma_start3A_344 = tpu.memref_slice %arg2[%multiple_of3A_322] : memref<1317400xf32, #tpu.memory_space<hbm>> -> memref<840xf32, #tpu.memory_space<hbm>>
          %dma_start3A_345 = tpu.memref_slice %arg2[%multiple_of3A_322] : memref<1317400xf32, #tpu.memory_space<hbm>> -> memref<840xf32, #tpu.memory_space<hbm>>
          tpu.enqueue_dma source(%dma_start3A_345 : memref<840xf32, #tpu.memory_space<hbm>>) target(%arg7 : memref<840xf32, #tpu.memory_space<vmem>>) target_semaphore(%run_scoped3A : memref<!tpu.dma_semaphore, #tpu.memory_space<semaphore_mem>>)
          %dma_wait3A_346 = tpu.memref_slice %arg2[%multiple_of3A_322] : memref<1317400xf32, #tpu.memory_space<hbm>> -> memref<840xf32, #tpu.memory_space<hbm>>
          %dma_wait3A_347 = tpu.memref_slice %arg2[%multiple_of3A_322] : memref<1317400xf32, #tpu.memory_space<hbm>> -> memref<840xf32, #tpu.memory_space<hbm>>
          tpu.wait_dma2 semaphore(%run_scoped3A : memref<!tpu.dma_semaphore, #tpu.memory_space<semaphore_mem>>) src(%dma_wait3A_347 : memref<840xf32, #tpu.memory_space<hbm>>) dst(%arg7 : memref<840xf32, #tpu.memory_space<vmem>>)
          tpu.yield
        }) : () -> ()
        %sub3A_323 = arith.subi %squeeze3A_91, %add3A_310 : i32
        %min3A_324 = arith.constant 256 : i32
        %min3A_325 = arith.minsi %sub3A_323, %min3A_324 : i32
        %and3A_326 = arith.constant -8 : i32
        %and3A_327 = arith.andi %add3A_310, %and3A_326 : i32
        %sub3A_328 = arith.subi %add3A_310, %and3A_327 : i32
        %add3A_329 = arith.constant 15 : i32
        %add3A_330 = arith.addi %min3A_325, %add3A_329 : i32
        %shift_right_arithmetic3A_331 = arith.constant 4 : i32
        %shift_right_arithmetic3A_332 = arith.shrsi %add3A_330, %shift_right_arithmetic3A_331 : i32
        %while3A_333 = arith.constant 0 : i32
        %while3A_334 = arith.subi %shift_right_arithmetic3A_332, %while3A_333 : i32
        %while3A_335 = arith.addi %while3A_333, %while3A_334 : i32
        %while3A_336 = arith.constant 1 : i32
        %while3A_337 = arith.divsi %while3A_334, %while3A_336 : i32
        %while3A_338 = arith.muli %while3A_337, %while3A_336 : i32
        %while3A_339 = arith.addi %while3A_333, %while3A_338 : i32
        %while3A_340 = arith.constant 1 : i32
        %while3A_341:5 = scf.for %while3A_344 = %while3A_333 to %while3A_339 step %while3A_340 iter_args(%while3A_345 = %while3A_301, %while3A_346 = %while3A_302, %while3A_347 = %while3A_303, %while3A_348 = %while3A_304, %while3A_349 = %while3A_305) -> (f32, vector<16xf32>, vector<16xf32>, vector<16xf32>, vector<16xf32>)  : i32 {
          %mul3A_350 = arith.constant 16 : i32
          %mul3A_351 = arith.muli %while3A_344, %mul3A_350 : i32
          %add3A_352 = arith.addi %sub3A_328, %mul3A_351 : i32
          %get3A_353 = arith.index_cast %add3A_352 : i32 to index
          %get3A_354 = tpu.vector_load %arg5[%get3A_353] {strides = array<i32>} : memref<280xf32, #tpu.memory_space<vmem>>, vector<16xf32>,
          %get3A_355 = arith.index_cast %add3A_352 : i32 to index
          %get3A_356 = tpu.vector_load %arg6[%get3A_355] {strides = array<i32>} : memref<280xf32, #tpu.memory_space<vmem>>, vector<16xf32>,
          %mul3A_357 = arith.constant 16 : i32
          %mul3A_358 = arith.muli %while3A_344, %mul3A_357 : i32
          %add3A_359 = vector.broadcast %mul3A_358 : i32 to vector<16xi32>
          %add3A_360 = arith.addi %add3A_359, %iota3A : vector<16xi32>
          %lt3A = vector.broadcast %min3A_325 : i32 to vector<16xi32>
          %lt3A_361 = arith.cmpi slt, %add3A_360, %lt3A : vector<16xi32>
          %max3A_362 = arith.constant 0.000000e+00 : f32
          %max3A_363 = vector.broadcast %max3A_362 : f32 to vector<16xf32>
          %max3A_364 = arith.maximumf %get3A_354, %max3A_363 : vector<16xf32>
          %neg3A = arith.constant 0.000000e+00 : f32
          %neg3A_365 = vector.broadcast %neg3A : f32 to vector<16xf32>
          %neg3A_366 = arith.subf %neg3A_365, %max3A_364 : vector<16xf32>
          %mul3A_367 = arith.mulf %neg3A_366, %get3A_356 : vector<16xf32>
          %jit3A_368 = arith.constant 0.000000e+00 : f32
          %broadcast_in_dim3A_369 = vector.broadcast %jit3A_368 : f32 to vector<16xf32>
          %select_n3A_370 = arith.select %lt3A_361, %mul3A_367, %broadcast_in_dim3A_369 : vector<16xi1>, vector<16xf32>
          %broadcast_in_dim3A_371 = arith.constant true
          %broadcast_in_dim3A_372 = vector.broadcast %broadcast_in_dim3A_371 : i1 to vector<16xi1>
          %masked_cumsum3A = tpu.scan <sum>, %select_n3A_370 masked %broadcast_in_dim3A_372 : vector<16xf32>, vector<16xi1> -> vector<16xf32>
          %sub3A_373 = arith.subf %masked_cumsum3A, %select_n3A_370 : vector<16xf32>
          %add3A_374 = vector.broadcast %while3A_345 : f32 to vector<16xf32>
          %add3A_375 = arith.addf %add3A_374, %sub3A_373 : vector<16xf32>
          %exp3A = math.exp %add3A_375 : vector<16xf32>
          %add3A_376 = vector.broadcast %while3A_345 : f32 to vector<16xf32>
          %add3A_377 = arith.addf %add3A_376, %masked_cumsum3A : vector<16xf32>
          %exp3A_378 = math.exp %add3A_377 : vector<16xf32>
          %sub3A_379 = arith.subf %exp3A, %exp3A_378 : vector<16xf32>
          %add3A_380 = vector.broadcast %add3A_352 : i32 to vector<16xi32>
          %add3A_381 = arith.addi %add3A_380, %iota3A : vector<16xi32>
          %mul3A_382 = arith.constant 3 : i32
          %mul3A_383 = vector.broadcast %mul3A_382 : i32 to vector<16xi32>
          %mul3A_384 = arith.muli %add3A_381, %mul3A_383 : vector<16xi32>
          %gather3A = tpu.vector_load_idx %arg7[%mul3A_384] : memref<840xf32, #tpu.memory_space<vmem>>[vector<16xi32>], vector<16xf32>,
          %add3A_385 = arith.constant 1 : i32
          %add3A_386 = vector.broadcast %add3A_385 : i32 to vector<16xi32>
          %add3A_387 = arith.addi %mul3A_384, %add3A_386 : vector<16xi32>
          %gather3A_388 = tpu.vector_load_idx %arg7[%add3A_387] : memref<840xf32, #tpu.memory_space<vmem>>[vector<16xi32>], vector<16xf32>,
          %add3A_389 = arith.constant 2 : i32
          %add3A_390 = vector.broadcast %add3A_389 : i32 to vector<16xi32>
          %add3A_391 = arith.addi %mul3A_384, %add3A_390 : vector<16xi32>
          %gather3A_392 = tpu.vector_load_idx %arg7[%add3A_391] : memref<840xf32, #tpu.memory_space<vmem>>[vector<16xi32>], vector<16xf32>,
          %slice3A_393 = vector.extract_strided_slice %masked_cumsum3A {offsets = [15], sizes = [1], strides = [1]} : vector<16xf32> to vector<1xf32>
          %squeeze3A_394 = vector.extract %slice3A_393[0] : f32 from vector<1xf32>
          %add3A_395 = arith.addf %while3A_345, %squeeze3A_394 : f32
          %add3A_396 = arith.addf %while3A_346, %sub3A_379 : vector<16xf32>
          %mul3A_397 = arith.mulf %sub3A_379, %gather3A : vector<16xf32>
          %add3A_398 = arith.addf %while3A_347, %mul3A_397 : vector<16xf32>
          %mul3A_399 = arith.mulf %sub3A_379, %gather3A_388 : vector<16xf32>
          %add3A_400 = arith.addf %while3A_348, %mul3A_399 : vector<16xf32>
          %mul3A_401 = arith.mulf %sub3A_379, %gather3A_392 : vector<16xf32>
          %add3A_402 = arith.addf %while3A_349, %mul3A_401 : vector<16xf32>
          scf.yield %add3A_395, %add3A_396, %add3A_398, %add3A_400, %add3A_402 : f32, vector<16xf32>, vector<16xf32>, vector<16xf32>, vector<16xf32>
        }
        %while3A_342 = arith.constant 1 : i32
        %while3A_343:5 = scf.for %while3A_344 = %while3A_339 to %while3A_335 step %while3A_342 iter_args(%while3A_345 = %while3A_341#0, %while3A_346 = %while3A_341#1, %while3A_347 = %while3A_341#2, %while3A_348 = %while3A_341#3, %while3A_349 = %while3A_341#4) -> (f32, vector<16xf32>, vector<16xf32>, vector<16xf32>, vector<16xf32>)  : i32 {
          %mul3A_350 = arith.constant 16 : i32
          %mul3A_351 = arith.muli %while3A_344, %mul3A_350 : i32
          %add3A_352 = arith.addi %sub3A_328, %mul3A_351 : i32
          %get3A_353 = arith.index_cast %add3A_352 : i32 to index
          %get3A_354 = tpu.vector_load %arg5[%get3A_353] {strides = array<i32>} : memref<280xf32, #tpu.memory_space<vmem>>, vector<16xf32>,
          %get3A_355 = arith.index_cast %add3A_352 : i32 to index
          %get3A_356 = tpu.vector_load %arg6[%get3A_355] {strides = array<i32>} : memref<280xf32, #tpu.memory_space<vmem>>, vector<16xf32>,
          %mul3A_357 = arith.constant 16 : i32
          %mul3A_358 = arith.muli %while3A_344, %mul3A_357 : i32
          %add3A_359 = vector.broadcast %mul3A_358 : i32 to vector<16xi32>
          %add3A_360 = arith.addi %add3A_359, %iota3A : vector<16xi32>
          %lt3A = vector.broadcast %min3A_325 : i32 to vector<16xi32>
          %lt3A_361 = arith.cmpi slt, %add3A_360, %lt3A : vector<16xi32>
          %max3A_362 = arith.constant 0.000000e+00 : f32
          %max3A_363 = vector.broadcast %max3A_362 : f32 to vector<16xf32>
          %max3A_364 = arith.maximumf %get3A_354, %max3A_363 : vector<16xf32>
          %neg3A = arith.constant 0.000000e+00 : f32
          %neg3A_365 = vector.broadcast %neg3A : f32 to vector<16xf32>
          %neg3A_366 = arith.subf %neg3A_365, %max3A_364 : vector<16xf32>
          %mul3A_367 = arith.mulf %neg3A_366, %get3A_356 : vector<16xf32>
          %jit3A_368 = arith.constant 0.000000e+00 : f32
          %broadcast_in_dim3A_369 = vector.broadcast %jit3A_368 : f32 to vector<16xf32>
          %select_n3A_370 = arith.select %lt3A_361, %mul3A_367, %broadcast_in_dim3A_369 : vector<16xi1>, vector<16xf32>
          %broadcast_in_dim3A_371 = arith.constant true
          %broadcast_in_dim3A_372 = vector.broadcast %broadcast_in_dim3A_371 : i1 to vector<16xi1>
          %masked_cumsum3A = tpu.scan <sum>, %select_n3A_370 masked %broadcast_in_dim3A_372 : vector<16xf32>, vector<16xi1> -> vector<16xf32>
          %sub3A_373 = arith.subf %masked_cumsum3A, %select_n3A_370 : vector<16xf32>
          %add3A_374 = vector.broadcast %while3A_345 : f32 to vector<16xf32>
          %add3A_375 = arith.addf %add3A_374, %sub3A_373 : vector<16xf32>
          %exp3A = math.exp %add3A_375 : vector<16xf32>
          %add3A_376 = vector.broadcast %while3A_345 : f32 to vector<16xf32>
          %add3A_377 = arith.addf %add3A_376, %masked_cumsum3A : vector<16xf32>
          %exp3A_378 = math.exp %add3A_377 : vector<16xf32>
          %sub3A_379 = arith.subf %exp3A, %exp3A_378 : vector<16xf32>
          %add3A_380 = vector.broadcast %add3A_352 : i32 to vector<16xi32>
          %add3A_381 = arith.addi %add3A_380, %iota3A : vector<16xi32>
          %mul3A_382 = arith.constant 3 : i32
          %mul3A_383 = vector.broadcast %mul3A_382 : i32 to vector<16xi32>
          %mul3A_384 = arith.muli %add3A_381, %mul3A_383 : vector<16xi32>
          %gather3A = tpu.vector_load_idx %arg7[%mul3A_384] : memref<840xf32, #tpu.memory_space<vmem>>[vector<16xi32>], vector<16xf32>,
          %add3A_385 = arith.constant 1 : i32
          %add3A_386 = vector.broadcast %add3A_385 : i32 to vector<16xi32>
          %add3A_387 = arith.addi %mul3A_384, %add3A_386 : vector<16xi32>
          %gather3A_388 = tpu.vector_load_idx %arg7[%add3A_387] : memref<840xf32, #tpu.memory_space<vmem>>[vector<16xi32>], vector<16xf32>,
          %add3A_389 = arith.constant 2 : i32
          %add3A_390 = vector.broadcast %add3A_389 : i32 to vector<16xi32>
          %add3A_391 = arith.addi %mul3A_384, %add3A_390 : vector<16xi32>
          %gather3A_392 = tpu.vector_load_idx %arg7[%add3A_391] : memref<840xf32, #tpu.memory_space<vmem>>[vector<16xi32>], vector<16xf32>,
          %slice3A_393 = vector.extract_strided_slice %masked_cumsum3A {offsets = [15], sizes = [1], strides = [1]} : vector<16xf32> to vector<1xf32>
          %squeeze3A_394 = vector.extract %slice3A_393[0] : f32 from vector<1xf32>
          %add3A_395 = arith.addf %while3A_345, %squeeze3A_394 : f32
          %add3A_396 = arith.addf %while3A_346, %sub3A_379 : vector<16xf32>
          %mul3A_397 = arith.mulf %sub3A_379, %gather3A : vector<16xf32>
          %add3A_398 = arith.addf %while3A_347, %mul3A_397 : vector<16xf32>
          %mul3A_399 = arith.mulf %sub3A_379, %gather3A_388 : vector<16xf32>
          %add3A_400 = arith.addf %while3A_348, %mul3A_399 : vector<16xf32>
          %mul3A_401 = arith.mulf %sub3A_379, %gather3A_392 : vector<16xf32>
          %add3A_402 = arith.addf %while3A_349, %mul3A_401 : vector<16xf32>
          scf.yield %add3A_395, %add3A_396, %add3A_398, %add3A_400, %add3A_402 : f32, vector<16xf32>, vector<16xf32>, vector<16xf32>, vector<16xf32>
        }
        scf.yield %while3A_343#0, %while3A_343#1, %while3A_343#2, %while3A_343#3, %while3A_343#4 : f32, vector<16xf32>, vector<16xf32>, vector<16xf32>, vector<16xf32>
      }
      %while3A_128 = arith.constant 1 : i32
      %while3A_129:5 = scf.for %while3A_300 = %while3A_125 to %while3A_121 step %while3A_128 iter_args(%while3A_301 = %while3A_127#0, %while3A_302 = %while3A_127#1, %while3A_303 = %while3A_127#2, %while3A_304 = %while3A_127#3, %while3A_305 = %while3A_127#4) -> (f32, vector<16xf32>, vector<16xf32>, vector<16xf32>, vector<16xf32>)  : i32 {
        %add3A_306 = arith.constant 1 : i32
        %add3A_307 = arith.addi %while3A_300, %add3A_306 : i32
        %mul3A_308 = arith.constant 256 : i32
        %mul3A_309 = arith.muli %add3A_307, %mul3A_308 : i32
        %add3A_310 = arith.addi %squeeze3A_89, %mul3A_309 : i32
        %and3A_311 = arith.constant -8 : i32
        %and3A_312 = arith.andi %add3A_310, %and3A_311 : i32
        %multiple_of3A_313 = tpu.assume_multiple %and3A_312, 8 : i32
        %add3A_314 = arith.constant 0 : i32
        %add3A_315 = arith.addi %add3A_314, %multiple_of3A_313 : i32
        "tpu.region"() ({
          %run_scoped3A = tpu.sem_alloc : memref<!tpu.dma_semaphore, #tpu.memory_space<semaphore_mem>>
          %dma_start3A_344 = tpu.memref_slice %arg2[%add3A_315] : memref<1317400xf32, #tpu.memory_space<hbm>> -> memref<280xf32, #tpu.memory_space<hbm>>
          %dma_start3A_345 = tpu.memref_slice %arg2[%add3A_315] : memref<1317400xf32, #tpu.memory_space<hbm>> -> memref<280xf32, #tpu.memory_space<hbm>>
          tpu.enqueue_dma source(%dma_start3A_345 : memref<280xf32, #tpu.memory_space<hbm>>) target(%arg5 : memref<280xf32, #tpu.memory_space<vmem>>) target_semaphore(%run_scoped3A : memref<!tpu.dma_semaphore, #tpu.memory_space<semaphore_mem>>)
          %dma_wait3A_346 = tpu.memref_slice %arg2[%add3A_315] : memref<1317400xf32, #tpu.memory_space<hbm>> -> memref<280xf32, #tpu.memory_space<hbm>>
          %dma_wait3A_347 = tpu.memref_slice %arg2[%add3A_315] : memref<1317400xf32, #tpu.memory_space<hbm>> -> memref<280xf32, #tpu.memory_space<hbm>>
          tpu.wait_dma2 semaphore(%run_scoped3A : memref<!tpu.dma_semaphore, #tpu.memory_space<semaphore_mem>>) src(%dma_wait3A_347 : memref<280xf32, #tpu.memory_space<hbm>>) dst(%arg5 : memref<280xf32, #tpu.memory_space<vmem>>)
          tpu.yield
        }) : () -> ()
        %add3A_316 = arith.constant 262656 : i32
        %add3A_317 = arith.addi %add3A_316, %multiple_of3A_313 : i32
        "tpu.region"() ({
          %run_scoped3A = tpu.sem_alloc : memref<!tpu.dma_semaphore, #tpu.memory_space<semaphore_mem>>
          %dma_start3A_344 = tpu.memref_slice %arg2[%add3A_317] : memref<1317400xf32, #tpu.memory_space<hbm>> -> memref<280xf32, #tpu.memory_space<hbm>>
          %dma_start3A_345 = tpu.memref_slice %arg2[%add3A_317] : memref<1317400xf32, #tpu.memory_space<hbm>> -> memref<280xf32, #tpu.memory_space<hbm>>
          tpu.enqueue_dma source(%dma_start3A_345 : memref<280xf32, #tpu.memory_space<hbm>>) target(%arg6 : memref<280xf32, #tpu.memory_space<vmem>>) target_semaphore(%run_scoped3A : memref<!tpu.dma_semaphore, #tpu.memory_space<semaphore_mem>>)
          %dma_wait3A_346 = tpu.memref_slice %arg2[%add3A_317] : memref<1317400xf32, #tpu.memory_space<hbm>> -> memref<280xf32, #tpu.memory_space<hbm>>
          %dma_wait3A_347 = tpu.memref_slice %arg2[%add3A_317] : memref<1317400xf32, #tpu.memory_space<hbm>> -> memref<280xf32, #tpu.memory_space<hbm>>
          tpu.wait_dma2 semaphore(%run_scoped3A : memref<!tpu.dma_semaphore, #tpu.memory_space<semaphore_mem>>) src(%dma_wait3A_347 : memref<280xf32, #tpu.memory_space<hbm>>) dst(%arg6 : memref<280xf32, #tpu.memory_space<vmem>>)
          tpu.yield
        }) : () -> ()
        %mul3A_318 = arith.constant 3 : i32
        %mul3A_319 = arith.muli %multiple_of3A_313, %mul3A_318 : i32
        %add3A_320 = arith.constant 525312 : i32
        %add3A_321 = arith.addi %add3A_320, %mul3A_319 : i32
        %multiple_of3A_322 = tpu.assume_multiple %add3A_321, 8 : i32
        "tpu.region"() ({
          %run_scoped3A = tpu.sem_alloc : memref<!tpu.dma_semaphore, #tpu.memory_space<semaphore_mem>>
          %dma_start3A_344 = tpu.memref_slice %arg2[%multiple_of3A_322] : memref<1317400xf32, #tpu.memory_space<hbm>> -> memref<840xf32, #tpu.memory_space<hbm>>
          %dma_start3A_345 = tpu.memref_slice %arg2[%multiple_of3A_322] : memref<1317400xf32, #tpu.memory_space<hbm>> -> memref<840xf32, #tpu.memory_space<hbm>>
          tpu.enqueue_dma source(%dma_start3A_345 : memref<840xf32, #tpu.memory_space<hbm>>) target(%arg7 : memref<840xf32, #tpu.memory_space<vmem>>) target_semaphore(%run_scoped3A : memref<!tpu.dma_semaphore, #tpu.memory_space<semaphore_mem>>)
          %dma_wait3A_346 = tpu.memref_slice %arg2[%multiple_of3A_322] : memref<1317400xf32, #tpu.memory_space<hbm>> -> memref<840xf32, #tpu.memory_space<hbm>>
          %dma_wait3A_347 = tpu.memref_slice %arg2[%multiple_of3A_322] : memref<1317400xf32, #tpu.memory_space<hbm>> -> memref<840xf32, #tpu.memory_space<hbm>>
          tpu.wait_dma2 semaphore(%run_scoped3A : memref<!tpu.dma_semaphore, #tpu.memory_space<semaphore_mem>>) src(%dma_wait3A_347 : memref<840xf32, #tpu.memory_space<hbm>>) dst(%arg7 : memref<840xf32, #tpu.memory_space<vmem>>)
          tpu.yield
        }) : () -> ()
        %sub3A_323 = arith.subi %squeeze3A_91, %add3A_310 : i32
        %min3A_324 = arith.constant 256 : i32
        %min3A_325 = arith.minsi %sub3A_323, %min3A_324 : i32
        %and3A_326 = arith.constant -8 : i32
        %and3A_327 = arith.andi %add3A_310, %and3A_326 : i32
        %sub3A_328 = arith.subi %add3A_310, %and3A_327 : i32
        %add3A_329 = arith.constant 15 : i32
        %add3A_330 = arith.addi %min3A_325, %add3A_329 : i32
        %shift_right_arithmetic3A_331 = arith.constant 4 : i32
        %shift_right_arithmetic3A_332 = arith.shrsi %add3A_330, %shift_right_arithmetic3A_331 : i32
        %while3A_333 = arith.constant 0 : i32
        %while3A_334 = arith.subi %shift_right_arithmetic3A_332, %while3A_333 : i32
        %while3A_335 = arith.addi %while3A_333, %while3A_334 : i32
        %while3A_336 = arith.constant 1 : i32
        %while3A_337 = arith.divsi %while3A_334, %while3A_336 : i32
        %while3A_338 = arith.muli %while3A_337, %while3A_336 : i32
        %while3A_339 = arith.addi %while3A_333, %while3A_338 : i32
        %while3A_340 = arith.constant 1 : i32
        %while3A_341:5 = scf.for %while3A_344 = %while3A_333 to %while3A_339 step %while3A_340 iter_args(%while3A_345 = %while3A_301, %while3A_346 = %while3A_302, %while3A_347 = %while3A_303, %while3A_348 = %while3A_304, %while3A_349 = %while3A_305) -> (f32, vector<16xf32>, vector<16xf32>, vector<16xf32>, vector<16xf32>)  : i32 {
          %mul3A_350 = arith.constant 16 : i32
          %mul3A_351 = arith.muli %while3A_344, %mul3A_350 : i32
          %add3A_352 = arith.addi %sub3A_328, %mul3A_351 : i32
          %get3A_353 = arith.index_cast %add3A_352 : i32 to index
          %get3A_354 = tpu.vector_load %arg5[%get3A_353] {strides = array<i32>} : memref<280xf32, #tpu.memory_space<vmem>>, vector<16xf32>,
          %get3A_355 = arith.index_cast %add3A_352 : i32 to index
          %get3A_356 = tpu.vector_load %arg6[%get3A_355] {strides = array<i32>} : memref<280xf32, #tpu.memory_space<vmem>>, vector<16xf32>,
          %mul3A_357 = arith.constant 16 : i32
          %mul3A_358 = arith.muli %while3A_344, %mul3A_357 : i32
          %add3A_359 = vector.broadcast %mul3A_358 : i32 to vector<16xi32>
          %add3A_360 = arith.addi %add3A_359, %iota3A : vector<16xi32>
          %lt3A = vector.broadcast %min3A_325 : i32 to vector<16xi32>
          %lt3A_361 = arith.cmpi slt, %add3A_360, %lt3A : vector<16xi32>
          %max3A_362 = arith.constant 0.000000e+00 : f32
          %max3A_363 = vector.broadcast %max3A_362 : f32 to vector<16xf32>
          %max3A_364 = arith.maximumf %get3A_354, %max3A_363 : vector<16xf32>
          %neg3A = arith.constant 0.000000e+00 : f32
          %neg3A_365 = vector.broadcast %neg3A : f32 to vector<16xf32>
          %neg3A_366 = arith.subf %neg3A_365, %max3A_364 : vector<16xf32>
          %mul3A_367 = arith.mulf %neg3A_366, %get3A_356 : vector<16xf32>
          %jit3A_368 = arith.constant 0.000000e+00 : f32
          %broadcast_in_dim3A_369 = vector.broadcast %jit3A_368 : f32 to vector<16xf32>
          %select_n3A_370 = arith.select %lt3A_361, %mul3A_367, %broadcast_in_dim3A_369 : vector<16xi1>, vector<16xf32>
          %broadcast_in_dim3A_371 = arith.constant true
          %broadcast_in_dim3A_372 = vector.broadcast %broadcast_in_dim3A_371 : i1 to vector<16xi1>
          %masked_cumsum3A = tpu.scan <sum>, %select_n3A_370 masked %broadcast_in_dim3A_372 : vector<16xf32>, vector<16xi1> -> vector<16xf32>
          %sub3A_373 = arith.subf %masked_cumsum3A, %select_n3A_370 : vector<16xf32>
          %add3A_374 = vector.broadcast %while3A_345 : f32 to vector<16xf32>
          %add3A_375 = arith.addf %add3A_374, %sub3A_373 : vector<16xf32>
          %exp3A = math.exp %add3A_375 : vector<16xf32>
          %add3A_376 = vector.broadcast %while3A_345 : f32 to vector<16xf32>
          %add3A_377 = arith.addf %add3A_376, %masked_cumsum3A : vector<16xf32>
          %exp3A_378 = math.exp %add3A_377 : vector<16xf32>
          %sub3A_379 = arith.subf %exp3A, %exp3A_378 : vector<16xf32>
          %add3A_380 = vector.broadcast %add3A_352 : i32 to vector<16xi32>
          %add3A_381 = arith.addi %add3A_380, %iota3A : vector<16xi32>
          %mul3A_382 = arith.constant 3 : i32
          %mul3A_383 = vector.broadcast %mul3A_382 : i32 to vector<16xi32>
          %mul3A_384 = arith.muli %add3A_381, %mul3A_383 : vector<16xi32>
          %gather3A = tpu.vector_load_idx %arg7[%mul3A_384] : memref<840xf32, #tpu.memory_space<vmem>>[vector<16xi32>], vector<16xf32>,
          %add3A_385 = arith.constant 1 : i32
          %add3A_386 = vector.broadcast %add3A_385 : i32 to vector<16xi32>
          %add3A_387 = arith.addi %mul3A_384, %add3A_386 : vector<16xi32>
          %gather3A_388 = tpu.vector_load_idx %arg7[%add3A_387] : memref<840xf32, #tpu.memory_space<vmem>>[vector<16xi32>], vector<16xf32>,
          %add3A_389 = arith.constant 2 : i32
          %add3A_390 = vector.broadcast %add3A_389 : i32 to vector<16xi32>
          %add3A_391 = arith.addi %mul3A_384, %add3A_390 : vector<16xi32>
          %gather3A_392 = tpu.vector_load_idx %arg7[%add3A_391] : memref<840xf32, #tpu.memory_space<vmem>>[vector<16xi32>], vector<16xf32>,
          %slice3A_393 = vector.extract_strided_slice %masked_cumsum3A {offsets = [15], sizes = [1], strides = [1]} : vector<16xf32> to vector<1xf32>
          %squeeze3A_394 = vector.extract %slice3A_393[0] : f32 from vector<1xf32>
          %add3A_395 = arith.addf %while3A_345, %squeeze3A_394 : f32
          %add3A_396 = arith.addf %while3A_346, %sub3A_379 : vector<16xf32>
          %mul3A_397 = arith.mulf %sub3A_379, %gather3A : vector<16xf32>
          %add3A_398 = arith.addf %while3A_347, %mul3A_397 : vector<16xf32>
          %mul3A_399 = arith.mulf %sub3A_379, %gather3A_388 : vector<16xf32>
          %add3A_400 = arith.addf %while3A_348, %mul3A_399 : vector<16xf32>
          %mul3A_401 = arith.mulf %sub3A_379, %gather3A_392 : vector<16xf32>
          %add3A_402 = arith.addf %while3A_349, %mul3A_401 : vector<16xf32>
          scf.yield %add3A_395, %add3A_396, %add3A_398, %add3A_400, %add3A_402 : f32, vector<16xf32>, vector<16xf32>, vector<16xf32>, vector<16xf32>
        }
        %while3A_342 = arith.constant 1 : i32
        %while3A_343:5 = scf.for %while3A_344 = %while3A_339 to %while3A_335 step %while3A_342 iter_args(%while3A_345 = %while3A_341#0, %while3A_346 = %while3A_341#1, %while3A_347 = %while3A_341#2, %while3A_348 = %while3A_341#3, %while3A_349 = %while3A_341#4) -> (f32, vector<16xf32>, vector<16xf32>, vector<16xf32>, vector<16xf32>)  : i32 {
          %mul3A_350 = arith.constant 16 : i32
          %mul3A_351 = arith.muli %while3A_344, %mul3A_350 : i32
          %add3A_352 = arith.addi %sub3A_328, %mul3A_351 : i32
          %get3A_353 = arith.index_cast %add3A_352 : i32 to index
          %get3A_354 = tpu.vector_load %arg5[%get3A_353] {strides = array<i32>} : memref<280xf32, #tpu.memory_space<vmem>>, vector<16xf32>,
          %get3A_355 = arith.index_cast %add3A_352 : i32 to index
          %get3A_356 = tpu.vector_load %arg6[%get3A_355] {strides = array<i32>} : memref<280xf32, #tpu.memory_space<vmem>>, vector<16xf32>,
          %mul3A_357 = arith.constant 16 : i32
          %mul3A_358 = arith.muli %while3A_344, %mul3A_357 : i32
          %add3A_359 = vector.broadcast %mul3A_358 : i32 to vector<16xi32>
          %add3A_360 = arith.addi %add3A_359, %iota3A : vector<16xi32>
          %lt3A = vector.broadcast %min3A_325 : i32 to vector<16xi32>
          %lt3A_361 = arith.cmpi slt, %add3A_360, %lt3A : vector<16xi32>
          %max3A_362 = arith.constant 0.000000e+00 : f32
          %max3A_363 = vector.broadcast %max3A_362 : f32 to vector<16xf32>
          %max3A_364 = arith.maximumf %get3A_354, %max3A_363 : vector<16xf32>
          %neg3A = arith.constant 0.000000e+00 : f32
          %neg3A_365 = vector.broadcast %neg3A : f32 to vector<16xf32>
          %neg3A_366 = arith.subf %neg3A_365, %max3A_364 : vector<16xf32>
          %mul3A_367 = arith.mulf %neg3A_366, %get3A_356 : vector<16xf32>
          %jit3A_368 = arith.constant 0.000000e+00 : f32
          %broadcast_in_dim3A_369 = vector.broadcast %jit3A_368 : f32 to vector<16xf32>
          %select_n3A_370 = arith.select %lt3A_361, %mul3A_367, %broadcast_in_dim3A_369 : vector<16xi1>, vector<16xf32>
          %broadcast_in_dim3A_371 = arith.constant true
          %broadcast_in_dim3A_372 = vector.broadcast %broadcast_in_dim3A_371 : i1 to vector<16xi1>
          %masked_cumsum3A = tpu.scan <sum>, %select_n3A_370 masked %broadcast_in_dim3A_372 : vector<16xf32>, vector<16xi1> -> vector<16xf32>
          %sub3A_373 = arith.subf %masked_cumsum3A, %select_n3A_370 : vector<16xf32>
          %add3A_374 = vector.broadcast %while3A_345 : f32 to vector<16xf32>
          %add3A_375 = arith.addf %add3A_374, %sub3A_373 : vector<16xf32>
          %exp3A = math.exp %add3A_375 : vector<16xf32>
          %add3A_376 = vector.broadcast %while3A_345 : f32 to vector<16xf32>
          %add3A_377 = arith.addf %add3A_376, %masked_cumsum3A : vector<16xf32>
          %exp3A_378 = math.exp %add3A_377 : vector<16xf32>
          %sub3A_379 = arith.subf %exp3A, %exp3A_378 : vector<16xf32>
          %add3A_380 = vector.broadcast %add3A_352 : i32 to vector<16xi32>
          %add3A_381 = arith.addi %add3A_380, %iota3A : vector<16xi32>
          %mul3A_382 = arith.constant 3 : i32
          %mul3A_383 = vector.broadcast %mul3A_382 : i32 to vector<16xi32>
          %mul3A_384 = arith.muli %add3A_381, %mul3A_383 : vector<16xi32>
          %gather3A = tpu.vector_load_idx %arg7[%mul3A_384] : memref<840xf32, #tpu.memory_space<vmem>>[vector<16xi32>], vector<16xf32>,
          %add3A_385 = arith.constant 1 : i32
          %add3A_386 = vector.broadcast %add3A_385 : i32 to vector<16xi32>
          %add3A_387 = arith.addi %mul3A_384, %add3A_386 : vector<16xi32>
          %gather3A_388 = tpu.vector_load_idx %arg7[%add3A_387] : memref<840xf32, #tpu.memory_space<vmem>>[vector<16xi32>], vector<16xf32>,
          %add3A_389 = arith.constant 2 : i32
          %add3A_390 = vector.broadcast %add3A_389 : i32 to vector<16xi32>
          %add3A_391 = arith.addi %mul3A_384, %add3A_390 : vector<16xi32>
          %gather3A_392 = tpu.vector_load_idx %arg7[%add3A_391] : memref<840xf32, #tpu.memory_space<vmem>>[vector<16xi32>], vector<16xf32>,
          %slice3A_393 = vector.extract_strided_slice %masked_cumsum3A {offsets = [15], sizes = [1], strides = [1]} : vector<16xf32> to vector<1xf32>
          %squeeze3A_394 = vector.extract %slice3A_393[0] : f32 from vector<1xf32>
          %add3A_395 = arith.addf %while3A_345, %squeeze3A_394 : f32
          %add3A_396 = arith.addf %while3A_346, %sub3A_379 : vector<16xf32>
          %mul3A_397 = arith.mulf %sub3A_379, %gather3A : vector<16xf32>
          %add3A_398 = arith.addf %while3A_347, %mul3A_397 : vector<16xf32>
          %mul3A_399 = arith.mulf %sub3A_379, %gather3A_388 : vector<16xf32>
          %add3A_400 = arith.addf %while3A_348, %mul3A_399 : vector<16xf32>
          %mul3A_401 = arith.mulf %sub3A_379, %gather3A_392 : vector<16xf32>
          %add3A_402 = arith.addf %while3A_349, %mul3A_401 : vector<16xf32>
          scf.yield %add3A_395, %add3A_396, %add3A_398, %add3A_400, %add3A_402 : f32, vector<16xf32>, vector<16xf32>, vector<16xf32>, vector<16xf32>
        }
        scf.yield %while3A_343#0, %while3A_343#1, %while3A_343#2, %while3A_343#3, %while3A_343#4 : f32, vector<16xf32>, vector<16xf32>, vector<16xf32>, vector<16xf32>
      }
      %reduce_sum3A = arith.constant true
      %reduce_sum3A_130 = vector.broadcast %reduce_sum3A : i1 to vector<16xi1>
      %reduce_sum3A_131 = tpu.scan <sum>, %while3A_129#2 masked %reduce_sum3A_130 : vector<16xf32>, vector<16xi1> -> vector<16xf32>
      %reduce_sum3A_132 = vector.extract %reduce_sum3A_131[15] : f32 from vector<16xf32>
      %reduce_sum3A_133 = arith.constant true
      %reduce_sum3A_134 = vector.broadcast %reduce_sum3A_133 : i1 to vector<16xi1>
      %reduce_sum3A_135 = tpu.scan <sum>, %while3A_129#3 masked %reduce_sum3A_134 : vector<16xf32>, vector<16xi1> -> vector<16xf32>
      %reduce_sum3A_136 = vector.extract %reduce_sum3A_135[15] : f32 from vector<16xf32>
      %reduce_sum3A_137 = arith.constant true
      %reduce_sum3A_138 = vector.broadcast %reduce_sum3A_137 : i1 to vector<16xi1>
      %reduce_sum3A_139 = tpu.scan <sum>, %while3A_129#4 masked %reduce_sum3A_138 : vector<16xf32>, vector<16xi1> -> vector<16xf32>
      %reduce_sum3A_140 = vector.extract %reduce_sum3A_139[15] : f32 from vector<16xf32>
      %reduce_sum3A_141 = arith.constant true
      %reduce_sum3A_142 = vector.broadcast %reduce_sum3A_141 : i1 to vector<16xi1>
      %reduce_sum3A_143 = tpu.scan <sum>, %while3A_129#1 masked %reduce_sum3A_142 : vector<16xf32>, vector<16xi1> -> vector<16xf32>
      %reduce_sum3A_144 = vector.extract %reduce_sum3A_143[15] : f32 from vector<16xf32>
      %eq3A = arith.constant 0 : i32
      %eq3A_145 = vector.broadcast %eq3A : i32 to vector<16xi32>
      %eq3A_146 = arith.cmpi eq, %iota3A, %eq3A_145 : vector<16xi32>
      %eq3A_147 = arith.constant 1 : i32
      %eq3A_148 = vector.broadcast %eq3A_147 : i32 to vector<16xi32>
      %eq3A_149 = arith.cmpi eq, %iota3A, %eq3A_148 : vector<16xi32>
      %eq3A_150 = arith.constant 2 : i32
      %eq3A_151 = vector.broadcast %eq3A_150 : i32 to vector<16xi32>
      %eq3A_152 = arith.cmpi eq, %iota3A, %eq3A_151 : vector<16xi32>
      %eq3A_153 = arith.constant 3 : i32
      %eq3A_154 = vector.broadcast %eq3A_153 : i32 to vector<16xi32>
      %eq3A_155 = arith.cmpi eq, %iota3A, %eq3A_154 : vector<16xi32>
      %jit3A = arith.constant 0.000000e+00 : f32
      %broadcast_in_dim3A_156 = vector.broadcast %reduce_sum3A_144 : f32 to vector<16xf32>
      %broadcast_in_dim3A_157 = vector.broadcast %jit3A : f32 to vector<16xf32>
      %select_n3A = arith.select %eq3A_155, %broadcast_in_dim3A_156, %broadcast_in_dim3A_157 : vector<16xi1>, vector<16xf32>
      %broadcast_in_dim3A_158 = vector.broadcast %reduce_sum3A_140 : f32 to vector<16xf32>
      %select_n3A_159 = arith.select %eq3A_152, %broadcast_in_dim3A_158, %select_n3A : vector<16xi1>, vector<16xf32>
      %broadcast_in_dim3A_160 = vector.broadcast %reduce_sum3A_136 : f32 to vector<16xf32>
      %select_n3A_161 = arith.select %eq3A_149, %broadcast_in_dim3A_160, %select_n3A_159 : vector<16xi1>, vector<16xf32>
      %broadcast_in_dim3A_162 = vector.broadcast %reduce_sum3A_132 : f32 to vector<16xf32>
      %select_n3A_163 = arith.select %eq3A_146, %broadcast_in_dim3A_162, %select_n3A_161 : vector<16xi1>, vector<16xf32>
      %mul3A_164 = arith.constant 16 : i32
      %mul3A_165 = arith.muli %mul3A_164, %mul3A_47 : i32
      %swap3A = arith.index_cast %mul3A_165 : i32 to index
      %swap3A_166 = tpu.vector_load %arg11[%swap3A] {strides = array<i32>} : memref<2048xf32, #tpu.memory_space<vmem>>, vector<16xf32>,
      tpu.vector_store %arg11[%swap3A], %select_n3A_163 {strides = array<i32>} : memref<2048xf32, #tpu.memory_space<vmem>>, vector<16xf32>,
      %add3A_167 = arith.constant 2 : i32
      %add3A_168 = arith.addi %mul3A_47, %add3A_167 : i32
      %get3A_169 = arith.index_cast %add3A_168 : i32 to index
      %get3A_170 = tpu.vector_load %arg4[%get3A_169] {strides = array<i32>} : memref<152xf32, #tpu.memory_space<vmem>>, vector<16xf32>,
      %bitcast3A_171 = vector.bitcast %get3A_170 : vector<16xf32> to vector<16xi32>
      %slice3A_172 = vector.extract_strided_slice %bitcast3A_171 {offsets = [0], sizes = [1], strides = [1]} : vector<16xi32> to vector<1xi32>
      %squeeze3A_173 = vector.extract %slice3A_172[0] : i32 from vector<1xi32>
      %and3A_174 = arith.constant -8 : i32
      %and3A_175 = arith.andi %squeeze3A_173, %and3A_174 : i32
      %multiple_of3A_176 = tpu.assume_multiple %and3A_175, 8 : i32
      %add3A_177 = arith.constant 0 : i32
      %add3A_178 = arith.addi %add3A_177, %multiple_of3A_176 : i32
      %dma_start3A_179 = tpu.memref_slice %arg2[%add3A_178] : memref<1317400xf32, #tpu.memory_space<hbm>> -> memref<280xf32, #tpu.memory_space<hbm>>
      %dma_start3A_180 = tpu.memref_slice %arg2[%add3A_178] : memref<1317400xf32, #tpu.memory_space<hbm>> -> memref<280xf32, #tpu.memory_space<hbm>>
      tpu.enqueue_dma source(%dma_start3A_180 : memref<280xf32, #tpu.memory_space<hbm>>) target(%arg5 : memref<280xf32, #tpu.memory_space<vmem>>) target_semaphore(%arg12 : memref<!tpu.dma_semaphore, #tpu.memory_space<semaphore_mem>>)
      %add3A_181 = arith.constant 262656 : i32
      %add3A_182 = arith.addi %add3A_181, %multiple_of3A_176 : i32
      %dma_start3A_183 = tpu.memref_slice %arg2[%add3A_182] : memref<1317400xf32, #tpu.memory_space<hbm>> -> memref<280xf32, #tpu.memory_space<hbm>>
      %dma_start3A_184 = tpu.memref_slice %arg2[%add3A_182] : memref<1317400xf32, #tpu.memory_space<hbm>> -> memref<280xf32, #tpu.memory_space<hbm>>
      tpu.enqueue_dma source(%dma_start3A_184 : memref<280xf32, #tpu.memory_space<hbm>>) target(%arg6 : memref<280xf32, #tpu.memory_space<vmem>>) target_semaphore(%arg13 : memref<!tpu.dma_semaphore, #tpu.memory_space<semaphore_mem>>)
      %mul3A_185 = arith.constant 3 : i32
      %mul3A_186 = arith.muli %multiple_of3A_176, %mul3A_185 : i32
      %add3A_187 = arith.constant 525312 : i32
      %add3A_188 = arith.addi %add3A_187, %mul3A_186 : i32
      %multiple_of3A_189 = tpu.assume_multiple %add3A_188, 8 : i32
      %dma_start3A_190 = tpu.memref_slice %arg2[%multiple_of3A_189] : memref<1317400xf32, #tpu.memory_space<hbm>> -> memref<840xf32, #tpu.memory_space<hbm>>
      %dma_start3A_191 = tpu.memref_slice %arg2[%multiple_of3A_189] : memref<1317400xf32, #tpu.memory_space<hbm>> -> memref<840xf32, #tpu.memory_space<hbm>>
      tpu.enqueue_dma source(%dma_start3A_191 : memref<840xf32, #tpu.memory_space<hbm>>) target(%arg7 : memref<840xf32, #tpu.memory_space<vmem>>) target_semaphore(%arg14 : memref<!tpu.dma_semaphore, #tpu.memory_space<semaphore_mem>>)
      %dma_wait3A_192 = arith.constant 0 : i32
      %dma_wait3A_193 = tpu.memref_slice %arg2[%dma_wait3A_192] : memref<1317400xf32, #tpu.memory_space<hbm>> -> memref<280xf32, #tpu.memory_space<hbm>>
      %dma_wait3A_194 = arith.constant 0 : i32
      %dma_wait3A_195 = tpu.memref_slice %arg2[%dma_wait3A_194] : memref<1317400xf32, #tpu.memory_space<hbm>> -> memref<280xf32, #tpu.memory_space<hbm>>
      tpu.wait_dma2 semaphore(%arg15 : memref<!tpu.dma_semaphore, #tpu.memory_space<semaphore_mem>>) src(%dma_wait3A_195 : memref<280xf32, #tpu.memory_space<hbm>>) dst(%arg8 : memref<280xf32, #tpu.memory_space<vmem>>)
      %dma_wait3A_196 = arith.constant 0 : i32
      %dma_wait3A_197 = tpu.memref_slice %arg2[%dma_wait3A_196] : memref<1317400xf32, #tpu.memory_space<hbm>> -> memref<280xf32, #tpu.memory_space<hbm>>
      %dma_wait3A_198 = arith.constant 0 : i32
      %dma_wait3A_199 = tpu.memref_slice %arg2[%dma_wait3A_198] : memref<1317400xf32, #tpu.memory_space<hbm>> -> memref<280xf32, #tpu.memory_space<hbm>>
      tpu.wait_dma2 semaphore(%arg16 : memref<!tpu.dma_semaphore, #tpu.memory_space<semaphore_mem>>) src(%dma_wait3A_199 : memref<280xf32, #tpu.memory_space<hbm>>) dst(%arg9 : memref<280xf32, #tpu.memory_space<vmem>>)
      %dma_wait3A_200 = arith.constant 0 : i32
      %dma_wait3A_201 = tpu.memref_slice %arg2[%dma_wait3A_200] : memref<1317400xf32, #tpu.memory_space<hbm>> -> memref<840xf32, #tpu.memory_space<hbm>>
      %dma_wait3A_202 = arith.constant 0 : i32
      %dma_wait3A_203 = tpu.memref_slice %arg2[%dma_wait3A_202] : memref<1317400xf32, #tpu.memory_space<hbm>> -> memref<840xf32, #tpu.memory_space<hbm>>
      tpu.wait_dma2 semaphore(%arg17 : memref<!tpu.dma_semaphore, #tpu.memory_space<semaphore_mem>>) src(%dma_wait3A_203 : memref<840xf32, #tpu.memory_space<hbm>>) dst(%arg10 : memref<840xf32, #tpu.memory_space<vmem>>)
      %add3A_204 = arith.constant 1 : i32
      %add3A_205 = arith.addi %mul3A_47, %add3A_204 : i32
      %get3A_206 = arith.index_cast %add3A_205 : i32 to index
      %get3A_207 = tpu.vector_load %arg4[%get3A_206] {strides = array<i32>} : memref<152xf32, #tpu.memory_space<vmem>>, vector<16xf32>,
      %bitcast3A_208 = vector.bitcast %get3A_207 : vector<16xf32> to vector<16xi32>
      %slice3A_209 = vector.extract_strided_slice %bitcast3A_208 {offsets = [0], sizes = [1], strides = [1]} : vector<16xi32> to vector<1xi32>
      %squeeze3A_210 = vector.extract %slice3A_209[0] : i32 from vector<1xi32>
      %slice3A_211 = vector.extract_strided_slice %bitcast3A_208 {offsets = [1], sizes = [1], strides = [1]} : vector<16xi32> to vector<1xi32>
      %squeeze3A_212 = vector.extract %slice3A_211[0] : i32 from vector<1xi32>
      %broadcast_in_dim3A_213 = arith.constant 0.000000e+00 : f32
      %broadcast_in_dim3A_214 = vector.broadcast %broadcast_in_dim3A_213 : f32 to vector<16xf32>
      %sub3A_215 = arith.subi %squeeze3A_212, %squeeze3A_210 : i32
      %min3A_216 = arith.constant 256 : i32
      %min3A_217 = arith.minsi %sub3A_215, %min3A_216 : i32
      %and3A_218 = arith.constant -8 : i32
      %and3A_219 = arith.andi %squeeze3A_210, %and3A_218 : i32
      %sub3A_220 = arith.subi %squeeze3A_210, %and3A_219 : i32
      %add3A_221 = arith.constant 15 : i32
      %add3A_222 = arith.addi %min3A_217, %add3A_221 : i32
      %shift_right_arithmetic3A_223 = arith.constant 4 : i32
      %shift_right_arithmetic3A_224 = arith.shrsi %add3A_222, %shift_right_arithmetic3A_223 : i32
      %while3A_225 = arith.constant 0 : i32
      %while3A_226 = arith.constant 0.000000e+00 : f32
      %while3A_227 = arith.subi %shift_right_arithmetic3A_224, %while3A_225 : i32
      %while3A_228 = arith.addi %while3A_225, %while3A_227 : i32
      %while3A_229 = arith.constant 1 : i32
      %while3A_230 = arith.divsi %while3A_227, %while3A_229 : i32
      %while3A_231 = arith.muli %while3A_230, %while3A_229 : i32
      %while3A_232 = arith.addi %while3A_225, %while3A_231 : i32
      %while3A_233 = arith.constant 1 : i32
      %while3A_234:5 = scf.for %while3A_300 = %while3A_225 to %while3A_232 step %while3A_233 iter_args(%while3A_301 = %while3A_226, %while3A_302 = %broadcast_in_dim3A_214, %while3A_303 = %broadcast_in_dim3A_214, %while3A_304 = %broadcast_in_dim3A_214, %while3A_305 = %broadcast_in_dim3A_214) -> (f32, vector<16xf32>, vector<16xf32>, vector<16xf32>, vector<16xf32>)  : i32 {
        %mul3A_306 = arith.constant 16 : i32
        %mul3A_307 = arith.muli %while3A_300, %mul3A_306 : i32
        %add3A_308 = arith.addi %sub3A_220, %mul3A_307 : i32
        %get3A_309 = arith.index_cast %add3A_308 : i32 to index
        %get3A_310 = tpu.vector_load %arg8[%get3A_309] {strides = array<i32>} : memref<280xf32, #tpu.memory_space<vmem>>, vector<16xf32>,
        %get3A_311 = arith.index_cast %add3A_308 : i32 to index
        %get3A_312 = tpu.vector_load %arg9[%get3A_311] {strides = array<i32>} : memref<280xf32, #tpu.memory_space<vmem>>, vector<16xf32>,
        %mul3A_313 = arith.constant 16 : i32
        %mul3A_314 = arith.muli %while3A_300, %mul3A_313 : i32
        %add3A_315 = vector.broadcast %mul3A_314 : i32 to vector<16xi32>
        %add3A_316 = arith.addi %add3A_315, %iota3A : vector<16xi32>
        %lt3A = vector.broadcast %min3A_217 : i32 to vector<16xi32>
        %lt3A_317 = arith.cmpi slt, %add3A_316, %lt3A : vector<16xi32>
        %max3A_318 = arith.constant 0.000000e+00 : f32
        %max3A_319 = vector.broadcast %max3A_318 : f32 to vector<16xf32>
        %max3A_320 = arith.maximumf %get3A_310, %max3A_319 : vector<16xf32>
        %neg3A = arith.constant 0.000000e+00 : f32
        %neg3A_321 = vector.broadcast %neg3A : f32 to vector<16xf32>
        %neg3A_322 = arith.subf %neg3A_321, %max3A_320 : vector<16xf32>
        %mul3A_323 = arith.mulf %neg3A_322, %get3A_312 : vector<16xf32>
        %jit3A_324 = arith.constant 0.000000e+00 : f32
        %broadcast_in_dim3A_325 = vector.broadcast %jit3A_324 : f32 to vector<16xf32>
        %select_n3A_326 = arith.select %lt3A_317, %mul3A_323, %broadcast_in_dim3A_325 : vector<16xi1>, vector<16xf32>
        %broadcast_in_dim3A_327 = arith.constant true
        %broadcast_in_dim3A_328 = vector.broadcast %broadcast_in_dim3A_327 : i1 to vector<16xi1>
        %masked_cumsum3A = tpu.scan <sum>, %select_n3A_326 masked %broadcast_in_dim3A_328 : vector<16xf32>, vector<16xi1> -> vector<16xf32>
        %sub3A_329 = arith.subf %masked_cumsum3A, %select_n3A_326 : vector<16xf32>
        %add3A_330 = vector.broadcast %while3A_301 : f32 to vector<16xf32>
        %add3A_331 = arith.addf %add3A_330, %sub3A_329 : vector<16xf32>
        %exp3A = math.exp %add3A_331 : vector<16xf32>
        %add3A_332 = vector.broadcast %while3A_301 : f32 to vector<16xf32>
        %add3A_333 = arith.addf %add3A_332, %masked_cumsum3A : vector<16xf32>
        %exp3A_334 = math.exp %add3A_333 : vector<16xf32>
        %sub3A_335 = arith.subf %exp3A, %exp3A_334 : vector<16xf32>
        %add3A_336 = vector.broadcast %add3A_308 : i32 to vector<16xi32>
        %add3A_337 = arith.addi %add3A_336, %iota3A : vector<16xi32>
        %mul3A_338 = arith.constant 3 : i32
        %mul3A_339 = vector.broadcast %mul3A_338 : i32 to vector<16xi32>
        %mul3A_340 = arith.muli %add3A_337, %mul3A_339 : vector<16xi32>
        %gather3A = tpu.vector_load_idx %arg10[%mul3A_340] : memref<840xf32, #tpu.memory_space<vmem>>[vector<16xi32>], vector<16xf32>,
        %add3A_341 = arith.constant 1 : i32
        %add3A_342 = vector.broadcast %add3A_341 : i32 to vector<16xi32>
        %add3A_343 = arith.addi %mul3A_340, %add3A_342 : vector<16xi32>
        %gather3A_344 = tpu.vector_load_idx %arg10[%add3A_343] : memref<840xf32, #tpu.memory_space<vmem>>[vector<16xi32>], vector<16xf32>,
        %add3A_345 = arith.constant 2 : i32
        %add3A_346 = vector.broadcast %add3A_345 : i32 to vector<16xi32>
        %add3A_347 = arith.addi %mul3A_340, %add3A_346 : vector<16xi32>
        %gather3A_348 = tpu.vector_load_idx %arg10[%add3A_347] : memref<840xf32, #tpu.memory_space<vmem>>[vector<16xi32>], vector<16xf32>,
        %slice3A_349 = vector.extract_strided_slice %masked_cumsum3A {offsets = [15], sizes = [1], strides = [1]} : vector<16xf32> to vector<1xf32>
        %squeeze3A_350 = vector.extract %slice3A_349[0] : f32 from vector<1xf32>
        %add3A_351 = arith.addf %while3A_301, %squeeze3A_350 : f32
        %add3A_352 = arith.addf %while3A_302, %sub3A_335 : vector<16xf32>
        %mul3A_353 = arith.mulf %sub3A_335, %gather3A : vector<16xf32>
        %add3A_354 = arith.addf %while3A_303, %mul3A_353 : vector<16xf32>
        %mul3A_355 = arith.mulf %sub3A_335, %gather3A_344 : vector<16xf32>
        %add3A_356 = arith.addf %while3A_304, %mul3A_355 : vector<16xf32>
        %mul3A_357 = arith.mulf %sub3A_335, %gather3A_348 : vector<16xf32>
        %add3A_358 = arith.addf %while3A_305, %mul3A_357 : vector<16xf32>
        scf.yield %add3A_351, %add3A_352, %add3A_354, %add3A_356, %add3A_358 : f32, vector<16xf32>, vector<16xf32>, vector<16xf32>, vector<16xf32>
      }
      %while3A_235 = arith.constant 1 : i32
      %while3A_236:5 = scf.for %while3A_300 = %while3A_232 to %while3A_228 step %while3A_235 iter_args(%while3A_301 = %while3A_234#0, %while3A_302 = %while3A_234#1, %while3A_303 = %while3A_234#2, %while3A_304 = %while3A_234#3, %while3A_305 = %while3A_234#4) -> (f32, vector<16xf32>, vector<16xf32>, vector<16xf32>, vector<16xf32>)  : i32 {
        %mul3A_306 = arith.constant 16 : i32
        %mul3A_307 = arith.muli %while3A_300, %mul3A_306 : i32
        %add3A_308 = arith.addi %sub3A_220, %mul3A_307 : i32
        %get3A_309 = arith.index_cast %add3A_308 : i32 to index
        %get3A_310 = tpu.vector_load %arg8[%get3A_309] {strides = array<i32>} : memref<280xf32, #tpu.memory_space<vmem>>, vector<16xf32>,
        %get3A_311 = arith.index_cast %add3A_308 : i32 to index
        %get3A_312 = tpu.vector_load %arg9[%get3A_311] {strides = array<i32>} : memref<280xf32, #tpu.memory_space<vmem>>, vector<16xf32>,
        %mul3A_313 = arith.constant 16 : i32
        %mul3A_314 = arith.muli %while3A_300, %mul3A_313 : i32
        %add3A_315 = vector.broadcast %mul3A_314 : i32 to vector<16xi32>
        %add3A_316 = arith.addi %add3A_315, %iota3A : vector<16xi32>
        %lt3A = vector.broadcast %min3A_217 : i32 to vector<16xi32>
        %lt3A_317 = arith.cmpi slt, %add3A_316, %lt3A : vector<16xi32>
        %max3A_318 = arith.constant 0.000000e+00 : f32
        %max3A_319 = vector.broadcast %max3A_318 : f32 to vector<16xf32>
        %max3A_320 = arith.maximumf %get3A_310, %max3A_319 : vector<16xf32>
        %neg3A = arith.constant 0.000000e+00 : f32
        %neg3A_321 = vector.broadcast %neg3A : f32 to vector<16xf32>
        %neg3A_322 = arith.subf %neg3A_321, %max3A_320 : vector<16xf32>
        %mul3A_323 = arith.mulf %neg3A_322, %get3A_312 : vector<16xf32>
        %jit3A_324 = arith.constant 0.000000e+00 : f32
        %broadcast_in_dim3A_325 = vector.broadcast %jit3A_324 : f32 to vector<16xf32>
        %select_n3A_326 = arith.select %lt3A_317, %mul3A_323, %broadcast_in_dim3A_325 : vector<16xi1>, vector<16xf32>
        %broadcast_in_dim3A_327 = arith.constant true
        %broadcast_in_dim3A_328 = vector.broadcast %broadcast_in_dim3A_327 : i1 to vector<16xi1>
        %masked_cumsum3A = tpu.scan <sum>, %select_n3A_326 masked %broadcast_in_dim3A_328 : vector<16xf32>, vector<16xi1> -> vector<16xf32>
        %sub3A_329 = arith.subf %masked_cumsum3A, %select_n3A_326 : vector<16xf32>
        %add3A_330 = vector.broadcast %while3A_301 : f32 to vector<16xf32>
        %add3A_331 = arith.addf %add3A_330, %sub3A_329 : vector<16xf32>
        %exp3A = math.exp %add3A_331 : vector<16xf32>
        %add3A_332 = vector.broadcast %while3A_301 : f32 to vector<16xf32>
        %add3A_333 = arith.addf %add3A_332, %masked_cumsum3A : vector<16xf32>
        %exp3A_334 = math.exp %add3A_333 : vector<16xf32>
        %sub3A_335 = arith.subf %exp3A, %exp3A_334 : vector<16xf32>
        %add3A_336 = vector.broadcast %add3A_308 : i32 to vector<16xi32>
        %add3A_337 = arith.addi %add3A_336, %iota3A : vector<16xi32>
        %mul3A_338 = arith.constant 3 : i32
        %mul3A_339 = vector.broadcast %mul3A_338 : i32 to vector<16xi32>
        %mul3A_340 = arith.muli %add3A_337, %mul3A_339 : vector<16xi32>
        %gather3A = tpu.vector_load_idx %arg10[%mul3A_340] : memref<840xf32, #tpu.memory_space<vmem>>[vector<16xi32>], vector<16xf32>,
        %add3A_341 = arith.constant 1 : i32
        %add3A_342 = vector.broadcast %add3A_341 : i32 to vector<16xi32>
        %add3A_343 = arith.addi %mul3A_340, %add3A_342 : vector<16xi32>
        %gather3A_344 = tpu.vector_load_idx %arg10[%add3A_343] : memref<840xf32, #tpu.memory_space<vmem>>[vector<16xi32>], vector<16xf32>,
        %add3A_345 = arith.constant 2 : i32
        %add3A_346 = vector.broadcast %add3A_345 : i32 to vector<16xi32>
        %add3A_347 = arith.addi %mul3A_340, %add3A_346 : vector<16xi32>
        %gather3A_348 = tpu.vector_load_idx %arg10[%add3A_347] : memref<840xf32, #tpu.memory_space<vmem>>[vector<16xi32>], vector<16xf32>,
        %slice3A_349 = vector.extract_strided_slice %masked_cumsum3A {offsets = [15], sizes = [1], strides = [1]} : vector<16xf32> to vector<1xf32>
        %squeeze3A_350 = vector.extract %slice3A_349[0] : f32 from vector<1xf32>
        %add3A_351 = arith.addf %while3A_301, %squeeze3A_350 : f32
        %add3A_352 = arith.addf %while3A_302, %sub3A_335 : vector<16xf32>
        %mul3A_353 = arith.mulf %sub3A_335, %gather3A : vector<16xf32>
        %add3A_354 = arith.addf %while3A_303, %mul3A_353 : vector<16xf32>
        %mul3A_355 = arith.mulf %sub3A_335, %gather3A_344 : vector<16xf32>
        %add3A_356 = arith.addf %while3A_304, %mul3A_355 : vector<16xf32>
        %mul3A_357 = arith.mulf %sub3A_335, %gather3A_348 : vector<16xf32>
        %add3A_358 = arith.addf %while3A_305, %mul3A_357 : vector<16xf32>
        scf.yield %add3A_351, %add3A_352, %add3A_354, %add3A_356, %add3A_358 : f32, vector<16xf32>, vector<16xf32>, vector<16xf32>, vector<16xf32>
      }
      %sub3A_237 = arith.subi %squeeze3A_212, %squeeze3A_210 : i32
      %add3A_238 = arith.constant 255 : i32
      %add3A_239 = arith.addi %sub3A_237, %add3A_238 : i32
      %shift_right_arithmetic3A_240 = arith.constant 8 : i32
      %shift_right_arithmetic3A_241 = arith.shrsi %add3A_239, %shift_right_arithmetic3A_240 : i32
      %sub3A_242 = arith.constant 1 : i32
      %sub3A_243 = arith.subi %shift_right_arithmetic3A_241, %sub3A_242 : i32
      %max3A_244 = arith.constant 0 : i32
      %max3A_245 = arith.maxsi %sub3A_243, %max3A_244 : i32
      %while3A_246 = arith.constant 0 : i32
      %while3A_247 = arith.subi %max3A_245, %while3A_246 : i32
      %while3A_248 = arith.addi %while3A_246, %while3A_247 : i32
      %while3A_249 = arith.constant 1 : i32
      %while3A_250 = arith.divsi %while3A_247, %while3A_249 : i32
      %while3A_251 = arith.muli %while3A_250, %while3A_249 : i32
      %while3A_252 = arith.addi %while3A_246, %while3A_251 : i32
      %while3A_253 = arith.constant 1 : i32
      %while3A_254:5 = scf.for %while3A_300 = %while3A_246 to %while3A_252 step %while3A_253 iter_args(%while3A_301 = %while3A_236#0, %while3A_302 = %while3A_236#1, %while3A_303 = %while3A_236#2, %while3A_304 = %while3A_236#3, %while3A_305 = %while3A_236#4) -> (f32, vector<16xf32>, vector<16xf32>, vector<16xf32>, vector<16xf32>)  : i32 {
        %add3A_306 = arith.constant 1 : i32
        %add3A_307 = arith.addi %while3A_300, %add3A_306 : i32
        %mul3A_308 = arith.constant 256 : i32
        %mul3A_309 = arith.muli %add3A_307, %mul3A_308 : i32
        %add3A_310 = arith.addi %squeeze3A_210, %mul3A_309 : i32
        %and3A_311 = arith.constant -8 : i32
        %and3A_312 = arith.andi %add3A_310, %and3A_311 : i32
        %multiple_of3A_313 = tpu.assume_multiple %and3A_312, 8 : i32
        %add3A_314 = arith.constant 0 : i32
        %add3A_315 = arith.addi %add3A_314, %multiple_of3A_313 : i32
        "tpu.region"() ({
          %run_scoped3A = tpu.sem_alloc : memref<!tpu.dma_semaphore, #tpu.memory_space<semaphore_mem>>
          %dma_start3A_344 = tpu.memref_slice %arg2[%add3A_315] : memref<1317400xf32, #tpu.memory_space<hbm>> -> memref<280xf32, #tpu.memory_space<hbm>>
          %dma_start3A_345 = tpu.memref_slice %arg2[%add3A_315] : memref<1317400xf32, #tpu.memory_space<hbm>> -> memref<280xf32, #tpu.memory_space<hbm>>
          tpu.enqueue_dma source(%dma_start3A_345 : memref<280xf32, #tpu.memory_space<hbm>>) target(%arg8 : memref<280xf32, #tpu.memory_space<vmem>>) target_semaphore(%run_scoped3A : memref<!tpu.dma_semaphore, #tpu.memory_space<semaphore_mem>>)
          %dma_wait3A_346 = tpu.memref_slice %arg2[%add3A_315] : memref<1317400xf32, #tpu.memory_space<hbm>> -> memref<280xf32, #tpu.memory_space<hbm>>
          %dma_wait3A_347 = tpu.memref_slice %arg2[%add3A_315] : memref<1317400xf32, #tpu.memory_space<hbm>> -> memref<280xf32, #tpu.memory_space<hbm>>
          tpu.wait_dma2 semaphore(%run_scoped3A : memref<!tpu.dma_semaphore, #tpu.memory_space<semaphore_mem>>) src(%dma_wait3A_347 : memref<280xf32, #tpu.memory_space<hbm>>) dst(%arg8 : memref<280xf32, #tpu.memory_space<vmem>>)
          tpu.yield
        }) : () -> ()
        %add3A_316 = arith.constant 262656 : i32
        %add3A_317 = arith.addi %add3A_316, %multiple_of3A_313 : i32
        "tpu.region"() ({
          %run_scoped3A = tpu.sem_alloc : memref<!tpu.dma_semaphore, #tpu.memory_space<semaphore_mem>>
          %dma_start3A_344 = tpu.memref_slice %arg2[%add3A_317] : memref<1317400xf32, #tpu.memory_space<hbm>> -> memref<280xf32, #tpu.memory_space<hbm>>
          %dma_start3A_345 = tpu.memref_slice %arg2[%add3A_317] : memref<1317400xf32, #tpu.memory_space<hbm>> -> memref<280xf32, #tpu.memory_space<hbm>>
          tpu.enqueue_dma source(%dma_start3A_345 : memref<280xf32, #tpu.memory_space<hbm>>) target(%arg9 : memref<280xf32, #tpu.memory_space<vmem>>) target_semaphore(%run_scoped3A : memref<!tpu.dma_semaphore, #tpu.memory_space<semaphore_mem>>)
          %dma_wait3A_346 = tpu.memref_slice %arg2[%add3A_317] : memref<1317400xf32, #tpu.memory_space<hbm>> -> memref<280xf32, #tpu.memory_space<hbm>>
          %dma_wait3A_347 = tpu.memref_slice %arg2[%add3A_317] : memref<1317400xf32, #tpu.memory_space<hbm>> -> memref<280xf32, #tpu.memory_space<hbm>>
          tpu.wait_dma2 semaphore(%run_scoped3A : memref<!tpu.dma_semaphore, #tpu.memory_space<semaphore_mem>>) src(%dma_wait3A_347 : memref<280xf32, #tpu.memory_space<hbm>>) dst(%arg9 : memref<280xf32, #tpu.memory_space<vmem>>)
          tpu.yield
        }) : () -> ()
        %mul3A_318 = arith.constant 3 : i32
        %mul3A_319 = arith.muli %multiple_of3A_313, %mul3A_318 : i32
        %add3A_320 = arith.constant 525312 : i32
        %add3A_321 = arith.addi %add3A_320, %mul3A_319 : i32
        %multiple_of3A_322 = tpu.assume_multiple %add3A_321, 8 : i32
        "tpu.region"() ({
          %run_scoped3A = tpu.sem_alloc : memref<!tpu.dma_semaphore, #tpu.memory_space<semaphore_mem>>
          %dma_start3A_344 = tpu.memref_slice %arg2[%multiple_of3A_322] : memref<1317400xf32, #tpu.memory_space<hbm>> -> memref<840xf32, #tpu.memory_space<hbm>>
          %dma_start3A_345 = tpu.memref_slice %arg2[%multiple_of3A_322] : memref<1317400xf32, #tpu.memory_space<hbm>> -> memref<840xf32, #tpu.memory_space<hbm>>
          tpu.enqueue_dma source(%dma_start3A_345 : memref<840xf32, #tpu.memory_space<hbm>>) target(%arg10 : memref<840xf32, #tpu.memory_space<vmem>>) target_semaphore(%run_scoped3A : memref<!tpu.dma_semaphore, #tpu.memory_space<semaphore_mem>>)
          %dma_wait3A_346 = tpu.memref_slice %arg2[%multiple_of3A_322] : memref<1317400xf32, #tpu.memory_space<hbm>> -> memref<840xf32, #tpu.memory_space<hbm>>
          %dma_wait3A_347 = tpu.memref_slice %arg2[%multiple_of3A_322] : memref<1317400xf32, #tpu.memory_space<hbm>> -> memref<840xf32, #tpu.memory_space<hbm>>
          tpu.wait_dma2 semaphore(%run_scoped3A : memref<!tpu.dma_semaphore, #tpu.memory_space<semaphore_mem>>) src(%dma_wait3A_347 : memref<840xf32, #tpu.memory_space<hbm>>) dst(%arg10 : memref<840xf32, #tpu.memory_space<vmem>>)
          tpu.yield
        }) : () -> ()
        %sub3A_323 = arith.subi %squeeze3A_212, %add3A_310 : i32
        %min3A_324 = arith.constant 256 : i32
        %min3A_325 = arith.minsi %sub3A_323, %min3A_324 : i32
        %and3A_326 = arith.constant -8 : i32
        %and3A_327 = arith.andi %add3A_310, %and3A_326 : i32
        %sub3A_328 = arith.subi %add3A_310, %and3A_327 : i32
        %add3A_329 = arith.constant 15 : i32
        %add3A_330 = arith.addi %min3A_325, %add3A_329 : i32
        %shift_right_arithmetic3A_331 = arith.constant 4 : i32
        %shift_right_arithmetic3A_332 = arith.shrsi %add3A_330, %shift_right_arithmetic3A_331 : i32
        %while3A_333 = arith.constant 0 : i32
        %while3A_334 = arith.subi %shift_right_arithmetic3A_332, %while3A_333 : i32
        %while3A_335 = arith.addi %while3A_333, %while3A_334 : i32
        %while3A_336 = arith.constant 1 : i32
        %while3A_337 = arith.divsi %while3A_334, %while3A_336 : i32
        %while3A_338 = arith.muli %while3A_337, %while3A_336 : i32
        %while3A_339 = arith.addi %while3A_333, %while3A_338 : i32
        %while3A_340 = arith.constant 1 : i32
        %while3A_341:5 = scf.for %while3A_344 = %while3A_333 to %while3A_339 step %while3A_340 iter_args(%while3A_345 = %while3A_301, %while3A_346 = %while3A_302, %while3A_347 = %while3A_303, %while3A_348 = %while3A_304, %while3A_349 = %while3A_305) -> (f32, vector<16xf32>, vector<16xf32>, vector<16xf32>, vector<16xf32>)  : i32 {
          %mul3A_350 = arith.constant 16 : i32
          %mul3A_351 = arith.muli %while3A_344, %mul3A_350 : i32
          %add3A_352 = arith.addi %sub3A_328, %mul3A_351 : i32
          %get3A_353 = arith.index_cast %add3A_352 : i32 to index
          %get3A_354 = tpu.vector_load %arg8[%get3A_353] {strides = array<i32>} : memref<280xf32, #tpu.memory_space<vmem>>, vector<16xf32>,
          %get3A_355 = arith.index_cast %add3A_352 : i32 to index
          %get3A_356 = tpu.vector_load %arg9[%get3A_355] {strides = array<i32>} : memref<280xf32, #tpu.memory_space<vmem>>, vector<16xf32>,
          %mul3A_357 = arith.constant 16 : i32
          %mul3A_358 = arith.muli %while3A_344, %mul3A_357 : i32
          %add3A_359 = vector.broadcast %mul3A_358 : i32 to vector<16xi32>
          %add3A_360 = arith.addi %add3A_359, %iota3A : vector<16xi32>
          %lt3A = vector.broadcast %min3A_325 : i32 to vector<16xi32>
          %lt3A_361 = arith.cmpi slt, %add3A_360, %lt3A : vector<16xi32>
          %max3A_362 = arith.constant 0.000000e+00 : f32
          %max3A_363 = vector.broadcast %max3A_362 : f32 to vector<16xf32>
          %max3A_364 = arith.maximumf %get3A_354, %max3A_363 : vector<16xf32>
          %neg3A = arith.constant 0.000000e+00 : f32
          %neg3A_365 = vector.broadcast %neg3A : f32 to vector<16xf32>
          %neg3A_366 = arith.subf %neg3A_365, %max3A_364 : vector<16xf32>
          %mul3A_367 = arith.mulf %neg3A_366, %get3A_356 : vector<16xf32>
          %jit3A_368 = arith.constant 0.000000e+00 : f32
          %broadcast_in_dim3A_369 = vector.broadcast %jit3A_368 : f32 to vector<16xf32>
          %select_n3A_370 = arith.select %lt3A_361, %mul3A_367, %broadcast_in_dim3A_369 : vector<16xi1>, vector<16xf32>
          %broadcast_in_dim3A_371 = arith.constant true
          %broadcast_in_dim3A_372 = vector.broadcast %broadcast_in_dim3A_371 : i1 to vector<16xi1>
          %masked_cumsum3A = tpu.scan <sum>, %select_n3A_370 masked %broadcast_in_dim3A_372 : vector<16xf32>, vector<16xi1> -> vector<16xf32>
          %sub3A_373 = arith.subf %masked_cumsum3A, %select_n3A_370 : vector<16xf32>
          %add3A_374 = vector.broadcast %while3A_345 : f32 to vector<16xf32>
          %add3A_375 = arith.addf %add3A_374, %sub3A_373 : vector<16xf32>
          %exp3A = math.exp %add3A_375 : vector<16xf32>
          %add3A_376 = vector.broadcast %while3A_345 : f32 to vector<16xf32>
          %add3A_377 = arith.addf %add3A_376, %masked_cumsum3A : vector<16xf32>
          %exp3A_378 = math.exp %add3A_377 : vector<16xf32>
          %sub3A_379 = arith.subf %exp3A, %exp3A_378 : vector<16xf32>
          %add3A_380 = vector.broadcast %add3A_352 : i32 to vector<16xi32>
          %add3A_381 = arith.addi %add3A_380, %iota3A : vector<16xi32>
          %mul3A_382 = arith.constant 3 : i32
          %mul3A_383 = vector.broadcast %mul3A_382 : i32 to vector<16xi32>
          %mul3A_384 = arith.muli %add3A_381, %mul3A_383 : vector<16xi32>
          %gather3A = tpu.vector_load_idx %arg10[%mul3A_384] : memref<840xf32, #tpu.memory_space<vmem>>[vector<16xi32>], vector<16xf32>,
          %add3A_385 = arith.constant 1 : i32
          %add3A_386 = vector.broadcast %add3A_385 : i32 to vector<16xi32>
          %add3A_387 = arith.addi %mul3A_384, %add3A_386 : vector<16xi32>
          %gather3A_388 = tpu.vector_load_idx %arg10[%add3A_387] : memref<840xf32, #tpu.memory_space<vmem>>[vector<16xi32>], vector<16xf32>,
          %add3A_389 = arith.constant 2 : i32
          %add3A_390 = vector.broadcast %add3A_389 : i32 to vector<16xi32>
          %add3A_391 = arith.addi %mul3A_384, %add3A_390 : vector<16xi32>
          %gather3A_392 = tpu.vector_load_idx %arg10[%add3A_391] : memref<840xf32, #tpu.memory_space<vmem>>[vector<16xi32>], vector<16xf32>,
          %slice3A_393 = vector.extract_strided_slice %masked_cumsum3A {offsets = [15], sizes = [1], strides = [1]} : vector<16xf32> to vector<1xf32>
          %squeeze3A_394 = vector.extract %slice3A_393[0] : f32 from vector<1xf32>
          %add3A_395 = arith.addf %while3A_345, %squeeze3A_394 : f32
          %add3A_396 = arith.addf %while3A_346, %sub3A_379 : vector<16xf32>
          %mul3A_397 = arith.mulf %sub3A_379, %gather3A : vector<16xf32>
          %add3A_398 = arith.addf %while3A_347, %mul3A_397 : vector<16xf32>
          %mul3A_399 = arith.mulf %sub3A_379, %gather3A_388 : vector<16xf32>
          %add3A_400 = arith.addf %while3A_348, %mul3A_399 : vector<16xf32>
          %mul3A_401 = arith.mulf %sub3A_379, %gather3A_392 : vector<16xf32>
          %add3A_402 = arith.addf %while3A_349, %mul3A_401 : vector<16xf32>
          scf.yield %add3A_395, %add3A_396, %add3A_398, %add3A_400, %add3A_402 : f32, vector<16xf32>, vector<16xf32>, vector<16xf32>, vector<16xf32>
        }
        %while3A_342 = arith.constant 1 : i32
        %while3A_343:5 = scf.for %while3A_344 = %while3A_339 to %while3A_335 step %while3A_342 iter_args(%while3A_345 = %while3A_341#0, %while3A_346 = %while3A_341#1, %while3A_347 = %while3A_341#2, %while3A_348 = %while3A_341#3, %while3A_349 = %while3A_341#4) -> (f32, vector<16xf32>, vector<16xf32>, vector<16xf32>, vector<16xf32>)  : i32 {
          %mul3A_350 = arith.constant 16 : i32
          %mul3A_351 = arith.muli %while3A_344, %mul3A_350 : i32
          %add3A_352 = arith.addi %sub3A_328, %mul3A_351 : i32
          %get3A_353 = arith.index_cast %add3A_352 : i32 to index
          %get3A_354 = tpu.vector_load %arg8[%get3A_353] {strides = array<i32>} : memref<280xf32, #tpu.memory_space<vmem>>, vector<16xf32>,
          %get3A_355 = arith.index_cast %add3A_352 : i32 to index
          %get3A_356 = tpu.vector_load %arg9[%get3A_355] {strides = array<i32>} : memref<280xf32, #tpu.memory_space<vmem>>, vector<16xf32>,
          %mul3A_357 = arith.constant 16 : i32
          %mul3A_358 = arith.muli %while3A_344, %mul3A_357 : i32
          %add3A_359 = vector.broadcast %mul3A_358 : i32 to vector<16xi32>
          %add3A_360 = arith.addi %add3A_359, %iota3A : vector<16xi32>
          %lt3A = vector.broadcast %min3A_325 : i32 to vector<16xi32>
          %lt3A_361 = arith.cmpi slt, %add3A_360, %lt3A : vector<16xi32>
          %max3A_362 = arith.constant 0.000000e+00 : f32
          %max3A_363 = vector.broadcast %max3A_362 : f32 to vector<16xf32>
          %max3A_364 = arith.maximumf %get3A_354, %max3A_363 : vector<16xf32>
          %neg3A = arith.constant 0.000000e+00 : f32
          %neg3A_365 = vector.broadcast %neg3A : f32 to vector<16xf32>
          %neg3A_366 = arith.subf %neg3A_365, %max3A_364 : vector<16xf32>
          %mul3A_367 = arith.mulf %neg3A_366, %get3A_356 : vector<16xf32>
          %jit3A_368 = arith.constant 0.000000e+00 : f32
          %broadcast_in_dim3A_369 = vector.broadcast %jit3A_368 : f32 to vector<16xf32>
          %select_n3A_370 = arith.select %lt3A_361, %mul3A_367, %broadcast_in_dim3A_369 : vector<16xi1>, vector<16xf32>
          %broadcast_in_dim3A_371 = arith.constant true
          %broadcast_in_dim3A_372 = vector.broadcast %broadcast_in_dim3A_371 : i1 to vector<16xi1>
          %masked_cumsum3A = tpu.scan <sum>, %select_n3A_370 masked %broadcast_in_dim3A_372 : vector<16xf32>, vector<16xi1> -> vector<16xf32>
          %sub3A_373 = arith.subf %masked_cumsum3A, %select_n3A_370 : vector<16xf32>
          %add3A_374 = vector.broadcast %while3A_345 : f32 to vector<16xf32>
          %add3A_375 = arith.addf %add3A_374, %sub3A_373 : vector<16xf32>
          %exp3A = math.exp %add3A_375 : vector<16xf32>
          %add3A_376 = vector.broadcast %while3A_345 : f32 to vector<16xf32>
          %add3A_377 = arith.addf %add3A_376, %masked_cumsum3A : vector<16xf32>
          %exp3A_378 = math.exp %add3A_377 : vector<16xf32>
          %sub3A_379 = arith.subf %exp3A, %exp3A_378 : vector<16xf32>
          %add3A_380 = vector.broadcast %add3A_352 : i32 to vector<16xi32>
          %add3A_381 = arith.addi %add3A_380, %iota3A : vector<16xi32>
          %mul3A_382 = arith.constant 3 : i32
          %mul3A_383 = vector.broadcast %mul3A_382 : i32 to vector<16xi32>
          %mul3A_384 = arith.muli %add3A_381, %mul3A_383 : vector<16xi32>
          %gather3A = tpu.vector_load_idx %arg10[%mul3A_384] : memref<840xf32, #tpu.memory_space<vmem>>[vector<16xi32>], vector<16xf32>,
          %add3A_385 = arith.constant 1 : i32
          %add3A_386 = vector.broadcast %add3A_385 : i32 to vector<16xi32>
          %add3A_387 = arith.addi %mul3A_384, %add3A_386 : vector<16xi32>
          %gather3A_388 = tpu.vector_load_idx %arg10[%add3A_387] : memref<840xf32, #tpu.memory_space<vmem>>[vector<16xi32>], vector<16xf32>,
          %add3A_389 = arith.constant 2 : i32
          %add3A_390 = vector.broadcast %add3A_389 : i32 to vector<16xi32>
          %add3A_391 = arith.addi %mul3A_384, %add3A_390 : vector<16xi32>
          %gather3A_392 = tpu.vector_load_idx %arg10[%add3A_391] : memref<840xf32, #tpu.memory_space<vmem>>[vector<16xi32>], vector<16xf32>,
          %slice3A_393 = vector.extract_strided_slice %masked_cumsum3A {offsets = [15], sizes = [1], strides = [1]} : vector<16xf32> to vector<1xf32>
          %squeeze3A_394 = vector.extract %slice3A_393[0] : f32 from vector<1xf32>
          %add3A_395 = arith.addf %while3A_345, %squeeze3A_394 : f32
          %add3A_396 = arith.addf %while3A_346, %sub3A_379 : vector<16xf32>
          %mul3A_397 = arith.mulf %sub3A_379, %gather3A : vector<16xf32>
          %add3A_398 = arith.addf %while3A_347, %mul3A_397 : vector<16xf32>
          %mul3A_399 = arith.mulf %sub3A_379, %gather3A_388 : vector<16xf32>
          %add3A_400 = arith.addf %while3A_348, %mul3A_399 : vector<16xf32>
          %mul3A_401 = arith.mulf %sub3A_379, %gather3A_392 : vector<16xf32>
          %add3A_402 = arith.addf %while3A_349, %mul3A_401 : vector<16xf32>
          scf.yield %add3A_395, %add3A_396, %add3A_398, %add3A_400, %add3A_402 : f32, vector<16xf32>, vector<16xf32>, vector<16xf32>, vector<16xf32>
        }
        scf.yield %while3A_343#0, %while3A_343#1, %while3A_343#2, %while3A_343#3, %while3A_343#4 : f32, vector<16xf32>, vector<16xf32>, vector<16xf32>, vector<16xf32>
      }
      %while3A_255 = arith.constant 1 : i32
      %while3A_256:5 = scf.for %while3A_300 = %while3A_252 to %while3A_248 step %while3A_255 iter_args(%while3A_301 = %while3A_254#0, %while3A_302 = %while3A_254#1, %while3A_303 = %while3A_254#2, %while3A_304 = %while3A_254#3, %while3A_305 = %while3A_254#4) -> (f32, vector<16xf32>, vector<16xf32>, vector<16xf32>, vector<16xf32>)  : i32 {
        %add3A_306 = arith.constant 1 : i32
        %add3A_307 = arith.addi %while3A_300, %add3A_306 : i32
        %mul3A_308 = arith.constant 256 : i32
        %mul3A_309 = arith.muli %add3A_307, %mul3A_308 : i32
        %add3A_310 = arith.addi %squeeze3A_210, %mul3A_309 : i32
        %and3A_311 = arith.constant -8 : i32
        %and3A_312 = arith.andi %add3A_310, %and3A_311 : i32
        %multiple_of3A_313 = tpu.assume_multiple %and3A_312, 8 : i32
        %add3A_314 = arith.constant 0 : i32
        %add3A_315 = arith.addi %add3A_314, %multiple_of3A_313 : i32
        "tpu.region"() ({
          %run_scoped3A = tpu.sem_alloc : memref<!tpu.dma_semaphore, #tpu.memory_space<semaphore_mem>>
          %dma_start3A_344 = tpu.memref_slice %arg2[%add3A_315] : memref<1317400xf32, #tpu.memory_space<hbm>> -> memref<280xf32, #tpu.memory_space<hbm>>
          %dma_start3A_345 = tpu.memref_slice %arg2[%add3A_315] : memref<1317400xf32, #tpu.memory_space<hbm>> -> memref<280xf32, #tpu.memory_space<hbm>>
          tpu.enqueue_dma source(%dma_start3A_345 : memref<280xf32, #tpu.memory_space<hbm>>) target(%arg8 : memref<280xf32, #tpu.memory_space<vmem>>) target_semaphore(%run_scoped3A : memref<!tpu.dma_semaphore, #tpu.memory_space<semaphore_mem>>)
          %dma_wait3A_346 = tpu.memref_slice %arg2[%add3A_315] : memref<1317400xf32, #tpu.memory_space<hbm>> -> memref<280xf32, #tpu.memory_space<hbm>>
          %dma_wait3A_347 = tpu.memref_slice %arg2[%add3A_315] : memref<1317400xf32, #tpu.memory_space<hbm>> -> memref<280xf32, #tpu.memory_space<hbm>>
          tpu.wait_dma2 semaphore(%run_scoped3A : memref<!tpu.dma_semaphore, #tpu.memory_space<semaphore_mem>>) src(%dma_wait3A_347 : memref<280xf32, #tpu.memory_space<hbm>>) dst(%arg8 : memref<280xf32, #tpu.memory_space<vmem>>)
          tpu.yield
        }) : () -> ()
        %add3A_316 = arith.constant 262656 : i32
        %add3A_317 = arith.addi %add3A_316, %multiple_of3A_313 : i32
        "tpu.region"() ({
          %run_scoped3A = tpu.sem_alloc : memref<!tpu.dma_semaphore, #tpu.memory_space<semaphore_mem>>
          %dma_start3A_344 = tpu.memref_slice %arg2[%add3A_317] : memref<1317400xf32, #tpu.memory_space<hbm>> -> memref<280xf32, #tpu.memory_space<hbm>>
          %dma_start3A_345 = tpu.memref_slice %arg2[%add3A_317] : memref<1317400xf32, #tpu.memory_space<hbm>> -> memref<280xf32, #tpu.memory_space<hbm>>
          tpu.enqueue_dma source(%dma_start3A_345 : memref<280xf32, #tpu.memory_space<hbm>>) target(%arg9 : memref<280xf32, #tpu.memory_space<vmem>>) target_semaphore(%run_scoped3A : memref<!tpu.dma_semaphore, #tpu.memory_space<semaphore_mem>>)
          %dma_wait3A_346 = tpu.memref_slice %arg2[%add3A_317] : memref<1317400xf32, #tpu.memory_space<hbm>> -> memref<280xf32, #tpu.memory_space<hbm>>
          %dma_wait3A_347 = tpu.memref_slice %arg2[%add3A_317] : memref<1317400xf32, #tpu.memory_space<hbm>> -> memref<280xf32, #tpu.memory_space<hbm>>
          tpu.wait_dma2 semaphore(%run_scoped3A : memref<!tpu.dma_semaphore, #tpu.memory_space<semaphore_mem>>) src(%dma_wait3A_347 : memref<280xf32, #tpu.memory_space<hbm>>) dst(%arg9 : memref<280xf32, #tpu.memory_space<vmem>>)
          tpu.yield
        }) : () -> ()
        %mul3A_318 = arith.constant 3 : i32
        %mul3A_319 = arith.muli %multiple_of3A_313, %mul3A_318 : i32
        %add3A_320 = arith.constant 525312 : i32
        %add3A_321 = arith.addi %add3A_320, %mul3A_319 : i32
        %multiple_of3A_322 = tpu.assume_multiple %add3A_321, 8 : i32
        "tpu.region"() ({
          %run_scoped3A = tpu.sem_alloc : memref<!tpu.dma_semaphore, #tpu.memory_space<semaphore_mem>>
          %dma_start3A_344 = tpu.memref_slice %arg2[%multiple_of3A_322] : memref<1317400xf32, #tpu.memory_space<hbm>> -> memref<840xf32, #tpu.memory_space<hbm>>
          %dma_start3A_345 = tpu.memref_slice %arg2[%multiple_of3A_322] : memref<1317400xf32, #tpu.memory_space<hbm>> -> memref<840xf32, #tpu.memory_space<hbm>>
          tpu.enqueue_dma source(%dma_start3A_345 : memref<840xf32, #tpu.memory_space<hbm>>) target(%arg10 : memref<840xf32, #tpu.memory_space<vmem>>) target_semaphore(%run_scoped3A : memref<!tpu.dma_semaphore, #tpu.memory_space<semaphore_mem>>)
          %dma_wait3A_346 = tpu.memref_slice %arg2[%multiple_of3A_322] : memref<1317400xf32, #tpu.memory_space<hbm>> -> memref<840xf32, #tpu.memory_space<hbm>>
          %dma_wait3A_347 = tpu.memref_slice %arg2[%multiple_of3A_322] : memref<1317400xf32, #tpu.memory_space<hbm>> -> memref<840xf32, #tpu.memory_space<hbm>>
          tpu.wait_dma2 semaphore(%run_scoped3A : memref<!tpu.dma_semaphore, #tpu.memory_space<semaphore_mem>>) src(%dma_wait3A_347 : memref<840xf32, #tpu.memory_space<hbm>>) dst(%arg10 : memref<840xf32, #tpu.memory_space<vmem>>)
          tpu.yield
        }) : () -> ()
        %sub3A_323 = arith.subi %squeeze3A_212, %add3A_310 : i32
        %min3A_324 = arith.constant 256 : i32
        %min3A_325 = arith.minsi %sub3A_323, %min3A_324 : i32
        %and3A_326 = arith.constant -8 : i32
        %and3A_327 = arith.andi %add3A_310, %and3A_326 : i32
        %sub3A_328 = arith.subi %add3A_310, %and3A_327 : i32
        %add3A_329 = arith.constant 15 : i32
        %add3A_330 = arith.addi %min3A_325, %add3A_329 : i32
        %shift_right_arithmetic3A_331 = arith.constant 4 : i32
        %shift_right_arithmetic3A_332 = arith.shrsi %add3A_330, %shift_right_arithmetic3A_331 : i32
        %while3A_333 = arith.constant 0 : i32
        %while3A_334 = arith.subi %shift_right_arithmetic3A_332, %while3A_333 : i32
        %while3A_335 = arith.addi %while3A_333, %while3A_334 : i32
        %while3A_336 = arith.constant 1 : i32
        %while3A_337 = arith.divsi %while3A_334, %while3A_336 : i32
        %while3A_338 = arith.muli %while3A_337, %while3A_336 : i32
        %while3A_339 = arith.addi %while3A_333, %while3A_338 : i32
        %while3A_340 = arith.constant 1 : i32
        %while3A_341:5 = scf.for %while3A_344 = %while3A_333 to %while3A_339 step %while3A_340 iter_args(%while3A_345 = %while3A_301, %while3A_346 = %while3A_302, %while3A_347 = %while3A_303, %while3A_348 = %while3A_304, %while3A_349 = %while3A_305) -> (f32, vector<16xf32>, vector<16xf32>, vector<16xf32>, vector<16xf32>)  : i32 {
          %mul3A_350 = arith.constant 16 : i32
          %mul3A_351 = arith.muli %while3A_344, %mul3A_350 : i32
          %add3A_352 = arith.addi %sub3A_328, %mul3A_351 : i32
          %get3A_353 = arith.index_cast %add3A_352 : i32 to index
          %get3A_354 = tpu.vector_load %arg8[%get3A_353] {strides = array<i32>} : memref<280xf32, #tpu.memory_space<vmem>>, vector<16xf32>,
          %get3A_355 = arith.index_cast %add3A_352 : i32 to index
          %get3A_356 = tpu.vector_load %arg9[%get3A_355] {strides = array<i32>} : memref<280xf32, #tpu.memory_space<vmem>>, vector<16xf32>,
          %mul3A_357 = arith.constant 16 : i32
          %mul3A_358 = arith.muli %while3A_344, %mul3A_357 : i32
          %add3A_359 = vector.broadcast %mul3A_358 : i32 to vector<16xi32>
          %add3A_360 = arith.addi %add3A_359, %iota3A : vector<16xi32>
          %lt3A = vector.broadcast %min3A_325 : i32 to vector<16xi32>
          %lt3A_361 = arith.cmpi slt, %add3A_360, %lt3A : vector<16xi32>
          %max3A_362 = arith.constant 0.000000e+00 : f32
          %max3A_363 = vector.broadcast %max3A_362 : f32 to vector<16xf32>
          %max3A_364 = arith.maximumf %get3A_354, %max3A_363 : vector<16xf32>
          %neg3A = arith.constant 0.000000e+00 : f32
          %neg3A_365 = vector.broadcast %neg3A : f32 to vector<16xf32>
          %neg3A_366 = arith.subf %neg3A_365, %max3A_364 : vector<16xf32>
          %mul3A_367 = arith.mulf %neg3A_366, %get3A_356 : vector<16xf32>
          %jit3A_368 = arith.constant 0.000000e+00 : f32
          %broadcast_in_dim3A_369 = vector.broadcast %jit3A_368 : f32 to vector<16xf32>
          %select_n3A_370 = arith.select %lt3A_361, %mul3A_367, %broadcast_in_dim3A_369 : vector<16xi1>, vector<16xf32>
          %broadcast_in_dim3A_371 = arith.constant true
          %broadcast_in_dim3A_372 = vector.broadcast %broadcast_in_dim3A_371 : i1 to vector<16xi1>
          %masked_cumsum3A = tpu.scan <sum>, %select_n3A_370 masked %broadcast_in_dim3A_372 : vector<16xf32>, vector<16xi1> -> vector<16xf32>
          %sub3A_373 = arith.subf %masked_cumsum3A, %select_n3A_370 : vector<16xf32>
          %add3A_374 = vector.broadcast %while3A_345 : f32 to vector<16xf32>
          %add3A_375 = arith.addf %add3A_374, %sub3A_373 : vector<16xf32>
          %exp3A = math.exp %add3A_375 : vector<16xf32>
          %add3A_376 = vector.broadcast %while3A_345 : f32 to vector<16xf32>
          %add3A_377 = arith.addf %add3A_376, %masked_cumsum3A : vector<16xf32>
          %exp3A_378 = math.exp %add3A_377 : vector<16xf32>
          %sub3A_379 = arith.subf %exp3A, %exp3A_378 : vector<16xf32>
          %add3A_380 = vector.broadcast %add3A_352 : i32 to vector<16xi32>
          %add3A_381 = arith.addi %add3A_380, %iota3A : vector<16xi32>
          %mul3A_382 = arith.constant 3 : i32
          %mul3A_383 = vector.broadcast %mul3A_382 : i32 to vector<16xi32>
          %mul3A_384 = arith.muli %add3A_381, %mul3A_383 : vector<16xi32>
          %gather3A = tpu.vector_load_idx %arg10[%mul3A_384] : memref<840xf32, #tpu.memory_space<vmem>>[vector<16xi32>], vector<16xf32>,
          %add3A_385 = arith.constant 1 : i32
          %add3A_386 = vector.broadcast %add3A_385 : i32 to vector<16xi32>
          %add3A_387 = arith.addi %mul3A_384, %add3A_386 : vector<16xi32>
          %gather3A_388 = tpu.vector_load_idx %arg10[%add3A_387] : memref<840xf32, #tpu.memory_space<vmem>>[vector<16xi32>], vector<16xf32>,
          %add3A_389 = arith.constant 2 : i32
          %add3A_390 = vector.broadcast %add3A_389 : i32 to vector<16xi32>
          %add3A_391 = arith.addi %mul3A_384, %add3A_390 : vector<16xi32>
          %gather3A_392 = tpu.vector_load_idx %arg10[%add3A_391] : memref<840xf32, #tpu.memory_space<vmem>>[vector<16xi32>], vector<16xf32>,
          %slice3A_393 = vector.extract_strided_slice %masked_cumsum3A {offsets = [15], sizes = [1], strides = [1]} : vector<16xf32> to vector<1xf32>
          %squeeze3A_394 = vector.extract %slice3A_393[0] : f32 from vector<1xf32>
          %add3A_395 = arith.addf %while3A_345, %squeeze3A_394 : f32
          %add3A_396 = arith.addf %while3A_346, %sub3A_379 : vector<16xf32>
          %mul3A_397 = arith.mulf %sub3A_379, %gather3A : vector<16xf32>
          %add3A_398 = arith.addf %while3A_347, %mul3A_397 : vector<16xf32>
          %mul3A_399 = arith.mulf %sub3A_379, %gather3A_388 : vector<16xf32>
          %add3A_400 = arith.addf %while3A_348, %mul3A_399 : vector<16xf32>
          %mul3A_401 = arith.mulf %sub3A_379, %gather3A_392 : vector<16xf32>
          %add3A_402 = arith.addf %while3A_349, %mul3A_401 : vector<16xf32>
          scf.yield %add3A_395, %add3A_396, %add3A_398, %add3A_400, %add3A_402 : f32, vector<16xf32>, vector<16xf32>, vector<16xf32>, vector<16xf32>
        }
        %while3A_342 = arith.constant 1 : i32
        %while3A_343:5 = scf.for %while3A_344 = %while3A_339 to %while3A_335 step %while3A_342 iter_args(%while3A_345 = %while3A_341#0, %while3A_346 = %while3A_341#1, %while3A_347 = %while3A_341#2, %while3A_348 = %while3A_341#3, %while3A_349 = %while3A_341#4) -> (f32, vector<16xf32>, vector<16xf32>, vector<16xf32>, vector<16xf32>)  : i32 {
          %mul3A_350 = arith.constant 16 : i32
          %mul3A_351 = arith.muli %while3A_344, %mul3A_350 : i32
          %add3A_352 = arith.addi %sub3A_328, %mul3A_351 : i32
          %get3A_353 = arith.index_cast %add3A_352 : i32 to index
          %get3A_354 = tpu.vector_load %arg8[%get3A_353] {strides = array<i32>} : memref<280xf32, #tpu.memory_space<vmem>>, vector<16xf32>,
          %get3A_355 = arith.index_cast %add3A_352 : i32 to index
          %get3A_356 = tpu.vector_load %arg9[%get3A_355] {strides = array<i32>} : memref<280xf32, #tpu.memory_space<vmem>>, vector<16xf32>,
          %mul3A_357 = arith.constant 16 : i32
          %mul3A_358 = arith.muli %while3A_344, %mul3A_357 : i32
          %add3A_359 = vector.broadcast %mul3A_358 : i32 to vector<16xi32>
          %add3A_360 = arith.addi %add3A_359, %iota3A : vector<16xi32>
          %lt3A = vector.broadcast %min3A_325 : i32 to vector<16xi32>
          %lt3A_361 = arith.cmpi slt, %add3A_360, %lt3A : vector<16xi32>
          %max3A_362 = arith.constant 0.000000e+00 : f32
          %max3A_363 = vector.broadcast %max3A_362 : f32 to vector<16xf32>
          %max3A_364 = arith.maximumf %get3A_354, %max3A_363 : vector<16xf32>
          %neg3A = arith.constant 0.000000e+00 : f32
          %neg3A_365 = vector.broadcast %neg3A : f32 to vector<16xf32>
          %neg3A_366 = arith.subf %neg3A_365, %max3A_364 : vector<16xf32>
          %mul3A_367 = arith.mulf %neg3A_366, %get3A_356 : vector<16xf32>
          %jit3A_368 = arith.constant 0.000000e+00 : f32
          %broadcast_in_dim3A_369 = vector.broadcast %jit3A_368 : f32 to vector<16xf32>
          %select_n3A_370 = arith.select %lt3A_361, %mul3A_367, %broadcast_in_dim3A_369 : vector<16xi1>, vector<16xf32>
          %broadcast_in_dim3A_371 = arith.constant true
          %broadcast_in_dim3A_372 = vector.broadcast %broadcast_in_dim3A_371 : i1 to vector<16xi1>
          %masked_cumsum3A = tpu.scan <sum>, %select_n3A_370 masked %broadcast_in_dim3A_372 : vector<16xf32>, vector<16xi1> -> vector<16xf32>
          %sub3A_373 = arith.subf %masked_cumsum3A, %select_n3A_370 : vector<16xf32>
          %add3A_374 = vector.broadcast %while3A_345 : f32 to vector<16xf32>
          %add3A_375 = arith.addf %add3A_374, %sub3A_373 : vector<16xf32>
          %exp3A = math.exp %add3A_375 : vector<16xf32>
          %add3A_376 = vector.broadcast %while3A_345 : f32 to vector<16xf32>
          %add3A_377 = arith.addf %add3A_376, %masked_cumsum3A : vector<16xf32>
          %exp3A_378 = math.exp %add3A_377 : vector<16xf32>
          %sub3A_379 = arith.subf %exp3A, %exp3A_378 : vector<16xf32>
          %add3A_380 = vector.broadcast %add3A_352 : i32 to vector<16xi32>
          %add3A_381 = arith.addi %add3A_380, %iota3A : vector<16xi32>
          %mul3A_382 = arith.constant 3 : i32
          %mul3A_383 = vector.broadcast %mul3A_382 : i32 to vector<16xi32>
          %mul3A_384 = arith.muli %add3A_381, %mul3A_383 : vector<16xi32>
          %gather3A = tpu.vector_load_idx %arg10[%mul3A_384] : memref<840xf32, #tpu.memory_space<vmem>>[vector<16xi32>], vector<16xf32>,
          %add3A_385 = arith.constant 1 : i32
          %add3A_386 = vector.broadcast %add3A_385 : i32 to vector<16xi32>
          %add3A_387 = arith.addi %mul3A_384, %add3A_386 : vector<16xi32>
          %gather3A_388 = tpu.vector_load_idx %arg10[%add3A_387] : memref<840xf32, #tpu.memory_space<vmem>>[vector<16xi32>], vector<16xf32>,
          %add3A_389 = arith.constant 2 : i32
          %add3A_390 = vector.broadcast %add3A_389 : i32 to vector<16xi32>
          %add3A_391 = arith.addi %mul3A_384, %add3A_390 : vector<16xi32>
          %gather3A_392 = tpu.vector_load_idx %arg10[%add3A_391] : memref<840xf32, #tpu.memory_space<vmem>>[vector<16xi32>], vector<16xf32>,
          %slice3A_393 = vector.extract_strided_slice %masked_cumsum3A {offsets = [15], sizes = [1], strides = [1]} : vector<16xf32> to vector<1xf32>
          %squeeze3A_394 = vector.extract %slice3A_393[0] : f32 from vector<1xf32>
          %add3A_395 = arith.addf %while3A_345, %squeeze3A_394 : f32
          %add3A_396 = arith.addf %while3A_346, %sub3A_379 : vector<16xf32>
          %mul3A_397 = arith.mulf %sub3A_379, %gather3A : vector<16xf32>
          %add3A_398 = arith.addf %while3A_347, %mul3A_397 : vector<16xf32>
          %mul3A_399 = arith.mulf %sub3A_379, %gather3A_388 : vector<16xf32>
          %add3A_400 = arith.addf %while3A_348, %mul3A_399 : vector<16xf32>
          %mul3A_401 = arith.mulf %sub3A_379, %gather3A_392 : vector<16xf32>
          %add3A_402 = arith.addf %while3A_349, %mul3A_401 : vector<16xf32>
          scf.yield %add3A_395, %add3A_396, %add3A_398, %add3A_400, %add3A_402 : f32, vector<16xf32>, vector<16xf32>, vector<16xf32>, vector<16xf32>
        }
        scf.yield %while3A_343#0, %while3A_343#1, %while3A_343#2, %while3A_343#3, %while3A_343#4 : f32, vector<16xf32>, vector<16xf32>, vector<16xf32>, vector<16xf32>
      }
      %reduce_sum3A_257 = arith.constant true
      %reduce_sum3A_258 = vector.broadcast %reduce_sum3A_257 : i1 to vector<16xi1>
      %reduce_sum3A_259 = tpu.scan <sum>, %while3A_256#2 masked %reduce_sum3A_258 : vector<16xf32>, vector<16xi1> -> vector<16xf32>
      %reduce_sum3A_260 = vector.extract %reduce_sum3A_259[15] : f32 from vector<16xf32>
      %reduce_sum3A_261 = arith.constant true
      %reduce_sum3A_262 = vector.broadcast %reduce_sum3A_261 : i1 to vector<16xi1>
      %reduce_sum3A_263 = tpu.scan <sum>, %while3A_256#3 masked %reduce_sum3A_262 : vector<16xf32>, vector<16xi1> -> vector<16xf32>
      %reduce_sum3A_264 = vector.extract %reduce_sum3A_263[15] : f32 from vector<16xf32>
      %reduce_sum3A_265 = arith.constant true
      %reduce_sum3A_266 = vector.broadcast %reduce_sum3A_265 : i1 to vector<16xi1>
      %reduce_sum3A_267 = tpu.scan <sum>, %while3A_256#4 masked %reduce_sum3A_266 : vector<16xf32>, vector<16xi1> -> vector<16xf32>
      %reduce_sum3A_268 = vector.extract %reduce_sum3A_267[15] : f32 from vector<16xf32>
      %reduce_sum3A_269 = arith.constant true
      %reduce_sum3A_270 = vector.broadcast %reduce_sum3A_269 : i1 to vector<16xi1>
      %reduce_sum3A_271 = tpu.scan <sum>, %while3A_256#1 masked %reduce_sum3A_270 : vector<16xf32>, vector<16xi1> -> vector<16xf32>
      %reduce_sum3A_272 = vector.extract %reduce_sum3A_271[15] : f32 from vector<16xf32>
      %eq3A_273 = arith.constant 0 : i32
      %eq3A_274 = vector.broadcast %eq3A_273 : i32 to vector<16xi32>
      %eq3A_275 = arith.cmpi eq, %iota3A, %eq3A_274 : vector<16xi32>
      %eq3A_276 = arith.constant 1 : i32
      %eq3A_277 = vector.broadcast %eq3A_276 : i32 to vector<16xi32>
      %eq3A_278 = arith.cmpi eq, %iota3A, %eq3A_277 : vector<16xi32>
      %eq3A_279 = arith.constant 2 : i32
      %eq3A_280 = vector.broadcast %eq3A_279 : i32 to vector<16xi32>
      %eq3A_281 = arith.cmpi eq, %iota3A, %eq3A_280 : vector<16xi32>
      %eq3A_282 = arith.constant 3 : i32
      %eq3A_283 = vector.broadcast %eq3A_282 : i32 to vector<16xi32>
      %eq3A_284 = arith.cmpi eq, %iota3A, %eq3A_283 : vector<16xi32>
      %jit3A_285 = arith.constant 0.000000e+00 : f32
      %broadcast_in_dim3A_286 = vector.broadcast %reduce_sum3A_272 : f32 to vector<16xf32>
      %broadcast_in_dim3A_287 = vector.broadcast %jit3A_285 : f32 to vector<16xf32>
      %select_n3A_288 = arith.select %eq3A_284, %broadcast_in_dim3A_286, %broadcast_in_dim3A_287 : vector<16xi1>, vector<16xf32>
      %broadcast_in_dim3A_289 = vector.broadcast %reduce_sum3A_268 : f32 to vector<16xf32>
      %select_n3A_290 = arith.select %eq3A_281, %broadcast_in_dim3A_289, %select_n3A_288 : vector<16xi1>, vector<16xf32>
      %broadcast_in_dim3A_291 = vector.broadcast %reduce_sum3A_264 : f32 to vector<16xf32>
      %select_n3A_292 = arith.select %eq3A_278, %broadcast_in_dim3A_291, %select_n3A_290 : vector<16xi1>, vector<16xf32>
      %broadcast_in_dim3A_293 = vector.broadcast %reduce_sum3A_260 : f32 to vector<16xf32>
      %select_n3A_294 = arith.select %eq3A_275, %broadcast_in_dim3A_293, %select_n3A_292 : vector<16xi1>, vector<16xf32>
      %mul3A_295 = arith.constant 16 : i32
      %mul3A_296 = arith.muli %mul3A_295, %add3A_205 : i32
      %swap3A_297 = arith.index_cast %mul3A_296 : i32 to index
      %swap3A_298 = tpu.vector_load %arg11[%swap3A_297] {strides = array<i32>} : memref<2048xf32, #tpu.memory_space<vmem>>, vector<16xf32>,
      tpu.vector_store %arg11[%swap3A_297], %select_n3A_294 {strides = array<i32>} : memref<2048xf32, #tpu.memory_space<vmem>>, vector<16xf32>,
      %scan3A_299 = arith.constant 0 : i32
      scf.yield %scan3A_299 : i32
    }
    %scan3A_27 = arith.constant 64 : i32
    %dma_wait3A = arith.constant 0 : i32
    %dma_wait3A_28 = tpu.memref_slice %arg2[%dma_wait3A] : memref<1317400xf32, #tpu.memory_space<hbm>> -> memref<280xf32, #tpu.memory_space<hbm>>
    %dma_wait3A_29 = arith.constant 0 : i32
    %dma_wait3A_30 = tpu.memref_slice %arg2[%dma_wait3A_29] : memref<1317400xf32, #tpu.memory_space<hbm>> -> memref<280xf32, #tpu.memory_space<hbm>>
    tpu.wait_dma2 semaphore(%arg12 : memref<!tpu.dma_semaphore, #tpu.memory_space<semaphore_mem>>) src(%dma_wait3A_30 : memref<280xf32, #tpu.memory_space<hbm>>) dst(%arg5 : memref<280xf32, #tpu.memory_space<vmem>>)
    %dma_wait3A_31 = arith.constant 0 : i32
    %dma_wait3A_32 = tpu.memref_slice %arg2[%dma_wait3A_31] : memref<1317400xf32, #tpu.memory_space<hbm>> -> memref<280xf32, #tpu.memory_space<hbm>>
    %dma_wait3A_33 = arith.constant 0 : i32
    %dma_wait3A_34 = tpu.memref_slice %arg2[%dma_wait3A_33] : memref<1317400xf32, #tpu.memory_space<hbm>> -> memref<280xf32, #tpu.memory_space<hbm>>
    tpu.wait_dma2 semaphore(%arg13 : memref<!tpu.dma_semaphore, #tpu.memory_space<semaphore_mem>>) src(%dma_wait3A_34 : memref<280xf32, #tpu.memory_space<hbm>>) dst(%arg6 : memref<280xf32, #tpu.memory_space<vmem>>)
    %dma_wait3A_35 = arith.constant 0 : i32
    %dma_wait3A_36 = tpu.memref_slice %arg2[%dma_wait3A_35] : memref<1317400xf32, #tpu.memory_space<hbm>> -> memref<840xf32, #tpu.memory_space<hbm>>
    %dma_wait3A_37 = arith.constant 0 : i32
    %dma_wait3A_38 = tpu.memref_slice %arg2[%dma_wait3A_37] : memref<1317400xf32, #tpu.memory_space<hbm>> -> memref<840xf32, #tpu.memory_space<hbm>>
    tpu.wait_dma2 semaphore(%arg14 : memref<!tpu.dma_semaphore, #tpu.memory_space<semaphore_mem>>) src(%dma_wait3A_38 : memref<840xf32, #tpu.memory_space<hbm>>) dst(%arg7 : memref<840xf32, #tpu.memory_space<vmem>>)
    %mul3A_39 = arith.constant 16 : i32
    %mul3A_40 = arith.muli %add3A, %mul3A_39 : i32
    %mul3A_41 = arith.constant 128 : i32
    %mul3A_42 = arith.muli %mul3A_40, %mul3A_41 : i32
    %multiple_of3A_43 = tpu.assume_multiple %mul3A_42, 8 : i32
    "tpu.region"() ({
      %run_scoped3A = tpu.sem_alloc : memref<!tpu.dma_semaphore, #tpu.memory_space<semaphore_mem>>
      %dma_start3A_44 = tpu.memref_slice %arg3[%multiple_of3A_43] : memref<65536xf32, #tpu.memory_space<hbm>> -> memref<2048xf32, #tpu.memory_space<hbm>>
      %dma_start3A_45 = tpu.memref_slice %arg3[%multiple_of3A_43] : memref<65536xf32, #tpu.memory_space<hbm>> -> memref<2048xf32, #tpu.memory_space<hbm>>
      tpu.enqueue_dma source(%arg11 : memref<2048xf32, #tpu.memory_space<vmem>>) target(%dma_start3A_45 : memref<2048xf32, #tpu.memory_space<hbm>>) target_semaphore(%run_scoped3A : memref<!tpu.dma_semaphore, #tpu.memory_space<semaphore_mem>>)
      %dma_wait3A_46 = tpu.memref_slice %arg3[%multiple_of3A_43] : memref<65536xf32, #tpu.memory_space<hbm>> -> memref<2048xf32, #tpu.memory_space<hbm>>
      %dma_wait3A_47 = tpu.memref_slice %arg3[%multiple_of3A_43] : memref<65536xf32, #tpu.memory_space<hbm>> -> memref<2048xf32, #tpu.memory_space<hbm>>
      tpu.wait_dma2 semaphore(%run_scoped3A : memref<!tpu.dma_semaphore, #tpu.memory_space<semaphore_mem>>) src(%arg11 : memref<2048xf32, #tpu.memory_space<vmem>>) dst(%dma_wait3A_47 : memref<2048xf32, #tpu.memory_space<hbm>>)
      tpu.yield
    }) : () -> ()
    return
  }
}

</mosaic_0001>

<sc_bundles>
// kernel: _sc_render.3.cloned.1.call-start
scs
__scs_entry_jumppad:
0x0: {  	(pc) =	sbr.rel $0x88, $3  }
0x1: {  	(tag) =	ssettag $0x0;
	lr =	simm.s32 $0x1  }
0x2: {  	[smem:$0x3FA0] =	sst lr;
	_ =	strace $0xD0000000  }
0x3: {  	_ = 	snop  }
0x4: {  	_ = 	snop  }
0x5: {  	_ = 	snop  }
0x6: {  	_ = 	snop  }
0x7: {  	_ = 	snop  }
__scs_overlays_trampoline_lowered:
0x8: {  	[smem:$0x3FAF] =	sst s0  }
0x9: {  	[smem:$0x3FB0] =	sst s1  }
0xa: {  	[smem:$0x3FB1] =	sst s2  }
0xb: {  	[smem:$0x3FB2] =	sst s3  }
0xc: {  	[smem:$0x3FB3] =	sst s4  }
0xd: {  	[smem:$0x3FB4] =	sst s5  }
0xe: {  	[smem:$0x3FB5] =	sst s6  }
0xf: {  	[smem:$0x3FB6] =	sst s7  }
0x10: {  	[smem:$0x3FB7] =	sst s8  }
0x11: {  	[smem:$0x3FB8] =	sst s9;
	s0 =	simm.s32 @!p0 $0x0  }
0x12: {  	s1 =	sld [smem:$0x3F9E];
	s0 =	simm.s32 @p0 $0x1  }
0x13: {  	[smem:$0x3FB9] =	sst s0;
	s0 =	simm.s32 @!p1 $0x0  }
0x14: {  	s2 =	sld [smem:$0x3F9D];
	s0 =	simm.s32 @p1 $0x1  }
0x15: {  	[smem:$0x3FBA] =	sst s0;
	s0 =	simm.s32 @!p2 $0x0  }
0x16: {  	s3 =	sld [smem:$0x3FDB];
	s0 =	simm.s32 @p2 $0x1  }
0x17: {  	s4 =	simm.s32 $0x1BF5;
	[smem:$0x3FBC] =	sst s0  }
0x18: {  	s0 =	sld [smem:$0x3F9F];
	_ =	swait.ge [sflag:s4], $0x0  }
0x19: {  	s7 =	sld [smem:$0x3FA0]  }
0x1a: {  	s8 =	sadd.s32 $0xFFFFE003, lr  }
0x1b: {  	s9 =	sadd.s32 $0xFFFFFEF7, lr;
	s5 =	simm.s32 $0xFFFFFFFF;
	p2 =	slt.u32 s8, $0xFFFFF086  }
0x1c: {  	p1 =	slt.u32 s9, $0xF7A;
	s5 =	simm.s32 @!p2 $0x0  }
0x1d: {  	s5 =	simm.s32 @p1 $0x1;
	p0 =	seq.s32 s7, s2  }
0x1e: {  	s7 =	smul.u32 @!p0 $0xF7A, s2;
	p2 =	seq.s32 @!p0 s5, $0x0  }
0x1f: {  	s9 =	smul.u32 $0xF7A, s1;
	s8 =	simm.s32 @!p0 $0x1BF5;
	p2 =	por !p2, p0  }
0x20: {  	[sflag:s8] =	ssyncset.s32 @!p0 $0xFFFFF086;
	s6 =	sadd.s32 @!p0 s3, s7;
	s7 =	simm.s32 @!p0 $0x108  }
0x21: {  	s3 =	sadd.s32 s3, s9;
	s6 =	sadd.s32 @!p0 $0x88, s6;
	s7 =	simm.s32 @p2 $0x1082  }
0x22: {  	[simem:s7], [sflag:s8] =	dma.local @!p0 [hbm:s6], $0xF7A  }
0x23: {  	s9 =	sor.u32 $0xD0000000, s2;
	s6 =	simm.s32 $0x108;
	_ =	swait.ge @!p0 [sflag:s8], $0x0  }
0x24: {  	s3 =	sadd.s32 $0x88, s3;
	s6 =	simm.s32 @!p1 $0x1082;
	[sflag:s4] =	ssyncset.s32 $0xFFFFF086  }
0x25: {  	[simem:s6], [sflag:s4] =	dma.local [hbm:s3], $0xF7A  }
0x26: {  	[smem:$0x3FA0] =	sst s1;
	(tag) =	ssettag s2;
	_ =	strace s9  }
0x27: {  	s1 =	sld [smem:$0x3FB0]  }
0x28: {  	s2 =	sld [smem:$0x3FB1]  }
0x29: {  	s4 =	sld [smem:$0x3FB3]  }
0x2a: {  	p0 =	seq.s32 s5, $0x0;
	s5 =	sld [smem:$0x3FB4]  }
0x2b: {  	s6 =	sld [smem:$0x3FB5]  }
0x2c: {  	s7 =	sld [smem:$0x3FB6]  }
0x2d: {  	s3 =	simm.s32 $0x108;
	s8 =	sld [smem:$0x3FB7]  }
0x2e: {  	s3 =	simm.s32 @!p0 $0x1082;
	s9 =	sld [smem:$0x3FB8]  }
0x2f: {  	lr =	sadd.s32 s0, s3;
	s0 =	sld [smem:$0x3FAF]  }
0x30: {  	s3 =	sld [smem:$0x3FB2]  }
0x31: {  	[smem:$0x3FBB] =	sst s10  }
0x32: {  	s10 =	sld [smem:$0x3FB9];
	_ =	sdelay $0x3  }
0x33: {  	p0 =	seq.s32 s10, $0x1;
	s10 =	sld [smem:$0x3FBB];
	_ =	sdelay $0x3  }
0x34: {  	[smem:$0x3FBB] =	sst s10  }
0x35: {  	s10 =	sld [smem:$0x3FBA];
	_ =	sdelay $0x3  }
0x36: {  	p1 =	seq.s32 s10, $0x1;
	s10 =	sld [smem:$0x3FBB];
	_ =	sdelay $0x3  }
0x37: {  	[smem:$0x3FBB] =	sst s10  }
0x38: {  	s10 =	sld [smem:$0x3FBC]  }
0x39: {  	_ = 	snop;
	(pc) =	sbr.ind lr, $3  }
0x3a: {  	_ = 	snop  }
0x3b: {  	_ = 	snop  }
0x3c: {  	p2 =	seq.s32 s10, $0x1;
	s10 =	sld [smem:$0x3FBB]  }
0x3d: {  	_ =	shalt  }
0x3e: {  	_ =	shalt  }
0x3f: {  	_ =	shalt  }
0x40: {  	_ =	shalt  }
0x41: {  	_ =	shalt  }
0x42: {  	_ =	shalt  }
0x43: {  	_ =	shalt  }
0x44: {  	_ =	shalt  }
0x45: {  	_ =	shalt  }
0x46: {  	_ =	shalt  }
0x47: {  	_ =	shalt  }
0x48: {  	_ =	shalt  }
0x49: {  	_ =	shalt  }
0x4a: {  	_ =	shalt  }
0x4b: {  	_ =	shalt  }
0x4c: {  	_ =	shalt  }
0x4d: {  	_ =	shalt  }
0x4e: {  	_ =	shalt  }
0x4f: {  	_ =	shalt  }
0x50: {  	_ =	shalt  }
0x51: {  	_ =	shalt  }
0x52: {  	_ =	shalt  }
0x53: {  	_ =	shalt  }
0x54: {  	_ =	shalt  }
0x55: {  	_ =	shalt  }
0x56: {  	_ =	shalt  }
0x57: {  	_ =	shalt  }
0x58: {  	_ =	shalt  }
0x59: {  	_ =	shalt  }
0x5a: {  	_ =	shalt  }
0x5b: {  	_ =	shalt  }
0x5c: {  	_ =	shalt  }
0x5d: {  	_ =	shalt  }
0x5e: {  	_ =	shalt  }
0x5f: {  	_ =	shalt  }
0x60: {  	_ =	shalt  }
0x61: {  	_ =	shalt  }
0x62: {  	_ =	shalt  }
0x63: {  	_ =	shalt  }
0x64: {  	_ =	shalt  }
0x65: {  	_ =	shalt  }
0x66: {  	_ =	shalt  }
0x67: {  	_ =	shalt  }
0x68: {  	_ =	shalt  }
0x69: {  	_ =	shalt  }
0x6a: {  	_ =	shalt  }
0x6b: {  	_ =	shalt  }
0x6c: {  	_ =	shalt  }
0x6d: {  	_ =	shalt  }
0x6e: {  	_ =	shalt  }
0x6f: {  	_ =	shalt  }
0x70: {  	_ =	shalt  }
0x71: {  	_ =	shalt  }
0x72: {  	_ =	shalt  }
0x73: {  	_ =	shalt  }
0x74: {  	_ =	shalt  }
0x75: {  	_ =	shalt  }
0x76: {  	_ =	shalt  }
0x77: {  	_ =	shalt  }
0x78: {  	_ =	shalt  }
0x79: {  	_ =	shalt  }
0x7a: {  	_ =	shalt  }
0x7b: {  	_ =	shalt  }
0x7c: {  	_ =	shalt  }
0x7d: {  	_ =	shalt  }
0x7e: {  	_ =	shalt  }
0x7f: {  	_ =	shalt  }
0x80: {  	_ =	shalt  }
0x81: {  	_ =	shalt  }
0x82: {  	_ =	shalt  }
0x83: {  	_ =	shalt  }
0x84: {  	_ =	shalt  }
0x85: {  	_ =	shalt  }
0x86: {  	_ =	shalt  }
0x87: {  	_ =	shalt  }
.Lfunc_end0:
.L_simem_size_0:
called_computation_lowered:
.L_overlay_start_0:
0x88: {  	s2 =	sld [smem:$0x3FD9]  }
0x89: {  	s3 =	sld [smem:$0x3FFE];
	_ =	sdelay $0x1  }
0x8a: {  	s1 =	srdreg.scid  }
0x8b: {  	s0 =	sand.u32 $0x1, s1  }
0x8c: {  	s18 =	sshll.u32 s0, $0xA;
	s2 =	sadd.s32 s3, s2  }
0x8d: {  	s2 =	sadd.s32 s2, s18  }
0x8e: {  	[smem:$0x3FC7] =	sst s2  }
0x8f: {  	_ = 	snop  }
0x90: {  	s2 =	sld [smem:$0x3FC9]  }
0x91: {  	s19 =	sld [smem:$0x3FD0];
	(tm) =	ssettm $0x1  }
0x92: {  	s4 =	sld [smem:$0x3FFB];
	_ =	sdelay $0x3  }
0x93: {  	_ =	strace s4  }
0x94: {  	s4 =	sld [smem:$0x3FFC];
	_ =	sdelay $0x3  }
0x95: {  	_ =	strace s4  }
0x96: {  	s4 =	sld [smem:$0x3FFD];
	_ =	sdelay $0x3  }
0x97: {  	_ =	strace s4  }
0x98: {  	_ =	strace $0x8FFFFFFF  }
0x99: {  	s20 =	sld [smem:$0x3FDB];
	_ =	sdelay $0x1  }
0x9a: {  	s5 =	simm.s32 $_scs_section_size  }
0x9b: {  	s6 =	simm.s32 $_size__tile_overlayer_lowered;
	s7 =	simm.s32 $_tile_overlayer_lowered  }
0x9c: {  	s23 =	simm.s32 $0x1BFF;
	s22 =	sshll.u32 s7, $0x1;
	s4 =	sadd.s32 s5, s20  }
0x9d: {  	s8 =	simm.s32 $0x0;
	s21 =	sshll.u32 s6, $0x1;
	s6 =	sadd.s32 s22, s4  }
0x9e: {  	[timem:s8], [sflag:s23] =	dma.local [hbm:s6], s21  }
0x9f: {  	_ =	swait.ge [sflag:s23], s21  }
0xa0: {  	s5 =	ssub.s32 $0x0, s21;
	[sflag:s23] =	ssyncset.done $0x0  }
0xa1: {  	[sflag:s23] =	ssyncadd.s32 s5;
	_ =	sdelay $0x1  }
0xa2: {  	s24 =	simm.s32 $0x1B8B  }
0xa3: {  	_ =	swait.ge [sflag:s24], $0x1  }
0xa4: {  	[sflag:s24] =	ssyncset.done $0x0  }
0xa5: {  	s25 =	simm.s32 $0x1B8E;
	[sflag:s24] =	ssyncadd.s32 $0xFFFFFFFF  }
0xa6: {  	s26 =	simm.s32 $execute0_lowered;
	[smem:$0x3FD2] =	sst s25  }
0xa7: {  	s5 =	sshll.u32 s26, $0x1;
	_ =	strace $0x80000046;
	[dreg:$0x1] =	wrdreg $0xFFFFFFFF  }
0xa8: {  	s28 =	simm.s32 $_size_execute0_lowered;
	s4 =	sadd.s32 s4, s5;
	[dreg:$0x0] =	wrdreg $0x0  }
0xa9: {  	s5 =	sshll.u32 s28, $0x1;
	[dreg:$0x2] =	wrdreg s4  }
0xaa: {  	[dreg:$0x3] =	wrdreg s5  }
0xab: {  	[dreg:$0x4] =	wrdreg $0xC0  }
0xac: {  	_ =	task [dreg:s8], $0x5FFFF  }
0xad: {  	[dreg:$0x1] =	wrdreg $0xFFFFFFFF  }
0xae: {  	[dreg:$0x0] =	wrdreg $0x60  }
0xaf: {  	[dreg:$0x2] =	wrdreg s2  }
0xb0: {  	[dreg:$0x3] =	wrdreg s19  }
0xb1: {  	[dreg:$0x4] =	wrdreg $0x9  }
0xb2: {  	_ =	task.clear_ibuf [dreg:s8], $0x5FFFF;
	_ =	strace $0x90000046  }
0xb3: {  	s29 =	simm.s32 $0x9;
	_ =	strace $0x80000048  }
0xb4: {  	_ =	swait.ge [sflag:s29], $0x1  }
0xb5: {  	[sflag:s29] =	ssyncadd.s32 $0xFFFFFFFF  }
0xb6: {  	_ =	strace $0x90000048  }
0xb7: {  	_ =	sfence  }
0xb8: {  	s30 =	sld [smem:$0x0];
	_ =	sdelay $0x2  }
0xb9: {  	s31 =	sshll.u32 s1, $0xD;
	s1 =	sshrl.u32 s1, $0x2  }
0xba: {  	s3 =	sand.u32 $0x4000, s31;
	s1 =	sadd.s32 s1, s30  }
0xbb: {  	s0 =	sor.u32 s3, s0;
	s1 =	sshll.u32 s1, $0x11  }
0xbc: {  	s0 =	sor.u32 s1, s0  }
0xbd: {  	s0 =	sadd.s32 $0x8F2B, s0  }
0xbe: {  	[sflag:s0] =	ssyncadd.remote.s32 $0x1  }
0xbf: {  	_ =	sfence.sel $0xFFFF  }
0xc0: {  	[dreg:$0x0] =	wrdreg $0xFFFFFFFF;
	(pc) =	sbr.abs _section_cstart, $3  }
0xc1: {  	[dreg:$0x1] =	wrdreg $0xFFFFFFFF  }
0xc2: {  	_ =	task.clear_ibuf [dreg:s8], $0x2FFFF;
	_ =	strace $0x9FFFFFFF  }
0xc3: {  	(tm) =	ssettm $0x7FFFFFFF  }
tec
execute0_lowered:
.L_overlay_start_1:
0x0: {  	(tag) =	ssettag $0x1  }
0x1: {  	s2 =	rddreg [dreg:$0x0]  }
0x2: {  	s0 =	rddreg [dreg:$0x1]  }
0x3: {  	s1 =	srdreg.scid;
	s4 =	stileid.u32;
	s3 =	simm.s32 $0x0  }
0x4: {  	s7 =	simm.s32 $0x7;
	s8 =	simm.s32 $0x100;
	s9 =	simm.s32 $0x280  }
0x5: {  	s10 =	simm.s32 $0x400;
	s11 =	simm.s32 $0x780;
	s12 =	simm.s32 $0x900  }
0x6: {  	s1 =	sand.u32 $0x1, s1;
	s4 =	sshll.u32 s4, $0x1;
	[smem:$0x7FF] =	sst s3  }
0x7: {  	s5 =	ssub.s32 $0x2, s1;
	s1 =	sor.u32 s1, s4;
	_ =	strace $0x80000047  }
.Ltmp0:
0x8: {  	s6 =	sshll.u32 s1, $0x4;
	s1 =	sshll.u32 s1, $0x8;
	(pc) =	sbr.rel .LBB2_1-.Ltmp0, $4  }
0x9: {  	v0 =	vlaneseq.u32;
	s29 =	sshrl.u32 s5, $0x1;
	s30 =	sadd.s32 s6, s2;
	s0 =	sadd.s32 s0, s1  }
0xa: {  	v1 =	vmul.u32 $0x3, v0;
	s4 =	ssub.s32 s5, s29;
	s5 =	sadd.s32 $0x28140, s30;
	[dreg:$0x4] =	wrdreg s0  }
0xb: {  	s13 =	simm.s32 $0xA80;
	vm0 =	vcmask $0xF0C;
	vm1 =	vcmask $0x3F0C;
	vm2 =	vcmask $0x3F08;
	s31 =	smax.u32 s4, $0x1;
	[dreg:$0x3] =	wrdreg s5  }
0xc: {  	s16 =	simm.s32 $0x3;
	vm3 =	vcmask $0x3F04;
	v2 =	vadd.s32 $0x1, v1;
	v3 =	vadd.s32 $0x2, v1;
	s1 =	simm.s32 $0x0;
	[dreg:$0x5] =	wrdreg s31  }
.LBB2_67:
0xd: {  	s0 =	simm.s32 $0x1  }
0xe: {  	_ =	swait.ge [sflag:s0], $0x118  }
0xf: {  	[sflag:s0] =	ssyncset.done $0x0  }
0x10: {  	s28 =	simm.s32 $0x2;
	[sflag:s0] =	ssyncadd.s32 $0xFFFFFEE8  }
0x11: {  	_ =	swait.ge [sflag:s28], $0x118  }
0x12: {  	[sflag:s28] =	ssyncset.done $0x0  }
0x13: {  	[sflag:s28] =	ssyncadd.s32 $0xFFFFFEE8  }
0x14: {  	_ =	swait.ge [sflag:s16], $0x348  }
0x15: {  	[sflag:s16] =	ssyncset.done $0x0  }
0x16: {  	s1 =	simm.s32 $0xE00;
	s29 =	rddreg [dreg:$0x4];
	[sflag:s16] =	ssyncadd.s32 $0xFFFFFCB8  }
0x17: {  	[hbm4b:s29+s3] =	stream.linear.scatter [tilespmem:s1], [sflag:$0x7], $0x800, $0x38;
	[tilespmem:$0x1600] =	vst v63  }
0x18: {  	_ =	swait.ge [sflag:s7], $0x800  }
0x19: {  	s30 =	rddreg [dreg:$0x6]  }
0x1a: {  	s31 =	rddreg [dreg:$0x5];
	s1 =	sadd.s32 $0x1, s30  }
0x1b: {  	p0 =	sne.s32 s1, s31  }
.Ltmp1:
0x1c: {  	_ = 	snop;
	(pc) =	sbr.rel @!p0 .LBB2_68-.Ltmp1, $3  }
0x1d: {  	_ =	sdelay $0x1  }
0x1e: {  	[sflag:s7] =	ssyncset.done $0x0  }
0x1f: {  	[sflag:s7] =	ssyncadd.s32 $0xFFFFF800  }
.LBB2_1:
0x20: {  	[dreg:$0x6] =	wrdreg s1  }
0x21: {  	s0 =	rddreg [dreg:$0x3]  }
0x22: {  	[tilespmem:s3], [sflag:$0x7] =	stream.linear.gather [hbm4b:s0+s3], $0x98, $0x38;
	[tilespmem:$0x1600] =	vst v63  }
0x23: {  	_ =	swait.ge [sflag:s7], $0x98  }
0x24: {  	[sflag:s7] =	ssyncset.done $0x0  }
0x25: {  	[sflag:s7] =	ssyncadd.s32 $0xFFFFFF68  }
0x26: {  	v4 =	vld [tilespmem:$0x0];
	_ =	sdelay $0x4  }
0x27: {  	(v2sf) =	vpush v4, $0x0;
	_ =	sdelay $0xe  }
0x28: {  	s29 =	spop (v2sf)  }
0x29: {  	s30 =	sshrl.u32 s29, $0x3;
	s0 =	sand.u32 $0xFFFFFFF8, s29  }
0x2a: {  	s31 =	sadd.s32 $0x40200, s29;
	s1 =	sadd.s32 s2, s30;
	s0 =	smul.u32 $0x3, s0  }
0x2b: {  	[tilespmem:s8], [sflag:$0x1] =	stream.linear.gather [hbm4b:s1+s3], $0x118, $0x38;
	[tilespmem:$0x1600] =	vst v63  }
0x2c: {  	s1 =	sshrl.u32 s31, $0x3  }
.Ltmp2:
0x2d: {  	s1 =	sadd.s32 s2, s1;
	s0 =	sadd.s32 $0x80400, s0;
	(pc) =	sbr.rel .LBB2_2-.Ltmp2, $4  }
0x2e: {  	[tilespmem:s9], [sflag:$0x2] =	stream.linear.gather [hbm4b:s1+s3], $0x118, $0x38;
	[tilespmem:$0x1600] =	vst v63  }
0x2f: {  	s0 =	sshrl.u32 s0, $0x3  }
0x30: {  	s22 =	simm.s32 $0x0;
	s0 =	sadd.s32 s2, s0  }
0x31: {  	[tilespmem:s10], [sflag:$0x3] =	stream.linear.gather [hbm4b:s0+s3], $0x348, $0x38;
	[tilespmem:$0x1600] =	vst v63  }
.LBB2_66:
0x32: {  	(xrf2) =	vadd.scan.msk.f32 $0xffff, v6  }
0x33: {  	(xrf2) =	vadd.scan.msk.f32 $0xffff, v7  }
0x34: {  	(xrf2) =	vadd.scan.msk.f32 $0xffff, v5  }
0x35: {  	(xrf2) =	vadd.scan.msk.f32 $0xffff, v4;
	_ =	sdelay $0x6  }
0x36: {  	v4, _, _ =	vpop (xrf2)  }
0x37: {  	v5, _, _ =	vpop (xrf2)  }
0x38: {  	v62, _, _ =	vpop (xrf2)  }
0x39: {  	v63, _, _ =	vpop (xrf2)  }
0x3a: {  	s22 =	sadd.s32 $0x1, s22;
	v7 =	vbroadcast v63, $0xF  }
0x3b: {  	p0 =	sne.s32 s22, $0x40;
	v6 =	vbroadcast v62, $0xF  }
.Ltmp3:
0x3c: {  	v5 =	vbroadcast v5, $0xF;
	v7 =	vnsel vm0, $0x0, v7;
	(pc) =	sbr.rel @!p0 .LBB2_67-.Ltmp3, $4  }
0x3d: {  	v4 =	vbroadcast v4, $0xF;
	v6 =	vsel vm1, v7, v6  }
0x3e: {  	v5 =	vsel vm2, v6, v5  }
0x3f: {  	v4 =	vsel vm3, v5, v4  }
0x40: {  	[tilespmem:s24+$0xE10] =	vst v4  }
.LBB2_2:
0x41: {  	s0 =	sshll.u32 s22, $0x1  }
0x42: {  	s23 =	sand.u32 $0x3FFFFFFE, s0  }
0x43: {  	v4 =	vld [tilespmem:s23+$0x1];
	_ =	sdelay $0x4  }
0x44: {  	(v2sf) =	vpush v4, $0x0;
	_ =	sdelay $0xe  }
0x45: {  	s24 =	spop (v2sf)  }
0x46: {  	s1 =	sshrl.u32 s24, $0x3;
	s0 =	sand.u32 $0xFFFFFFF8, s24  }
0x47: {  	s25 =	sadd.s32 $0x40200, s24;
	s1 =	sadd.s32 s2, s1;
	s0 =	smul.u32 $0x3, s0  }
0x48: {  	[tilespmem:s11], [sflag:$0x4] =	stream.linear.gather [hbm4b:s1+s3], $0x118, $0x38;
	[tilespmem:$0x1600] =	vst v63  }
0x49: {  	s1 =	sshrl.u32 s25, $0x3  }
0x4a: {  	s1 =	sadd.s32 s2, s1;
	s0 =	sadd.s32 $0x80400, s0  }
0x4b: {  	[tilespmem:s12], [sflag:$0x5] =	stream.linear.gather [hbm4b:s1+s3], $0x118, $0x38;
	[tilespmem:$0x1600] =	vst v63  }
0x4c: {  	s0 =	sshrl.u32 s0, $0x3  }
0x4d: {  	s26 =	simm.s32 $0x1;
	s0 =	sadd.s32 s2, s0  }
0x4e: {  	[tilespmem:s13], [sflag:$0x6] =	stream.linear.gather [hbm4b:s0+s3], $0x348, $0x38;
	[tilespmem:$0x1600] =	vst v63  }
0x4f: {  	_ =	swait.ge [sflag:s26], $0x118  }
0x50: {  	[sflag:s26] =	ssyncset.done $0x0  }
0x51: {  	s30 =	simm.s32 $0x2;
	[sflag:s26] =	ssyncadd.s32 $0xFFFFFEE8  }
0x52: {  	_ =	swait.ge [sflag:s30], $0x118  }
0x53: {  	[sflag:s30] =	ssyncset.done $0x0  }
0x54: {  	[sflag:s30] =	ssyncadd.s32 $0xFFFFFEE8  }
0x55: {  	_ =	swait.ge [sflag:s16], $0x348  }
0x56: {  	[sflag:s16] =	ssyncset.done $0x0  }
0x57: {  	[sflag:s16] =	ssyncadd.s32 $0xFFFFFCB8  }
0x58: {  	v4 =	vld [tilespmem:s23+$0x0];
	_ =	sdelay $0x4  }
0x59: {  	(v2sf) =	vpush v4, $0x0  }
0x5a: {  	(v2sf) =	vpush v4, $0x1;
	_ =	sdelay $0xd  }
0x5b: {  	s24 =	spop (v2sf)  }
0x5c: {  	s25 =	spop (v2sf)  }
0x5d: {  	s0 =	ssub.s32 s25, s24  }
0x5e: {  	p0 =	slt.s32 s0, $0x100;
	s6 =	smov.u32 s0  }
0x5f: {  	s6 =	simm.s32 @!p0 $0x100  }
0x60: {  	s31 =	sadd.s32 $0xF, s6  }
0x61: {  	s5 =	sshra.s32 s31, $0x4  }
0x62: {  	p0 =	slt.s32 s5, $0x1  }
.Ltmp4:
0x63: {  	_ = 	snop;
	(pc) =	sbr.rel @p0 .LBB2_3-.Ltmp4, $3  }
0x64: {  	_ =	sdelay $0x1  }
0x65: {  	s26 =	sand.u32 $0x7, s24  }
0x66: {  	s28 =	sor.u32 $0x100, s26;
	s29 =	sor.u32 $0x280, s26  }
0x67: {  	s14 =	sor.u32 $0x100, s26  }
0x68: {  	v4 =	vld [tilespmem:s14+$0x0]  }
0x69: {  	p4 =	sne.s32 s5, $0x1  }
.Ltmp5:
0x6a: {  	_ = 	snop;
	(pc) =	sbr.rel @!p4 .LBB2_5-.Ltmp5, $4  }
0x6b: {  	_ = 	snop  }
0x6c: {  	s4 =	sor.u32 $0x280, s26;
	s1 =	simm.f32 $0.0e+00  }
0x6d: {  	s30 =	simm.s32 $0x0;
	s5 =	sadd.s32 $0xFFFFFFFF, s5;
	p0 =	por $0x0, $0x0;
	v6 =	vmax.f32 v4, $0.0e+00  }
0x6e: {  	v5 =	vimm.f32 $0.0e+00;
	p1 =	por $0x0, $0x0;
	p2 =	por $0x0, $0x0;
	p3 =	por $0x0, $0x0;
	v9 =	vld [tilespmem:s4+$0x0];
	v4 =	vmov s6;
	v11 =	vsub.f32 $0.0e+00, v6  }
0x6f: {  	s14 =	sadd.s32 $0x10, s14  }
0x70: {  	v7 =	vld [tilespmem:s14+$0x0]  }
0x71: {  	p4 =	sne.s32 s5, $0x1  }
.Ltmp6:
0x72: {  	_ = 	snop;
	(pc) =	sbr.rel @!p4 .LBB2_7-.Ltmp6, $4  }
0x73: {  	v6 =	vor.u32 s30, v0;
	v8 =	vmul.f32 v11, v9  }
0x74: {  	vm4 =	vlt.s32 v6, v4  }
0x75: {  	s15 =	sadd.s32 $0x10, s4;
	v6 =	vnsel vm4, $0x0, v8;
	v7 =	vmax.f32 v7, $0.0e+00  }
0x76: {  	s6 =	sadd.s32 $0xFFFFFFFF, s5;
	s4 =	simm.s32 $0x10;
	p0 =	por $0x1, $0x1;
	v9 =	vld [tilespmem:s15+$0x0];
	(xrf2) =	vadd.scan.msk.f32 $0xffff, v6;
	v11 =	vsub.f32 $0.0e+00, v7  }
0x77: {  	_ =	sdelay $0x2  }
0x78: {  	s14 =	sadd.s32 $0x10, s14  }
0x79: {  	v8 =	vld [tilespmem:s14+$0x0]  }
0x7a: {  	p4 =	sne.s32 s6, $0x1  }
.Ltmp7:
0x7b: {  	_ = 	snop;
	(pc) =	sbr.rel @!p4 .LBB2_9-.Ltmp7, $4  }
0x7c: {  	v7 =	vor.u32 s4, v0;
	v9 =	vmul.f32 v11, v9  }
0x7d: {  	vm4 =	vlt.s32 v7, v4  }
0x7e: {  	s5 =	sadd.s32 $0x10, s15;
	v7 =	vnsel vm4, $0x0, v9;
	v8 =	vmax.f32 v8, $0.0e+00;
	v10, _, _ =	vpop (xrf2)  }
0x7f: {  	s6 =	sadd.s32 $0xFFFFFFFF, s6;
	s30 =	simm.s32 $0x20;
	p1 =	por $0x1, $0x1;
	v9 =	vld [tilespmem:s5+$0x0];
	v11 =	vsub.f32 $0.0e+00, v8;
	(xrf2) =	vadd.scan.msk.f32 $0xffff, v7;
	(v2sf) =	vpush v10, $0xF  }
0x80: {  	_ =	sdelay $0x5  }
0x81: {  	s15 =	sadd.s32 $0x10, s14;
	v6 =	vsub.f32 v10, v6  }
0x82: {  	s31 =	sadd.s32 $0x0, s26;
	v10 =	vadd.f32 s1, v10;
	v12 =	vld [tilespmem:s15+$0x0]  }
0x83: {  	v9 =	vmul.f32 v11, v9;
	v11 =	vadd.f32 s1, v6;
	v6 =	vmov s31  }
0x84: {  	v8 =	vor.u32 s30, v0;
	p4 =	sne.s32 s6, $0x1;
	v13 =	vmul.u32 $0x3, v6  }
.Ltmp8:
0x85: {  	vm4 =	vlt.s32 v8, v4;
	v10 =	vmul.f32 $1.442695020e+00, v10;
	(pc) =	sbr.rel @!p4 .LBB2_11-.Ltmp8, $4  }
0x86: {  	v6 =	vnsel vm4, $0x0, v9;
	v9 =	vmul.f32 $1.442695020e+00, v11;
	v14 =	vbroadcast v13, $0x0  }
0x87: {  	(erf) = vpow2.f32 v10;
	v10 =	vmax.f32 v12, $0.0e+00  }
0x88: {  	s14 =	sadd.s32 $0x10, s5;
	s5 =	sadd.s32 $0xFFFFFFFF, s6;
	v11 =	vsub.f32 $0.0e+00, v10;
	(erf) = vpow2.f32 v9;
	v8, _, _ =	vpop (xrf2);
	v12 =	vadd.s32 v1, v14  }
0x89: {  	s21 =	simm.s32 $0x30;
	p2 =	por $0x1, $0x1;
	v9 =	vld [tilespmem:s14+$0x0];
	(xrf2) =	vadd.scan.msk.f32 $0xffff, v6;
	v13 =	vadd.s32 v3, v14;
	v14 =	vadd.s32 v2, v14;
	(v2sf) =	vpush v8, $0xF;
	s20 =	spop (v2sf)  }
0x8a: {  	_ =	sdelay $0x1  }
0x8b: {  	s6 =	sadd.f32 s20, s1;
	v10 =	vsub.f32 v8, v7;
	_ =	sdelay $0x1  }
0x8c: {  	v17 =	vadd.f32 s6, v8;
	v9 =	vmul.f32 v11, v9;
	v11 =	vadd.f32 s6, v10  }
0x8d: {  	s18 =	sadd.s32 $0x10, s15  }
0x8e: {  	v15 =	vor.u32 s21, v0;
	v16 =	vld [tilespmem:s18+$0x0];
	v17 =	vmul.f32 $1.442695020e+00, v17  }
0x8f: {  	s31 =	sadd.s32 $0x10, s26;
	vm4 =	vlt.s32 v15, v4  }
0x90: {  	v18 =	vmov s31;
	v27 =	vnsel vm4, $0x0, v9;
	v9 =	vmul.f32 $1.442695020e+00, v11;
	v11 =	vpop (erf)  }
0x91: {  	s14 =	sadd.s32 $0x10, s14;
	v15 =	vld.idx.msk [tilespmem:v13+s10+$0x0], $0xffff;
	v18 =	vmul.u32 $0x3, v18;
	(erf) = vpow2.f32 v17;
	v10, _, _ =	vpop (xrf2);
	(xrf2) =	vadd.scan.msk.f32 $0xffff, v27  }
0x92: {  	p4 =	sne.s32 s5, $0x1;
	v17 =	vpop (erf);
	(erf) = vpow2.f32 v9;
	v9 =	vld [tilespmem:s14+$0x0];
	(v2sf) =	vpush v10, $0xF  }
.Ltmp9:
0x93: {  	v18 =	vbroadcast v18, $0x0;
	v19 =	vmax.f32 v16, $0.0e+00;
	v16 =	vsub.f32 v17, v11;
	v17 =	vld.idx.msk [tilespmem:v12+s10+$0x0], $0xffff;
	(pc) =	sbr.rel @!p4 .LBB2_13-.Ltmp9, $4  }
0x94: {  	_ = 	snop  }
0x95: {  	v21 =	vld.idx.msk [tilespmem:v14+s10+$0x0], $0xffff;
	v22 =	vimm.f32 $0.0e+00;
	v20 =	vadd.s32 v1, v18;
	v24 =	vadd.s32 v3, v18  }
0x96: {  	s19 =	sadd.s32 $0xFFFFFFFF, s5;
	v23 =	vadd.s32 v2, v18;
	v11 =	vsub.f32 $0.0e+00, v19;
	v19 =	vimm.f32 $0.0e+00  }
0x97: {  	s5 =	simm.s32 $0x40;
	p3 =	por $0x1, $0x1;
	v18 =	vadd.f32 v16, v5;
	v25 =	vmul.f32 v16, v15;
	v15 =	vimm.f32 $0.0e+00;
	s17 =	spop (v2sf)  }
.LBB2_14:
0x98: {  	p4 =	sne.s32 s19, $0x1;
	v26 =	vor.u32 s5, v0;
	v9 =	vmul.f32 v11, v9;
	s6 =	sadd.f32 s17, s6;
	v11 =	vmul.f32 v16, v17  }
0x99: {  	s18 =	sadd.s32 $0x10, s18;
	v17 =	vsub.f32 v10, v6;
	v6 =	vmovc v27;
	vm4 =	vlt.s32 v26, v4;
	v15 =	vadd.f32 v25, v15  }
0x9a: {  	s15 =	sadd.s32 s30, s26;
	s30 =	smov.u32 s21;
	s21 =	smov.u32 s5;
	v16 =	vmul.f32 v16, v21;
	v25 =	vld [tilespmem:s18+$0x0];
	v27 =	vnsel vm4, $0x0, v9;
	v9 =	vadd.f32 s6, v10  }
0x9b: {  	v21 =	vadd.f32 s6, v17;
	v17 =	vmov s15;
	v19 =	vadd.f32 v11, v19;
	(xrf2) =	vadd.scan.msk.f32 $0xffff, v27;
	v10, _, _ =	vpop (xrf2);
	v26 =	vld.idx.msk [tilespmem:v24+s10+$0x0], $0xffff  }
0x9c: {  	s14 =	sadd.s32 $0x10, s14;
	v24 =	vmul.u32 $0x3, v17;
	(v2sf) =	vpush v10, $0xF;
	v30 =	vmul.f32 $1.442695020e+00, v9;
	v17 =	vld.idx.msk [tilespmem:v20+s10+$0x0], $0xffff  }
.Ltmp10:
0x9d: {  	v22 =	vadd.f32 v16, v22;
	v20 =	vmul.f32 $1.442695020e+00, v21;
	v9 =	vld [tilespmem:s14+$0x0];
	v28 =	vpop (erf);
	(pc) =	sbr.rel @p4 .LBB2_14-.Ltmp10, $4  }
0x9e: {  	v29 =	vbroadcast v24, $0x0;
	(erf) = vpow2.f32 v30;
	v21 =	vld.idx.msk [tilespmem:v23+s10+$0x0], $0xffff;
	v11 =	vpop (erf)  }
0x9f: {  	v23 =	vmax.f32 v25, $0.0e+00;
	(erf) = vpow2.f32 v20;
	v16 =	vsub.f32 v11, v28  }
0xa0: {  	v20 =	vadd.s32 v1, v29;
	v24 =	vadd.s32 v3, v29;
	v11 =	vsub.f32 $0.0e+00, v23  }
0xa1: {  	s19 =	sadd.s32 $0xFFFFFFFF, s19;
	s5 =	sadd.s32 $0x10, s5;
	v23 =	vadd.s32 v2, v29;
	s17 =	spop (v2sf);
	v18 =	vadd.f32 v16, v18;
	v25 =	vmul.f32 v16, v26  }
0xa2: {  	v26 =	vmov v6;
	s18 =	smov.u32 s30;
	v6 =	vmov v27;
	s30 =	smov.u32 s21  }
.LBB2_16:
0xa3: {  	_ =	sdelay $0x1  }
0xa4: {  	v27, _, _ =	vpop @p0 (xrf2)  }
0xa5: {  	(v2sf) =	vpush @p0 v27, $0xF;
	_ =	sdelay $0x1  }
0xa6: {  	s6 =	sadd.f32 @p2 s17, s6;
	v9 =	vmul.f32 v11, v9;
	v51 =	vor.u32 s5, v0;
	v11 =	vmul.f32 @p3 v16, v17  }
0xa7: {  	s14 =	simm.f32 $0.0e+00;
	v26 =	vsub.f32 @p1 v10, v26;
	v15 =	vadd.f32 @p3 v25, v15;
	v16 =	vmul.f32 @p3 v16, v21  }
0xa8: {  	v6 =	vpsel p0, v6, v7;
	vm4 =	vlt.s32 v51, v4;
	s14 =	smov.u32 @p2 s6;
	v11 =	vadd.f32 @p3 v11, v19  }
0xa9: {  	s15 =	sadd.s32 @p1 s18, s26;
	v20 =	vld.idx.msk @p2 [tilespmem:v20+s10+$0x0], $0xffff;
	v9 =	vnsel vm4, $0x0, v9;
	v16 =	vadd.f32 @p3 v16, v22;
	v4 =	vadd.f32 @p1 s14, v10  }
0xaa: {  	v7 =	vpsel p3, v15, v5;
	v10 =	vmov @p1 s15;
	v17 =	vadd.f32 @p1 s14, v26  }
0xab: {  	v24 =	vld.idx.msk @p2 [tilespmem:v24+s10+$0x0], $0xffff;
	v8 =	vpsel p0, v27, v8;
	v10 =	vmul.u32 @p1 $0x3, v10;
	v4 =	vmul.f32 @p1 $1.442695020e+00, v4  }
0xac: {  	(xrf2) =	vadd.scan.msk.f32 $0xffff, v9;
	v21 =	vpop @p2 (erf);
	v11 =	vpsel p3, v11, v5;
	v6 =	vsub.f32 @p0 v8, v6;
	v17 =	vmul.f32 @p1 $1.442695020e+00, v17;
	s6 =	spop @p1 (v2sf)  }
0xad: {  	v16 =	vpsel p3, v16, v5;
	v25 =	vpop @p2 (erf);
	v10 =	vbroadcast @p1 v10, $0x0;
	(erf) = vpow2.f32 @p1 v4;
	s20 =	smov.u32 @p1 s6  }
0xae: {  	v20 =	vpsel p2, v20, v0;
	v19 =	vsub.f32 @p2 v25, v21;
	(erf) = vpow2.f32 @p1 v17;
	s6 =	sadd.f32 @p1 s20, s14  }
0xaf: {  	s15 =	simm.f32 $0.0e+00;
	v17 =	vadd.s32 @p1 v1, v10;
	v21 =	vadd.s32 @p1 v3, v10;
	v10 =	vadd.s32 @p1 v2, v10;
	s14 =	smov.u32 @p0 s30  }
0xb0: {  	v18 =	vadd.f32 @p2 v19, v18;
	v22 =	vmul.f32 @p2 v19, v24;
	v19 =	vpsel p2, v19, v0;
	s4 =	smov.u32 @p0 s14;
	s15 =	smov.u32 @p1 s6  }
0xb1: {  	v4 =	vld.idx.msk @p2 [tilespmem:v23+s10+$0x0], $0xffff;
	v13 =	vpsel p1, v21, v13;
	v12 =	vpsel p1, v17, v12;
	s4 =	sadd.s32 @p0 s4, s26;
	v8 =	vadd.f32 @p0 s15, v8  }
0xb2: {  	v10 =	vpsel p1, v10, v14;
	v6 =	vadd.f32 @p0 s15, v6;
	v17 =	vmov @p0 s4  }
0xb3: {  	v15 =	vpsel p2, v22, v0;
	v17 =	vmul.u32 @p0 $0x3, v17;
	v8 =	vmul.f32 @p0 $1.442695020e+00, v8;
	s4 =	spop @p0 (v2sf)  }
0xb4: {  	v14 =	vpsel p2, v18, v5;
	v18 =	vmul.f32 @p2 v19, v20;
	v6 =	vmul.f32 @p0 $1.442695020e+00, v6;
	s4 =	smov.u32 @p0 s4  }
0xb5: {  	s30 =	sadd.s32 s5, s26;
	v7 =	vadd.f32 @p2 v15, v7;
	v17 =	vbroadcast @p0 v17, $0x0;
	(erf) = vpow2.f32 @p0 v8;
	s4 =	sadd.f32 @p0 s4, s15  }
0xb6: {  	v53 =	vmov s30;
	v4 =	vpsel p2, v4, v0;
	v52, _, _ =	vpop (xrf2);
	(erf) = vpow2.f32 @p0 v6  }
0xb7: {  	v8 =	vld.idx.msk @p1 [tilespmem:v13+s10+$0x0], $0xffff;
	v6 =	vsub.f32 v52, v9;
	v9 =	vadd.s32 @p0 v1, v17;
	v13 =	vadd.s32 @p0 v3, v17;
	s1 =	smov.u32 @p0 s4  }
0xb8: {  	v17 =	vadd.s32 @p0 v2, v17;
	v9 =	vpsel p0, v9, v0;
	v15 =	vadd.f32 s1, v52  }
0xb9: {  	v4 =	vmul.f32 @p2 v19, v4;
	v17 =	vpsel p0, v17, v0;
	v6 =	vadd.f32 s1, v6  }
0xba: {  	v19 =	vmul.u32 $0x3, v53;
	v12 =	vld.idx.msk @p1 [tilespmem:v12+s10+$0x0], $0xffff;
	v13 =	vpsel p0, v13, v0;
	v15 =	vmul.f32 $1.442695020e+00, v15  }
0xbb: {  	v11 =	vadd.f32 @p2 v18, v11;
	v7 =	vpsel p2, v7, v5;
	v10 =	vld.idx.msk @p1 [tilespmem:v10+s10+$0x0], $0xffff;
	v18 =	vpop @p1 (erf);
	v6 =	vmul.f32 $1.442695020e+00, v6  }
0xbc: {  	(v2sf) =	vpush v52, $0xF;
	v19 =	vbroadcast v19, $0x0;
	v20 =	vpop @p1 (erf);
	(erf) = vpow2.f32 v15  }
0xbd: {  	v11 =	vpsel p2, v11, v5;
	v18 =	vsub.f32 @p1 v20, v18;
	v9 =	vld.idx.msk @p0 [tilespmem:v9+s10+$0x0], $0xffff;
	(erf) = vpow2.f32 v6  }
0xbe: {  	v4 =	vadd.f32 @p2 v4, v16;
	v54 =	vadd.s32 v3, v19;
	v55 =	vadd.s32 v1, v19;
	v17 =	vld.idx.msk @p0 [tilespmem:v17+s10+$0x0], $0xffff  }
0xbf: {  	v14 =	vadd.f32 @p1 v18, v14;
	v6 =	vmul.f32 @p1 v18, v8;
	v8 =	vpsel p1, v12, v0;
	v12 =	vld.idx.msk @p0 [tilespmem:v13+s10+$0x0], $0xffff  }
0xc0: {  	v19 =	vadd.s32 v2, v19;
	v10 =	vpsel p1, v10, v0;
	v16 =	vpsel p1, v18, v0;
	v15 =	vpop @p0 (erf)  }
0xc1: {  	v4 =	vpsel p2, v4, v5;
	v10 =	vmul.f32 @p1 v16, v10;
	v14 =	vpsel p1, v14, v5;
	v20 =	vpop @p0 (erf)  }
0xc2: {  	v8 =	vmul.f32 @p1 v16, v8;
	v6 =	vpsel p1, v6, v0;
	v15 =	vsub.f32 @p0 v20, v15  }
0xc3: {  	v56 =	vld.idx.msk [tilespmem:v54+s10+$0x0], $0xffff;
	v4 =	vadd.f32 @p1 v10, v4;
	v9 =	vpsel p0, v9, v0;
	v6 =	vadd.f32 @p1 v6, v7  }
0xc4: {  	v57 =	vld.idx.msk [tilespmem:v55+s10+$0x0], $0xffff;
	v16 =	vpsel p0, v17, v0;
	v7 =	vadd.f32 @p1 v8, v11;
	v8 =	vmul.f32 @p0 v15, v12  }
0xc5: {  	v59 =	vld.idx.msk [tilespmem:v19+s10+$0x0], $0xffff;
	v10 =	vadd.f32 @p0 v15, v14;
	v13 =	vpsel p0, v15, v0;
	v6 =	vpsel p1, v6, v5;
	v58 =	vpop (erf)  }
0xc6: {  	v7 =	vpsel p1, v7, v5;
	v9 =	vmul.f32 @p0 v13, v9;
	v8 =	vpsel p0, v8, v0;
	v60 =	vpop (erf)  }
0xc7: {  	v13 =	vmul.f32 @p0 v13, v16;
	v6 =	vadd.f32 @p0 v8, v6;
	v14 =	vsub.f32 v60, v58  }
.Ltmp11:
0xc8: {  	v4 =	vpsel p1, v4, v5;
	v10 =	vpsel p0, v10, v5;
	v7 =	vadd.f32 @p0 v9, v7;
	(pc) =	sbr.rel .LBB2_17-.Ltmp11, $4  }
0xc9: {  	v8 =	vadd.f32 @p0 v13, v4;
	v6 =	vpsel p0, v6, v5;
	v61 =	vmul.f32 v14, v56  }
0xca: {  	v7 =	vpsel p0, v7, v5;
	v62 =	vmul.f32 v14, v57;
	v63 =	vmul.f32 v14, v59  }
0xcb: {  	s31 =	spop (v2sf);
	v8 =	vpsel p0, v8, v5;
	v4 =	vadd.f32 v14, v10;
	v5 =	vadd.f32 v61, v6  }
0xcc: {  	s6 =	sadd.f32 s31, s1;
	v6 =	vadd.f32 v62, v7;
	v7 =	vadd.f32 v63, v8  }
.LBB2_3:
0xcd: {  	v4 =	vimm.f32 $0.0e+00  }
0xce: {  	s6 =	simm.f32 $0.0e+00;
	v6 =	vimm.f32 $0.0e+00;
	v7 =	vimm.f32 $0.0e+00;
	v5 =	vimm.f32 $0.0e+00  }
.LBB2_17:
0xcf: {  	s0 =	sadd.s32 $0xFF, s0  }
0xd0: {  	s0 =	sshra.s32 s0, $0x8  }
0xd1: {  	p0 =	slt.s32 s0, $0x2  }
.Ltmp12:
0xd2: {  	_ = 	snop;
	(pc) =	sbr.rel @p0 .LBB2_34-.Ltmp12, $1  }
0xd3: {  	_ =	sdelay $0x3  }
.Ltmp13:
0xd4: {  	(pc) =	sbr.rel .LBB2_20-.Ltmp13, $2  }
0xd5: {  	_ =	sdelay $0x2  }
0xd6: {  	s31 =	sadd.s32 $0xFFFFFFFE, s0;
	s0 =	simm.s32 $0x0  }
.LBB2_22:
0xd7: {  	_ = 	snop  }
0xd8: {  	s4 =	simm.s32 $0x0;
	v19 =	vmovc v5;
	v22 =	vmov v4;
	s30 =	smov.u32 s6;
	v21 =	vmov v6;
	v24 =	vmov v7  }
.LBB2_33:
0xd9: {  	_ = 	snop  }
0xda: {  	v30, _, _ =	vpop @p0 (xrf2)  }
0xdb: {  	(v2sf) =	vpush @p0 v30, $0xF;
	_ =	sdelay $0x1  }
0xdc: {  	v11 =	vmul.f32 v15, v11;
	v50 =	vor.u32 s4, v0;
	v29 =	vsub.f32 @p1 v12, v29  }
0xdd: {  	s14 =	sadd.f32 @p2 s21, s30;
	v15 =	vmul.f32 @p3 v20, v18;
	v19 =	vadd.f32 @p3 v28, v19;
	v20 =	vmul.f32 @p3 v20, v23;
	s21 =	sadd.s32 s4, s26  }
0xde: {  	v23 =	vld.idx.msk @p2 [tilespmem:v25+s10+$0x0], $0xffff;
	v9 =	vpsel p0, v9, v10;
	s15 =	smov.u32 s6;
	vm4 =	vlt.s32 v50, v8;
	v53 =	vmov s21  }
0xdf: {  	s15 =	smov.u32 @p2 s14;
	v11 =	vnsel vm4, $0x0, v11;
	v15 =	vadd.f32 @p3 v15, v21;
	v20 =	vadd.f32 @p3 v20, v24  }
0xe0: {  	s19 =	sadd.s32 @p1 s19, s26;
	v27 =	vld.idx.msk @p2 [tilespmem:v27+s10+$0x0], $0xffff;
	v13 =	vpsel p0, v30, v13;
	v10 =	vpsel p3, v19, v5;
	v8 =	vadd.f32 @p1 s15, v12;
	v25 =	vpop @p2 (erf)  }
0xe1: {  	v12 =	vmov @p1 s19;
	v18 =	vadd.f32 @p1 s15, v29;
	(xrf2) =	vadd.scan.msk.f32 $0xffff, v11;
	v9 =	vsub.f32 @p0 v13, v9;
	v28 =	vpop @p2 (erf)  }
0xe2: {  	v12 =	vmul.u32 @p1 $0x3, v12;
	v8 =	vmul.f32 @p1 $1.442695020e+00, v8;
	v21 =	vsub.f32 @p2 v28, v25  }
0xe3: {  	v15 =	vpsel p3, v15, v6;
	v18 =	vmul.f32 @p1 $1.442695020e+00, v18;
	v23 =	vpsel p2, v23, v0;
	s14 =	spop @p1 (v2sf)  }
0xe4: {  	v12 =	vbroadcast @p1 v12, $0x0;
	(erf) = vpow2.f32 @p1 v8;
	v22 =	vadd.f32 @p2 v21, v22;
	s17 =	smov.u32 @p1 s14  }
0xe5: {  	v25 =	vmul.f32 @p2 v21, v27;
	v21 =	vpsel p2, v21, v0;
	(erf) = vpow2.f32 @p1 v18;
	s14 =	sadd.f32 @p1 s17, s15;
	s15 =	smov.u32 @p0 s18  }
0xe6: {  	v18 =	vadd.s32 @p1 v1, v12;
	v24 =	vadd.s32 @p1 v3, v12;
	v12 =	vadd.s32 @p1 v2, v12;
	s17 =	smov.u32 s6;
	s5 =	smov.u32 @p0 s15  }
0xe7: {  	v19 =	vpsel p2, v25, v0;
	v16 =	vpsel p1, v24, v16;
	v14 =	vpsel p1, v18, v14;
	s17 =	smov.u32 @p1 s14;
	s5 =	sadd.s32 @p0 s5, s26  }
0xe8: {  	v18 =	vpsel p3, v20, v7;
	v13 =	vadd.f32 @p0 s17, v13;
	v20 =	vmov @p0 s5  }
0xe9: {  	v12 =	vpsel p1, v12, v17;
	v9 =	vadd.f32 @p0 s17, v9;
	v20 =	vmul.u32 @p0 $0x3, v20;
	s5 =	spop @p0 (v2sf)  }
0xea: {  	v17 =	vpsel p2, v22, v4;
	v22 =	vmul.f32 @p2 v21, v23;
	v13 =	vmul.f32 @p0 $1.442695020e+00, v13;
	s5 =	smov.u32 @p0 s5  }
0xeb: {  	v8 =	vld.idx.msk @p2 [tilespmem:v26+s10+$0x0], $0xffff;
	v10 =	vadd.f32 @p2 v19, v10;
	v51, _, _ =	vpop (xrf2);
	v9 =	vmul.f32 @p0 $1.442695020e+00, v9;
	v20 =	vbroadcast @p0 v20, $0x0;
	s5 =	sadd.f32 @p0 s5, s17  }
0xec: {  	v15 =	vadd.f32 @p2 v22, v15;
	v52 =	vsub.f32 v51, v11;
	(erf) = vpow2.f32 @p0 v13  }
0xed: {  	v11 =	vld.idx.msk @p1 [tilespmem:v16+s10+$0x0], $0xffff;
	(erf) = vpow2.f32 @p0 v9;
	v13 =	vadd.s32 @p0 v1, v20;
	v16 =	vadd.s32 @p0 v3, v20;
	s6 =	smov.u32 @p0 s5  }
0xee: {  	v20 =	vadd.s32 @p0 v2, v20;
	v13 =	vpsel p0, v13, v0;
	v19 =	vadd.f32 s6, v51  }
0xef: {  	v22 =	vmul.u32 $0x3, v53;
	v20 =	vpsel p0, v20, v0;
	v9 =	vadd.f32 s6, v52  }
0xf0: {  	v8 =	vpsel p2, v8, v0;
	v10 =	vpsel p2, v10, v5;
	v14 =	vld.idx.msk @p1 [tilespmem:v14+s10+$0x0], $0xffff;
	v19 =	vmul.f32 $1.442695020e+00, v19  }
0xf1: {  	v8 =	vmul.f32 @p2 v21, v8;
	v12 =	vld.idx.msk @p1 [tilespmem:v12+s10+$0x0], $0xffff;
	v21 =	vpop @p1 (erf);
	v16 =	vpsel p0, v16, v0;
	v9 =	vmul.f32 $1.442695020e+00, v9  }
0xf2: {  	v22 =	vbroadcast v22, $0x0;
	(v2sf) =	vpush v51, $0xF;
	v23 =	vpop @p1 (erf);
	(erf) = vpow2.f32 v19  }
0xf3: {  	v8 =	vadd.f32 @p2 v8, v18;
	v21 =	vsub.f32 @p1 v23, v21;
	v13 =	vld.idx.msk @p0 [tilespmem:v13+s10+$0x0], $0xffff;
	(erf) = vpow2.f32 v9  }
0xf4: {  	v15 =	vpsel p2, v15, v6;
	v54 =	vadd.s32 v3, v22;
	v55 =	vadd.s32 v1, v22;
	v20 =	vld.idx.msk @p0 [tilespmem:v20+s10+$0x0], $0xffff  }
0xf5: {  	v22 =	vadd.s32 v2, v22;
	v8 =	vpsel p2, v8, v7;
	v17 =	vadd.f32 @p1 v21, v17;
	v18 =	vpop @p0 (erf)  }
0xf6: {  	v12 =	vpsel p1, v12, v0;
	v23 =	vpop @p0 (erf);
	v9 =	vmul.f32 @p1 v21, v11;
	v11 =	vpsel p1, v14, v0;
	v14 =	vld.idx.msk @p0 [tilespmem:v16+s10+$0x0], $0xffff  }
0xf7: {  	v17 =	vpsel p1, v17, v4;
	v19 =	vpsel p1, v21, v0;
	v18 =	vsub.f32 @p0 v23, v18  }
0xf8: {  	v12 =	vmul.f32 @p1 v19, v12;
	v11 =	vmul.f32 @p1 v19, v11;
	v13 =	vpsel p0, v13, v0  }
0xf9: {  	v56 =	vld.idx.msk [tilespmem:v54+s10+$0x0], $0xffff;
	v19 =	vpsel p0, v20, v0;
	v9 =	vpsel p1, v9, v0;
	v16 =	vpsel p0, v18, v0  }
0xfa: {  	v57 =	vld.idx.msk [tilespmem:v55+s10+$0x0], $0xffff;
	v8 =	vadd.f32 @p1 v12, v8;
	v9 =	vadd.f32 @p1 v9, v10;
	v13 =	vmul.f32 @p0 v16, v13  }
0xfb: {  	v59 =	vld.idx.msk [tilespmem:v22+s10+$0x0], $0xffff;
	v10 =	vadd.f32 @p1 v11, v15;
	v16 =	vmul.f32 @p0 v16, v19;
	v11 =	vmul.f32 @p0 v18, v14;
	v58 =	vpop (erf)  }
0xfc: {  	v12 =	vadd.f32 @p0 v18, v17;
	v8 =	vpsel p1, v8, v7;
	v9 =	vpsel p1, v9, v5;
	v60 =	vpop (erf)  }
0xfd: {  	v8 =	vadd.f32 @p0 v16, v8;
	v11 =	vpsel p0, v11, v0;
	v17 =	vsub.f32 v60, v58  }
0xfe: {  	v4 =	vpsel p0, v12, v4;
	v10 =	vpsel p1, v10, v6;
	v9 =	vadd.f32 @p0 v11, v9  }
0xff: {  	v10 =	vadd.f32 @p0 v13, v10;
	v7 =	vpsel p0, v8, v7;
	v61 =	vmul.f32 v17, v56  }
0x100: {  	v5 =	vpsel p0, v9, v5;
	v62 =	vmul.f32 v17, v57;
	v63 =	vmul.f32 v17, v59  }
0x101: {  	s30 =	spop (v2sf);
	v6 =	vpsel p0, v10, v6;
	v4 =	vadd.f32 v17, v4;
	v5 =	vadd.f32 v61, v5  }
0x102: {  	s6 =	sadd.f32 s30, s6;
	v6 =	vadd.f32 v62, v6;
	v7 =	vadd.f32 v63, v7  }
.LBB2_19:
0x103: {  	p0 =	seq.s32 s1, s31  }
.Ltmp14:
0x104: {  	_ = 	snop;
	(pc) =	sbr.rel @p0 .LBB2_34-.Ltmp14, $1  }
0x105: {  	_ =	sdelay $0x3  }
.LBB2_20:
0x106: {  	s1 =	smov.u32 s0;
	s0 =	sadd.s32 $0x1, s0  }
0x107: {  	s4 =	sshll.u32 s0, $0x8  }
0x108: {  	s4 =	sadd.s32 s24, s4  }
0x109: {  	s5 =	sshrl.u32 s4, $0x3  }
0x10a: {  	s5 =	sadd.s32 s2, s5  }
0x10b: {  	[tilespmem:s8], [sflag:$0x7] =	stream.linear.gather [hbm4b:s5+s3], $0x118, $0x38;
	[tilespmem:$0x1600] =	vst v63  }
0x10c: {  	s20 =	sadd.s32 $0x40200, s4;
	_ =	swait.ge [sflag:s7], $0x118  }
0x10d: {  	s14 =	sand.u32 $0xFFFFFFF8, s4;
	s5 =	sshrl.u32 s20, $0x3;
	[sflag:s7] =	ssyncset.done $0x0  }
0x10e: {  	s14 =	smul.u32 $0x3, s14;
	s5 =	sadd.s32 s2, s5;
	[sflag:s7] =	ssyncadd.s32 $0xFFFFFEE8  }
0x10f: {  	[tilespmem:s9], [sflag:$0x7] =	stream.linear.gather [hbm4b:s5+s3], $0x118, $0x38;
	[tilespmem:$0x1600] =	vst v63  }
0x110: {  	s21 =	sadd.s32 $0x80400, s14;
	_ =	swait.ge [sflag:s7], $0x118  }
0x111: {  	s5 =	sshrl.u32 s21, $0x3;
	[sflag:s7] =	ssyncset.done $0x0  }
0x112: {  	s5 =	sadd.s32 s2, s5;
	[sflag:s7] =	ssyncadd.s32 $0xFFFFFEE8  }
0x113: {  	[tilespmem:s10], [sflag:$0x7] =	stream.linear.gather [hbm4b:s5+s3], $0x348, $0x38;
	[tilespmem:$0x1600] =	vst v63  }
0x114: {  	s5 =	ssub.s32 s25, s4  }
0x115: {  	p0 =	slt.s32 s5, $0x100  }
0x116: {  	s5 =	simm.s32 @!p0 $0x100  }
0x117: {  	s30 =	sadd.s32 $0xF, s5  }
0x118: {  	s4 =	sshra.s32 s30, $0x4  }
0x119: {  	p0 =	slt.s32 s4, $0x1  }
.Ltmp15:
0x11a: {  	_ = 	snop;
	(pc) =	sbr.rel @p0 .LBB2_19-.Ltmp15, $4  }
0x11b: {  	_ = 	snop  }
0x11c: {  	_ =	swait.ge [sflag:s7], $0x348  }
0x11d: {  	[sflag:s7] =	ssyncset.done $0x0  }
0x11e: {  	[sflag:s7] =	ssyncadd.s32 $0xFFFFFCB8  }
0x11f: {  	v8 =	vld [tilespmem:s28+$0x0]  }
0x120: {  	p4 =	seq.s32 s4, $0x1  }
.Ltmp16:
0x121: {  	_ = 	snop;
	(pc) =	sbr.rel @p4 .LBB2_22-.Ltmp16, $3  }
0x122: {  	_ =	sdelay $0x1  }
0x123: {  	s18 =	simm.s32 $0x0;
	s4 =	sadd.s32 $0xFFFFFFFF, s4;
	p0 =	por $0x0, $0x0;
	v9 =	vmax.f32 v8, $0.0e+00  }
0x124: {  	v11 =	vld [tilespmem:s29+$0x0];
	p1 =	por $0x0, $0x0;
	p2 =	por $0x0, $0x0;
	p3 =	por $0x0, $0x0;
	v8 =	vmov s5;
	v15 =	vsub.f32 $0.0e+00, v9  }
0x125: {  	_ =	sdelay $0x3  }
0x126: {  	v9 =	vor.u32 s18, v0;
	v11 =	vmul.f32 v15, v11  }
0x127: {  	vm4 =	vlt.s32 v9, v8  }
0x128: {  	v9 =	vnsel vm4, $0x0, v11  }
0x129: {  	(xrf2) =	vadd.scan.msk.f32 $0xffff, v9  }
0x12a: {  	s15 =	sadd.s32 $0x10, s28  }
0x12b: {  	v10 =	vld [tilespmem:s15+$0x0]  }
0x12c: {  	p4 =	seq.s32 s4, $0x1  }
.Ltmp17:
0x12d: {  	_ = 	snop;
	(pc) =	sbr.rel @p4 .LBB2_24-.Ltmp17, $3  }
0x12e: {  	_ =	sdelay $0x1  }
0x12f: {  	s17 =	sadd.s32 $0x10, s29;
	v10 =	vmax.f32 v10, $0.0e+00  }
0x130: {  	s14 =	sadd.s32 $0xFFFFFFFF, s4;
	s5 =	simm.s32 $0x10;
	p0 =	por $0x1, $0x1;
	v11 =	vld [tilespmem:s17+$0x0];
	v15 =	vsub.f32 $0.0e+00, v10  }
0x131: {  	_ =	sdelay $0x3  }
0x132: {  	v10 =	vor.u32 s5, v0;
	v11 =	vmul.f32 v15, v11  }
0x133: {  	vm4 =	vlt.s32 v10, v8  }
0x134: {  	v10 =	vnsel vm4, $0x0, v11  }
0x135: {  	v12, _, _ =	vpop (xrf2);
	(xrf2) =	vadd.scan.msk.f32 $0xffff, v10  }
0x136: {  	s15 =	sadd.s32 $0x10, s15  }
0x137: {  	v13 =	vld [tilespmem:s15+$0x0]  }
0x138: {  	p4 =	seq.s32 s14, $0x1  }
.Ltmp18:
0x139: {  	_ = 	snop;
	(pc) =	sbr.rel @p4 .LBB2_26-.Ltmp18, $3  }
0x13a: {  	(v2sf) =	vpush v12, $0xF;
	_ =	sdelay $0x1  }
0x13b: {  	s4 =	sadd.s32 $0x10, s17;
	v13 =	vmax.f32 v13, $0.0e+00  }
0x13c: {  	s17 =	sadd.s32 $0xFFFFFFFF, s14;
	s18 =	simm.s32 $0x20;
	p1 =	por $0x1, $0x1;
	v11 =	vld [tilespmem:s4+$0x0];
	v15 =	vsub.f32 $0.0e+00, v13  }
0x13d: {  	_ =	sdelay $0x2  }
0x13e: {  	v9 =	vsub.f32 v12, v9  }
0x13f: {  	v13 =	vor.u32 s18, v0;
	s14 =	sadd.s32 $0x0, s26;
	v11 =	vmul.f32 v15, v11  }
0x140: {  	vm4 =	vlt.s32 v13, v8;
	v15 =	vadd.f32 s6, v9;
	v9 =	vmov s14  }
0x141: {  	v16 =	vmul.u32 $0x3, v9;
	v9 =	vnsel vm4, $0x0, v11  }
0x142: {  	s15 =	sadd.s32 $0x10, s15;
	v13, _, _ =	vpop (xrf2);
	(xrf2) =	vadd.scan.msk.f32 $0xffff, v9  }
0x143: {  	v14 =	vld [tilespmem:s15+$0x0]  }
0x144: {  	v12 =	vadd.f32 s6, v12  }
0x145: {  	p4 =	seq.s32 s17, $0x1  }
.Ltmp19:
0x146: {  	v12 =	vmul.f32 $1.442695020e+00, v12;
	(pc) =	sbr.rel @p4 .LBB2_28-.Ltmp19, $4  }
0x147: {  	v11 =	vmul.f32 $1.442695020e+00, v15  }
0x148: {  	(erf) = vpow2.f32 v12;
	v12 =	vmax.f32 v14, $0.0e+00;
	v17 =	vbroadcast v16, $0x0  }
0x149: {  	s20 =	simm.s32 $0x30;
	s14 =	sadd.s32 $0x10, s4;
	(v2sf) =	vpush v13, $0xF;
	v15 =	vsub.f32 $0.0e+00, v12;
	(erf) = vpow2.f32 v11  }
0x14a: {  	p2 =	por $0x1, $0x1;
	s4 =	sadd.s32 $0xFFFFFFFF, s17;
	v11 =	vld [tilespmem:s14+$0x0];
	v14 =	vadd.s32 v1, v17;
	v16 =	vadd.s32 v3, v17;
	v17 =	vadd.s32 v2, v17;
	s17 =	spop (v2sf)  }
0x14b: {  	_ =	sdelay $0x2  }
0x14c: {  	s30 =	sadd.f32 s17, s6;
	v12 =	vsub.f32 v13, v10  }
0x14d: {  	v18 =	vor.u32 s20, v0;
	v11 =	vmul.f32 v15, v11  }
0x14e: {  	s21 =	sadd.s32 $0x10, s26;
	vm4 =	vlt.s32 v18, v8;
	v20 =	vadd.f32 s30, v13  }
0x14f: {  	s19 =	sadd.s32 $0x10, s15;
	v21 =	vmov s21;
	v15 =	vadd.f32 s30, v12;
	v30 =	vnsel vm4, $0x0, v11  }
0x150: {  	v19 =	vld [tilespmem:s19+$0x0];
	v12, _, _ =	vpop (xrf2);
	v18 =	vmul.f32 $1.442695020e+00, v20;
	v20 =	vmul.u32 $0x3, v21;
	(xrf2) =	vadd.scan.msk.f32 $0xffff, v30;
	_ =	sdelay $0x1  }
0x151: {  	v24 =	vld.idx.msk [tilespmem:v16+s10+$0x0], $0xffff;
	v11 =	vmul.f32 $1.442695020e+00, v15  }
0x152: {  	s14 =	sadd.s32 $0x10, s14;
	p4 =	seq.s32 s4, $0x1;
	(v2sf) =	vpush v12, $0xF;
	v15 =	vpop (erf);
	(erf) = vpow2.f32 v18;
	v18 =	vld.idx.msk [tilespmem:v14+s10+$0x0], $0xffff  }
.Ltmp20:
0x153: {  	v21 =	vbroadcast v20, $0x0;
	v20 =	vpop (erf);
	(erf) = vpow2.f32 v11;
	v11 =	vld [tilespmem:s14+$0x0];
	(pc) =	sbr.rel @p4 .LBB2_30-.Ltmp20, $4  }
0x154: {  	v19 =	vmax.f32 v19, $0.0e+00  }
0x155: {  	v23 =	vld.idx.msk [tilespmem:v17+s10+$0x0], $0xffff;
	v25 =	vadd.s32 v1, v21;
	v20 =	vsub.f32 v20, v15  }
0x156: {  	s15 =	sadd.s32 $0xFFFFFFFF, s4;
	v27 =	vadd.s32 v3, v21;
	v26 =	vadd.s32 v2, v21;
	v15 =	vsub.f32 $0.0e+00, v19  }
0x157: {  	s4 =	simm.s32 $0x40;
	p3 =	por $0x1, $0x1;
	v19 =	vmovc v5;
	v21 =	vmovc v6;
	v22 =	vadd.f32 v20, v4;
	v28 =	vmul.f32 v20, v24;
	v24 =	vmov v7;
	s21 =	spop (v2sf)  }
.LBB2_31:
0x158: {  	p4 =	seq.s32 s15, $0x1;
	v29 =	vor.u32 s4, v0;
	v11 =	vmul.f32 v15, v11;
	s30 =	sadd.f32 s21, s30;
	v15 =	vmul.f32 v20, v18  }
0x159: {  	s19 =	sadd.s32 $0x10, s19;
	v18 =	vsub.f32 v12, v9;
	v9 =	vmovc v30;
	vm4 =	vlt.s32 v29, v8;
	v19 =	vadd.f32 v28, v19  }
0x15a: {  	s21 =	sadd.s32 s18, s26;
	s18 =	smov.u32 s20;
	s20 =	smov.u32 s4;
	v20 =	vmul.f32 v20, v23;
	v28 =	vld [tilespmem:s19+$0x0];
	v30 =	vnsel vm4, $0x0, v11;
	v11 =	vadd.f32 s30, v12  }
0x15b: {  	v23 =	vadd.f32 s30, v18;
	v18 =	vmov s21;
	v21 =	vadd.f32 v15, v21;
	(xrf2) =	vadd.scan.msk.f32 $0xffff, v30;
	v12, _, _ =	vpop (xrf2);
	v29 =	vld.idx.msk [tilespmem:v27+s10+$0x0], $0xffff  }
0x15c: {  	s14 =	sadd.s32 $0x10, s14;
	v27 =	vmul.u32 $0x3, v18;
	(v2sf) =	vpush v12, $0xF;
	v33 =	vmul.f32 $1.442695020e+00, v11;
	v18 =	vld.idx.msk [tilespmem:v25+s10+$0x0], $0xffff  }
.Ltmp21:
0x15d: {  	v24 =	vadd.f32 v20, v24;
	v25 =	vmul.f32 $1.442695020e+00, v23;
	v11 =	vld [tilespmem:s14+$0x0];
	v31 =	vpop (erf);
	(pc) =	sbr.rel @!p4 .LBB2_31-.Ltmp21, $4  }
0x15e: {  	v32 =	vbroadcast v27, $0x0;
	(erf) = vpow2.f32 v33;
	v23 =	vld.idx.msk [tilespmem:v26+s10+$0x0], $0xffff;
	v15 =	vpop (erf)  }
0x15f: {  	v26 =	vmax.f32 v28, $0.0e+00;
	(erf) = vpow2.f32 v25;
	v20 =	vsub.f32 v15, v31  }
0x160: {  	v25 =	vadd.s32 v1, v32;
	v27 =	vadd.s32 v3, v32;
	v15 =	vsub.f32 $0.0e+00, v26  }
0x161: {  	s15 =	sadd.s32 $0xFFFFFFFF, s15;
	s4 =	sadd.s32 $0x10, s4;
	v26 =	vadd.s32 v2, v32;
	s21 =	spop (v2sf);
	v22 =	vadd.f32 v20, v22;
	v28 =	vmul.f32 v20, v29  }
.Ltmp22:
0x162: {  	(pc) =	sbr.rel .LBB2_33-.Ltmp22, $2  }
0x163: {  	_ =	sdelay $0x2  }
0x164: {  	v29 =	vmov v9;
	s19 =	smov.u32 s18;
	v9 =	vmov v30;
	s18 =	smov.u32 s20  }
.LBB2_24:
.Ltmp23:
0x165: {  	(pc) =	sbr.rel .LBB2_33-.Ltmp23, $2  }
0x166: {  	_ =	sdelay $0x2  }
0x167: {  	s4 =	simm.s32 $0x10;
	s30 =	smov.u32 s6;
	v19 =	vmovc v5;
	v21 =	vmov v6;
	v24 =	vmov v7;
	v22 =	vmov v4  }
.LBB2_26:
.Ltmp24:
0x168: {  	(pc) =	sbr.rel .LBB2_33-.Ltmp24, $3  }
0x169: {  	_ =	sdelay $0x1  }
0x16a: {  	v29 =	vmov v9;
	s4 =	simm.s32 $0x20  }
0x16b: {  	v9 =	vmovc v10;
	s30 =	smov.u32 s6;
	v19 =	vmovc v5;
	s19 =	simm.s32 $0x0;
	s18 =	simm.s32 $0x10;
	v21 =	vmov v6;
	v24 =	vmov v7;
	v22 =	vmov v4  }
.LBB2_28:
.Ltmp25:
0x16c: {  	(pc) =	sbr.rel .LBB2_33-.Ltmp25, $3  }
0x16d: {  	_ =	sdelay $0x1  }
0x16e: {  	s4 =	simm.s32 $0x30;
	v12 =	vmovc v13;
	v29 =	vmov v10;
	v19 =	vmov v5;
	v27 =	vmov v16  }
0x16f: {  	s30 =	smov.u32 s6;
	s21 =	smov.u32 s17;
	s19 =	simm.s32 $0x10;
	v21 =	vmovc v6;
	v25 =	vmovc v14;
	v24 =	vmov v7;
	v26 =	vmov v17;
	v22 =	vmov v4  }
.LBB2_30:
.Ltmp26:
0x170: {  	(pc) =	sbr.rel .LBB2_33-.Ltmp26, $2  }
0x171: {  	_ =	sdelay $0x2  }
0x172: {  	v29 =	vmovc v9;
	v19 =	vmovc v5;
	v9 =	vmov v30;
	s19 =	simm.s32 $0x20;
	s18 =	simm.s32 $0x30;
	v21 =	vmov v6;
	v24 =	vmov v7  }
.LBB2_34:
0x173: {  	(xrf2) =	vadd.scan.msk.f32 $0xffff, v6  }
0x174: {  	(xrf2) =	vadd.scan.msk.f32 $0xffff, v7  }
0x175: {  	(xrf2) =	vadd.scan.msk.f32 $0xffff, v5  }
0x176: {  	(xrf2) =	vadd.scan.msk.f32 $0xffff, v4;
	_ =	sdelay $0x6  }
0x177: {  	v4, _, _ =	vpop (xrf2)  }
0x178: {  	v5, _, _ =	vpop (xrf2)  }
0x179: {  	v62, _, _ =	vpop (xrf2)  }
0x17a: {  	v63, _, _ =	vpop (xrf2)  }
0x17b: {  	v7 =	vbroadcast v63, $0xF  }
0x17c: {  	v6 =	vbroadcast v62, $0xF  }
0x17d: {  	v5 =	vbroadcast v5, $0xF;
	v7 =	vnsel vm0, $0x0, v7  }
0x17e: {  	v4 =	vbroadcast v4, $0xF;
	v6 =	vsel vm1, v7, v6  }
0x17f: {  	s0 =	sshll.u32 s22, $0x5;
	v5 =	vsel vm2, v6, v5  }
0x180: {  	s24 =	sand.u32 $0x3FFFFFE0, s0;
	v4 =	vsel vm3, v5, v4  }
0x181: {  	[tilespmem:s24+$0xE00] =	vst v4  }
0x182: {  	v4 =	vld [tilespmem:s23+$0x2];
	_ =	sdelay $0x4  }
0x183: {  	(v2sf) =	vpush v4, $0x0;
	_ =	sdelay $0xe  }
0x184: {  	s20 =	spop (v2sf)  }
0x185: {  	s1 =	sshrl.u32 s20, $0x3;
	s0 =	sand.u32 $0xFFFFFFF8, s20  }
0x186: {  	s21 =	sadd.s32 $0x40200, s20;
	s1 =	sadd.s32 s2, s1;
	s0 =	smul.u32 $0x3, s0  }
0x187: {  	[tilespmem:s8], [sflag:$0x1] =	stream.linear.gather [hbm4b:s1+s3], $0x118, $0x38;
	[tilespmem:$0x1600] =	vst v63  }
0x188: {  	s1 =	sshrl.u32 s21, $0x3  }
0x189: {  	s1 =	sadd.s32 s2, s1;
	s0 =	sadd.s32 $0x80400, s0  }
0x18a: {  	[tilespmem:s9], [sflag:$0x2] =	stream.linear.gather [hbm4b:s1+s3], $0x118, $0x38;
	[tilespmem:$0x1600] =	vst v63  }
0x18b: {  	s0 =	sshrl.u32 s0, $0x3  }
0x18c: {  	s25 =	simm.s32 $0x4;
	s0 =	sadd.s32 s2, s0  }
0x18d: {  	[tilespmem:s10], [sflag:$0x3] =	stream.linear.gather [hbm4b:s0+s3], $0x348, $0x38;
	[tilespmem:$0x1600] =	vst v63  }
0x18e: {  	_ =	swait.ge [sflag:s25], $0x118  }
0x18f: {  	[sflag:s25] =	ssyncset.done $0x0  }
0x190: {  	s26 =	simm.s32 $0x5;
	[sflag:s25] =	ssyncadd.s32 $0xFFFFFEE8  }
0x191: {  	_ =	swait.ge [sflag:s26], $0x118  }
0x192: {  	[sflag:s26] =	ssyncset.done $0x0  }
0x193: {  	s30 =	simm.s32 $0x6;
	[sflag:s26] =	ssyncadd.s32 $0xFFFFFEE8  }
0x194: {  	_ =	swait.ge [sflag:s30], $0x348  }
0x195: {  	[sflag:s30] =	ssyncset.done $0x0  }
0x196: {  	[sflag:s30] =	ssyncadd.s32 $0xFFFFFCB8  }
0x197: {  	v4 =	vld [tilespmem:s23+$0x1];
	_ =	sdelay $0x4  }
0x198: {  	(v2sf) =	vpush v4, $0x0  }
0x199: {  	(v2sf) =	vpush v4, $0x1;
	_ =	sdelay $0xd  }
0x19a: {  	s23 =	spop (v2sf)  }
0x19b: {  	s25 =	spop (v2sf)  }
0x19c: {  	s0 =	ssub.s32 s25, s23  }
0x19d: {  	p0 =	slt.s32 s0, $0x100;
	s6 =	smov.u32 s0  }
0x19e: {  	s6 =	simm.s32 @!p0 $0x100  }
0x19f: {  	s31 =	sadd.s32 $0xF, s6  }
0x1a0: {  	s5 =	sshra.s32 s31, $0x4  }
0x1a1: {  	p0 =	slt.s32 s5, $0x1  }
.Ltmp27:
0x1a2: {  	_ = 	snop;
	(pc) =	sbr.rel @p0 .LBB2_35-.Ltmp27, $3  }
0x1a3: {  	_ =	sdelay $0x1  }
0x1a4: {  	s26 =	sand.u32 $0x7, s23  }
0x1a5: {  	s28 =	sor.u32 $0x780, s26;
	s29 =	sor.u32 $0x900, s26  }
0x1a6: {  	s14 =	sor.u32 $0x780, s26  }
0x1a7: {  	v4 =	vld [tilespmem:s14+$0x0]  }
0x1a8: {  	p4 =	sne.s32 s5, $0x1  }
.Ltmp28:
0x1a9: {  	_ = 	snop;
	(pc) =	sbr.rel @!p4 .LBB2_37-.Ltmp28, $4  }
0x1aa: {  	_ = 	snop  }
0x1ab: {  	s4 =	sor.u32 $0x900, s26;
	s1 =	simm.f32 $0.0e+00  }
0x1ac: {  	s30 =	simm.s32 $0x0;
	s5 =	sadd.s32 $0xFFFFFFFF, s5;
	p0 =	por $0x0, $0x0;
	v6 =	vmax.f32 v4, $0.0e+00  }
0x1ad: {  	v5 =	vimm.f32 $0.0e+00;
	p1 =	por $0x0, $0x0;
	p2 =	por $0x0, $0x0;
	p3 =	por $0x0, $0x0;
	v9 =	vld [tilespmem:s4+$0x0];
	v4 =	vmov s6;
	v11 =	vsub.f32 $0.0e+00, v6  }
0x1ae: {  	s14 =	sadd.s32 $0x10, s14  }
0x1af: {  	v7 =	vld [tilespmem:s14+$0x0]  }
0x1b0: {  	p4 =	sne.s32 s5, $0x1  }
.Ltmp29:
0x1b1: {  	_ = 	snop;
	(pc) =	sbr.rel @!p4 .LBB2_39-.Ltmp29, $4  }
0x1b2: {  	v6 =	vor.u32 s30, v0;
	v8 =	vmul.f32 v11, v9  }
0x1b3: {  	vm4 =	vlt.s32 v6, v4  }
0x1b4: {  	s15 =	sadd.s32 $0x10, s4;
	v6 =	vnsel vm4, $0x0, v8;
	v7 =	vmax.f32 v7, $0.0e+00  }
0x1b5: {  	s6 =	sadd.s32 $0xFFFFFFFF, s5;
	s4 =	simm.s32 $0x10;
	p0 =	por $0x1, $0x1;
	v9 =	vld [tilespmem:s15+$0x0];
	(xrf2) =	vadd.scan.msk.f32 $0xffff, v6;
	v11 =	vsub.f32 $0.0e+00, v7  }
0x1b6: {  	_ =	sdelay $0x2  }
0x1b7: {  	s14 =	sadd.s32 $0x10, s14  }
0x1b8: {  	v8 =	vld [tilespmem:s14+$0x0]  }
0x1b9: {  	p4 =	sne.s32 s6, $0x1  }
.Ltmp30:
0x1ba: {  	_ = 	snop;
	(pc) =	sbr.rel @!p4 .LBB2_41-.Ltmp30, $4  }
0x1bb: {  	v7 =	vor.u32 s4, v0;
	v9 =	vmul.f32 v11, v9  }
0x1bc: {  	vm4 =	vlt.s32 v7, v4  }
0x1bd: {  	s5 =	sadd.s32 $0x10, s15;
	v7 =	vnsel vm4, $0x0, v9;
	v8 =	vmax.f32 v8, $0.0e+00;
	v10, _, _ =	vpop (xrf2)  }
0x1be: {  	s6 =	sadd.s32 $0xFFFFFFFF, s6;
	s30 =	simm.s32 $0x20;
	p1 =	por $0x1, $0x1;
	v9 =	vld [tilespmem:s5+$0x0];
	v11 =	vsub.f32 $0.0e+00, v8;
	(xrf2) =	vadd.scan.msk.f32 $0xffff, v7;
	(v2sf) =	vpush v10, $0xF  }
0x1bf: {  	_ =	sdelay $0x5  }
0x1c0: {  	s15 =	sadd.s32 $0x10, s14;
	v6 =	vsub.f32 v10, v6  }
0x1c1: {  	s31 =	sadd.s32 $0x0, s26;
	v10 =	vadd.f32 s1, v10;
	v12 =	vld [tilespmem:s15+$0x0]  }
0x1c2: {  	v9 =	vmul.f32 v11, v9;
	v11 =	vadd.f32 s1, v6;
	v6 =	vmov s31  }
0x1c3: {  	v8 =	vor.u32 s30, v0;
	p4 =	sne.s32 s6, $0x1;
	v13 =	vmul.u32 $0x3, v6  }
.Ltmp31:
0x1c4: {  	vm4 =	vlt.s32 v8, v4;
	v10 =	vmul.f32 $1.442695020e+00, v10;
	(pc) =	sbr.rel @!p4 .LBB2_43-.Ltmp31, $4  }
0x1c5: {  	v6 =	vnsel vm4, $0x0, v9;
	v9 =	vmul.f32 $1.442695020e+00, v11;
	v14 =	vbroadcast v13, $0x0  }
0x1c6: {  	(erf) = vpow2.f32 v10;
	v10 =	vmax.f32 v12, $0.0e+00  }
0x1c7: {  	s14 =	sadd.s32 $0x10, s5;
	s5 =	sadd.s32 $0xFFFFFFFF, s6;
	v11 =	vsub.f32 $0.0e+00, v10;
	(erf) = vpow2.f32 v9;
	v8, _, _ =	vpop (xrf2);
	v12 =	vadd.s32 v1, v14  }
0x1c8: {  	s18 =	simm.s32 $0x30;
	p2 =	por $0x1, $0x1;
	v9 =	vld [tilespmem:s14+$0x0];
	(xrf2) =	vadd.scan.msk.f32 $0xffff, v6;
	v13 =	vadd.s32 v3, v14;
	v14 =	vadd.s32 v2, v14;
	(v2sf) =	vpush v8, $0xF;
	s20 =	spop (v2sf)  }
0x1c9: {  	_ =	sdelay $0x1  }
0x1ca: {  	s6 =	sadd.f32 s20, s1;
	v10 =	vsub.f32 v8, v7;
	_ =	sdelay $0x1  }
0x1cb: {  	v17 =	vadd.f32 s6, v8;
	v9 =	vmul.f32 v11, v9;
	v11 =	vadd.f32 s6, v10  }
0x1cc: {  	s19 =	sadd.s32 $0x10, s15  }
0x1cd: {  	v15 =	vor.u32 s18, v0;
	v16 =	vld [tilespmem:s19+$0x0];
	v17 =	vmul.f32 $1.442695020e+00, v17  }
0x1ce: {  	s31 =	sadd.s32 $0x10, s26;
	vm4 =	vlt.s32 v15, v4  }
0x1cf: {  	v18 =	vmov s31;
	v27 =	vnsel vm4, $0x0, v9;
	v9 =	vmul.f32 $1.442695020e+00, v11;
	v11 =	vpop (erf)  }
0x1d0: {  	s14 =	sadd.s32 $0x10, s14;
	v15 =	vld.idx.msk [tilespmem:v13+s13+$0x0], $0xffff;
	v18 =	vmul.u32 $0x3, v18;
	(erf) = vpow2.f32 v17;
	v10, _, _ =	vpop (xrf2);
	(xrf2) =	vadd.scan.msk.f32 $0xffff, v27  }
0x1d1: {  	p4 =	sne.s32 s5, $0x1;
	v17 =	vpop (erf);
	(erf) = vpow2.f32 v9;
	v9 =	vld [tilespmem:s14+$0x0];
	(v2sf) =	vpush v10, $0xF  }
.Ltmp32:
0x1d2: {  	v18 =	vbroadcast v18, $0x0;
	v19 =	vmax.f32 v16, $0.0e+00;
	v16 =	vsub.f32 v17, v11;
	v17 =	vld.idx.msk [tilespmem:v12+s13+$0x0], $0xffff;
	(pc) =	sbr.rel @!p4 .LBB2_45-.Ltmp32, $4  }
0x1d3: {  	_ = 	snop  }
0x1d4: {  	v21 =	vld.idx.msk [tilespmem:v14+s13+$0x0], $0xffff;
	v22 =	vimm.f32 $0.0e+00;
	v20 =	vadd.s32 v1, v18;
	v24 =	vadd.s32 v3, v18  }
0x1d5: {  	s21 =	sadd.s32 $0xFFFFFFFF, s5;
	v23 =	vadd.s32 v2, v18;
	v11 =	vsub.f32 $0.0e+00, v19;
	v19 =	vimm.f32 $0.0e+00  }
0x1d6: {  	s5 =	simm.s32 $0x40;
	p3 =	por $0x1, $0x1;
	v18 =	vadd.f32 v16, v5;
	v25 =	vmul.f32 v16, v15;
	v15 =	vimm.f32 $0.0e+00;
	s17 =	spop (v2sf)  }
.LBB2_46:
0x1d7: {  	p4 =	sne.s32 s21, $0x1;
	v26 =	vor.u32 s5, v0;
	v9 =	vmul.f32 v11, v9;
	s6 =	sadd.f32 s17, s6;
	v11 =	vmul.f32 v16, v17  }
0x1d8: {  	s19 =	sadd.s32 $0x10, s19;
	v17 =	vsub.f32 v10, v6;
	v6 =	vmovc v27;
	vm4 =	vlt.s32 v26, v4;
	v15 =	vadd.f32 v25, v15  }
0x1d9: {  	s15 =	sadd.s32 s30, s26;
	s30 =	smov.u32 s18;
	s18 =	smov.u32 s5;
	v16 =	vmul.f32 v16, v21;
	v25 =	vld [tilespmem:s19+$0x0];
	v27 =	vnsel vm4, $0x0, v9;
	v9 =	vadd.f32 s6, v10  }
0x1da: {  	v21 =	vadd.f32 s6, v17;
	v17 =	vmov s15;
	v19 =	vadd.f32 v11, v19;
	(xrf2) =	vadd.scan.msk.f32 $0xffff, v27;
	v10, _, _ =	vpop (xrf2);
	v26 =	vld.idx.msk [tilespmem:v24+s13+$0x0], $0xffff  }
0x1db: {  	s14 =	sadd.s32 $0x10, s14;
	v24 =	vmul.u32 $0x3, v17;
	(v2sf) =	vpush v10, $0xF;
	v30 =	vmul.f32 $1.442695020e+00, v9;
	v17 =	vld.idx.msk [tilespmem:v20+s13+$0x0], $0xffff  }
.Ltmp33:
0x1dc: {  	v22 =	vadd.f32 v16, v22;
	v20 =	vmul.f32 $1.442695020e+00, v21;
	v9 =	vld [tilespmem:s14+$0x0];
	v28 =	vpop (erf);
	(pc) =	sbr.rel @p4 .LBB2_46-.Ltmp33, $4  }
0x1dd: {  	v29 =	vbroadcast v24, $0x0;
	(erf) = vpow2.f32 v30;
	v21 =	vld.idx.msk [tilespmem:v23+s13+$0x0], $0xffff;
	v11 =	vpop (erf)  }
0x1de: {  	v23 =	vmax.f32 v25, $0.0e+00;
	(erf) = vpow2.f32 v20;
	v16 =	vsub.f32 v11, v28  }
0x1df: {  	v20 =	vadd.s32 v1, v29;
	v24 =	vadd.s32 v3, v29;
	v11 =	vsub.f32 $0.0e+00, v23  }
0x1e0: {  	s21 =	sadd.s32 $0xFFFFFFFF, s21;
	s5 =	sadd.s32 $0x10, s5;
	v23 =	vadd.s32 v2, v29;
	s17 =	spop (v2sf);
	v18 =	vadd.f32 v16, v18;
	v25 =	vmul.f32 v16, v26  }
0x1e1: {  	v26 =	vmov v6;
	s19 =	smov.u32 s30;
	v6 =	vmov v27;
	s30 =	smov.u32 s18  }
.LBB2_48:
0x1e2: {  	_ =	sdelay $0x1  }
0x1e3: {  	v27, _, _ =	vpop @p0 (xrf2)  }
0x1e4: {  	(v2sf) =	vpush @p0 v27, $0xF  }
0x1e5: {  	v9 =	vmul.f32 v11, v9  }
0x1e6: {  	s6 =	sadd.f32 @p2 s17, s6;
	v51 =	vor.u32 s5, v0;
	v26 =	vsub.f32 @p1 v10, v26;
	v11 =	vmul.f32 @p3 v16, v17  }
0x1e7: {  	s14 =	simm.f32 $0.0e+00;
	v15 =	vadd.f32 @p3 v25, v15;
	v16 =	vmul.f32 @p3 v16, v21;
	v6 =	vpsel p0, v6, v7;
	s21 =	sadd.s32 s5, s26  }
0x1e8: {  	vm4 =	vlt.s32 v51, v4;
	v53 =	vmov s21;
	s14 =	smov.u32 @p2 s6;
	v11 =	vadd.f32 @p3 v11, v19  }
0x1e9: {  	s15 =	sadd.s32 @p1 s19, s26;
	v20 =	vld.idx.msk @p2 [tilespmem:v20+s13+$0x0], $0xffff;
	v9 =	vnsel vm4, $0x0, v9;
	v16 =	vadd.f32 @p3 v16, v22;
	v4 =	vadd.f32 @p1 s14, v10  }
0x1ea: {  	v7 =	vpsel p3, v15, v5;
	v10 =	vmov @p1 s15;
	v17 =	vadd.f32 @p1 s14, v26  }
0x1eb: {  	v24 =	vld.idx.msk @p2 [tilespmem:v24+s13+$0x0], $0xffff;
	v8 =	vpsel p0, v27, v8;
	v10 =	vmul.u32 @p1 $0x3, v10;
	v4 =	vmul.f32 @p1 $1.442695020e+00, v4  }
0x1ec: {  	(xrf2) =	vadd.scan.msk.f32 $0xffff, v9;
	v21 =	vpop @p2 (erf);
	v11 =	vpsel p3, v11, v5;
	v6 =	vsub.f32 @p0 v8, v6;
	v17 =	vmul.f32 @p1 $1.442695020e+00, v17  }
0x1ed: {  	v16 =	vpsel p3, v16, v5;
	v25 =	vpop @p2 (erf);
	v10 =	vbroadcast @p1 v10, $0x0;
	(erf) = vpow2.f32 @p1 v4;
	s6 =	spop @p1 (v2sf)  }
0x1ee: {  	v20 =	vpsel p2, v20, v0;
	v19 =	vsub.f32 @p2 v25, v21;
	(erf) = vpow2.f32 @p1 v17;
	s20 =	smov.u32 @p1 s6  }
0x1ef: {  	v4 =	vld.idx.msk @p2 [tilespmem:v23+s13+$0x0], $0xffff;
	v17 =	vadd.s32 @p1 v1, v10;
	v21 =	vadd.s32 @p1 v3, v10;
	v10 =	vadd.s32 @p1 v2, v10;
	s6 =	sadd.f32 @p1 s20, s14  }
0x1f0: {  	s15 =	simm.f32 $0.0e+00;
	v18 =	vadd.f32 @p2 v19, v18;
	v22 =	vmul.f32 @p2 v19, v24;
	v19 =	vpsel p2, v19, v0;
	s14 =	smov.u32 @p0 s30  }
0x1f1: {  	v13 =	vpsel p1, v21, v13;
	v12 =	vpsel p1, v17, v12;
	v10 =	vpsel p1, v10, v14;
	s4 =	smov.u32 @p0 s14;
	s15 =	smov.u32 @p1 s6  }
0x1f2: {  	v15 =	vpsel p2, v22, v0;
	v14 =	vpsel p2, v18, v5;
	s4 =	sadd.s32 @p0 s4, s26;
	v8 =	vadd.f32 @p0 s15, v8  }
0x1f3: {  	v18 =	vmul.f32 @p2 v19, v20;
	v6 =	vadd.f32 @p0 s15, v6;
	v17 =	vmov @p0 s4;
	s4 =	spop @p0 (v2sf)  }
0x1f4: {  	v4 =	vpsel p2, v4, v0;
	v17 =	vmul.u32 @p0 $0x3, v17;
	v8 =	vmul.f32 @p0 $1.442695020e+00, v8;
	s4 =	smov.u32 @p0 s4  }
0x1f5: {  	v7 =	vadd.f32 @p2 v15, v7;
	v4 =	vmul.f32 @p2 v19, v4;
	v6 =	vmul.f32 @p0 $1.442695020e+00, v6;
	s4 =	sadd.f32 @p0 s4, s15  }
0x1f6: {  	v11 =	vadd.f32 @p2 v18, v11;
	v52, _, _ =	vpop (xrf2);
	v17 =	vbroadcast @p0 v17, $0x0;
	(erf) = vpow2.f32 @p0 v8  }
0x1f7: {  	v19 =	vmul.u32 $0x3, v53;
	v10 =	vld.idx.msk @p1 [tilespmem:v10+s13+$0x0], $0xffff;
	(erf) = vpow2.f32 @p0 v6;
	v6 =	vsub.f32 v52, v9;
	s1 =	smov.u32 @p0 s4  }
0x1f8: {  	v8 =	vld.idx.msk @p1 [tilespmem:v13+s13+$0x0], $0xffff;
	v9 =	vadd.s32 @p0 v1, v17;
	v13 =	vadd.s32 @p0 v3, v17;
	v15 =	vadd.f32 s1, v52  }
0x1f9: {  	v18 =	vpop @p1 (erf);
	v17 =	vadd.s32 @p0 v2, v17;
	v9 =	vpsel p0, v9, v0;
	v6 =	vadd.f32 s1, v6  }
0x1fa: {  	(v2sf) =	vpush v52, $0xF;
	v20 =	vpop @p1 (erf);
	v17 =	vpsel p0, v17, v0;
	v15 =	vmul.f32 $1.442695020e+00, v15  }
0x1fb: {  	v12 =	vld.idx.msk @p1 [tilespmem:v12+s13+$0x0], $0xffff;
	v18 =	vsub.f32 @p1 v20, v18;
	v13 =	vpsel p0, v13, v0;
	v6 =	vmul.f32 $1.442695020e+00, v6  }
0x1fc: {  	v19 =	vbroadcast v19, $0x0;
	v4 =	vadd.f32 @p2 v4, v16;
	(erf) = vpow2.f32 v15  }
0x1fd: {  	v10 =	vpsel p1, v10, v0;
	v16 =	vpsel p1, v18, v0;
	(erf) = vpow2.f32 v6  }
0x1fe: {  	v54 =	vadd.s32 v3, v19;
	v55 =	vadd.s32 v1, v19;
	v10 =	vmul.f32 @p1 v16, v10;
	v9 =	vld.idx.msk @p0 [tilespmem:v9+s13+$0x0], $0xffff  }
0x1ff: {  	v19 =	vadd.s32 v2, v19;
	v4 =	vpsel p2, v4, v5;
	v14 =	vadd.f32 @p1 v18, v14;
	v17 =	vld.idx.msk @p0 [tilespmem:v17+s13+$0x0], $0xffff  }
0x200: {  	v4 =	vadd.f32 @p1 v10, v4;
	v6 =	vmul.f32 @p1 v18, v8;
	v8 =	vpsel p1, v12, v0;
	v12 =	vld.idx.msk @p0 [tilespmem:v13+s13+$0x0], $0xffff  }
0x201: {  	v7 =	vpsel p2, v7, v5;
	v11 =	vpsel p2, v11, v5;
	v15 =	vpop @p0 (erf)  }
0x202: {  	v14 =	vpsel p1, v14, v5;
	v4 =	vpsel p1, v4, v5;
	v8 =	vmul.f32 @p1 v16, v8;
	v20 =	vpop @p0 (erf)  }
0x203: {  	v56 =	vld.idx.msk [tilespmem:v54+s13+$0x0], $0xffff;
	v9 =	vpsel p0, v9, v0;
	v6 =	vpsel p1, v6, v0;
	v15 =	vsub.f32 @p0 v20, v15  }
0x204: {  	v57 =	vld.idx.msk [tilespmem:v55+s13+$0x0], $0xffff;
	v16 =	vpsel p0, v17, v0;
	v6 =	vadd.f32 @p1 v6, v7;
	v7 =	vadd.f32 @p1 v8, v11  }
0x205: {  	v59 =	vld.idx.msk [tilespmem:v19+s13+$0x0], $0xffff;
	v8 =	vmul.f32 @p0 v15, v12;
	v10 =	vadd.f32 @p0 v15, v14;
	v13 =	vpsel p0, v15, v0;
	v58 =	vpop (erf)  }
0x206: {  	v6 =	vpsel p1, v6, v5;
	v7 =	vpsel p1, v7, v5;
	v9 =	vmul.f32 @p0 v13, v9;
	v60 =	vpop (erf)  }
0x207: {  	v13 =	vmul.f32 @p0 v13, v16;
	v8 =	vpsel p0, v8, v0;
	v14 =	vsub.f32 v60, v58  }
.Ltmp34:
0x208: {  	v10 =	vpsel p0, v10, v5;
	v6 =	vadd.f32 @p0 v8, v6;
	v7 =	vadd.f32 @p0 v9, v7;
	(pc) =	sbr.rel .LBB2_49-.Ltmp34, $4  }
0x209: {  	v8 =	vadd.f32 @p0 v13, v4;
	v61 =	vmul.f32 v14, v56;
	v62 =	vmul.f32 v14, v57  }
0x20a: {  	v6 =	vpsel p0, v6, v5;
	v7 =	vpsel p0, v7, v5;
	v63 =	vmul.f32 v14, v59  }
0x20b: {  	s31 =	spop (v2sf);
	v8 =	vpsel p0, v8, v5;
	v5 =	vadd.f32 v61, v6;
	v6 =	vadd.f32 v62, v7  }
0x20c: {  	s30 =	sadd.f32 s31, s1;
	v4 =	vadd.f32 v14, v10;
	v7 =	vadd.f32 v63, v8  }
.LBB2_35:
0x20d: {  	v4 =	vimm.f32 $0.0e+00  }
0x20e: {  	s30 =	simm.f32 $0.0e+00;
	v6 =	vimm.f32 $0.0e+00;
	v7 =	vimm.f32 $0.0e+00;
	v5 =	vimm.f32 $0.0e+00  }
.LBB2_49:
0x20f: {  	s0 =	sadd.s32 $0xFF, s0  }
0x210: {  	s0 =	sshra.s32 s0, $0x8  }
0x211: {  	p0 =	slt.s32 s0, $0x2  }
.Ltmp35:
0x212: {  	_ = 	snop;
	(pc) =	sbr.rel @p0 .LBB2_66-.Ltmp35, $1  }
0x213: {  	_ =	sdelay $0x3  }
.Ltmp36:
0x214: {  	(pc) =	sbr.rel .LBB2_52-.Ltmp36, $2  }
0x215: {  	_ =	sdelay $0x2  }
0x216: {  	s31 =	sadd.s32 $0xFFFFFFFE, s0;
	s0 =	simm.s32 $0x0  }
.LBB2_54:
0x217: {  	_ = 	snop  }
0x218: {  	s4 =	simm.s32 $0x0;
	v19 =	vmovc v5;
	v21 =	vmov v6;
	s6 =	smov.u32 s30;
	v24 =	vmov v7;
	v22 =	vmov v4  }
.LBB2_65:
0x219: {  	_ = 	snop  }
0x21a: {  	v30, _, _ =	vpop @p0 (xrf2)  }
0x21b: {  	(v2sf) =	vpush @p0 v30, $0xF  }
0x21c: {  	v11 =	vmul.f32 v15, v11  }
0x21d: {  	s6 =	sadd.f32 @p2 s17, s6;
	v50 =	vor.u32 s4, v0;
	v29 =	vsub.f32 @p1 v12, v29;
	v15 =	vmul.f32 @p3 v20, v18  }
0x21e: {  	v19 =	vadd.f32 @p3 v28, v19;
	v20 =	vmul.f32 @p3 v20, v23;
	s14 =	smov.u32 s30;
	vm4 =	vlt.s32 v50, v8  }
0x21f: {  	v23 =	vld.idx.msk @p2 [tilespmem:v25+s13+$0x0], $0xffff;
	v9 =	vpsel p0, v9, v10;
	s14 =	smov.u32 @p2 s6;
	v11 =	vnsel vm4, $0x0, v11;
	v15 =	vadd.f32 @p3 v15, v21  }
0x220: {  	s15 =	sadd.s32 @p1 s19, s26;
	v27 =	vld.idx.msk @p2 [tilespmem:v27+s13+$0x0], $0xffff;
	v20 =	vadd.f32 @p3 v20, v24;
	v13 =	vpsel p0, v30, v13;
	v8 =	vadd.f32 @p1 s14, v12  }
0x221: {  	v10 =	vpsel p3, v19, v5;
	v12 =	vmov @p1 s15;
	v18 =	vadd.f32 @p1 s14, v29;
	v25 =	vpop @p2 (erf)  }
0x222: {  	(xrf2) =	vadd.scan.msk.f32 $0xffff, v11;
	v9 =	vsub.f32 @p0 v13, v9;
	v12 =	vmul.u32 @p1 $0x3, v12;
	v28 =	vpop @p2 (erf);
	v8 =	vmul.f32 @p1 $1.442695020e+00, v8  }
0x223: {  	v15 =	vpsel p3, v15, v6;
	v18 =	vmul.f32 @p1 $1.442695020e+00, v18;
	v21 =	vsub.f32 @p2 v28, v25  }
0x224: {  	v23 =	vpsel p2, v23, v0;
	v12 =	vbroadcast @p1 v12, $0x0;
	(erf) = vpow2.f32 @p1 v8;
	s6 =	spop @p1 (v2sf)  }
0x225: {  	v22 =	vadd.f32 @p2 v21, v22;
	v25 =	vmul.f32 @p2 v21, v27;
	v21 =	vpsel p2, v21, v0;
	s21 =	smov.u32 @p1 s6  }
0x226: {  	(erf) = vpow2.f32 @p1 v18;
	v18 =	vadd.s32 @p1 v1, v12;
	v24 =	vadd.s32 @p1 v3, v12;
	s6 =	sadd.f32 @p1 s21, s14;
	s14 =	smov.u32 @p0 s20  }
0x227: {  	s15 =	smov.u32 s30;
	v12 =	vadd.s32 @p1 v2, v12;
	v19 =	vpsel p2, v25, v0;
	v16 =	vpsel p1, v24, v16;
	s5 =	smov.u32 @p0 s14  }
0x228: {  	v14 =	vpsel p1, v18, v14;
	v18 =	vpsel p3, v20, v7;
	v12 =	vpsel p1, v12, v17;
	s15 =	smov.u32 @p1 s6;
	s5 =	sadd.s32 @p0 s5, s26  }
0x229: {  	v17 =	vpsel p2, v22, v4;
	v13 =	vadd.f32 @p0 s15, v13;
	v20 =	vmov @p0 s5  }
0x22a: {  	v22 =	vmul.f32 @p2 v21, v23;
	s20 =	sadd.s32 s4, s26;
	v9 =	vadd.f32 @p0 s15, v9;
	v20 =	vmul.u32 @p0 $0x3, v20;
	s5 =	spop @p0 (v2sf)  }
0x22b: {  	v8 =	vld.idx.msk @p2 [tilespmem:v26+s13+$0x0], $0xffff;
	v10 =	vadd.f32 @p2 v19, v10;
	v53 =	vmov s20;
	v13 =	vmul.f32 @p0 $1.442695020e+00, v13;
	s5 =	smov.u32 @p0 s5  }
0x22c: {  	v15 =	vadd.f32 @p2 v22, v15;
	v51, _, _ =	vpop (xrf2);
	v9 =	vmul.f32 @p0 $1.442695020e+00, v9;
	v20 =	vbroadcast @p0 v20, $0x0;
	s5 =	sadd.f32 @p0 s5, s15  }
0x22d: {  	v22 =	vmul.u32 $0x3, v53;
	v52 =	vsub.f32 v51, v11;
	(erf) = vpow2.f32 @p0 v13  }
0x22e: {  	v11 =	vld.idx.msk @p1 [tilespmem:v16+s13+$0x0], $0xffff;
	(erf) = vpow2.f32 @p0 v9;
	v13 =	vadd.s32 @p0 v1, v20;
	v16 =	vadd.s32 @p0 v3, v20;
	s30 =	smov.u32 @p0 s5  }
0x22f: {  	v20 =	vadd.s32 @p0 v2, v20;
	v13 =	vpsel p0, v13, v0;
	v19 =	vadd.f32 s30, v51  }
0x230: {  	v8 =	vpsel p2, v8, v0;
	v20 =	vpsel p0, v20, v0;
	v9 =	vadd.f32 s30, v52  }
0x231: {  	v8 =	vmul.f32 @p2 v21, v8;
	v21 =	vpop @p1 (erf);
	v19 =	vmul.f32 $1.442695020e+00, v19  }
0x232: {  	v22 =	vbroadcast v22, $0x0;
	(v2sf) =	vpush v51, $0xF;
	v12 =	vld.idx.msk @p1 [tilespmem:v12+s13+$0x0], $0xffff;
	v23 =	vpop @p1 (erf);
	v9 =	vmul.f32 $1.442695020e+00, v9  }
0x233: {  	v14 =	vld.idx.msk @p1 [tilespmem:v14+s13+$0x0], $0xffff;
	v16 =	vpsel p0, v16, v0;
	v21 =	vsub.f32 @p1 v23, v21;
	(erf) = vpow2.f32 v19  }
0x234: {  	v10 =	vpsel p2, v10, v5;
	v8 =	vadd.f32 @p2 v8, v18;
	v13 =	vld.idx.msk @p0 [tilespmem:v13+s13+$0x0], $0xffff;
	(erf) = vpow2.f32 v9  }
0x235: {  	v15 =	vpsel p2, v15, v6;
	v54 =	vadd.s32 v3, v22;
	v17 =	vadd.f32 @p1 v21, v17;
	v20 =	vld.idx.msk @p0 [tilespmem:v20+s13+$0x0], $0xffff  }
0x236: {  	v55 =	vadd.s32 v1, v22;
	v22 =	vadd.s32 v2, v22;
	v8 =	vpsel p2, v8, v7  }
0x237: {  	v12 =	vpsel p1, v12, v0;
	v17 =	vpsel p1, v17, v4;
	v18 =	vpop @p0 (erf);
	v19 =	vpsel p1, v21, v0  }
0x238: {  	v23 =	vpop @p0 (erf);
	v9 =	vmul.f32 @p1 v21, v11;
	v11 =	vpsel p1, v14, v0;
	v14 =	vld.idx.msk @p0 [tilespmem:v16+s13+$0x0], $0xffff;
	v12 =	vmul.f32 @p1 v19, v12  }
0x239: {  	v18 =	vsub.f32 @p0 v23, v18;
	v11 =	vmul.f32 @p1 v19, v11;
	v13 =	vpsel p0, v13, v0  }
0x23a: {  	v56 =	vld.idx.msk [tilespmem:v54+s13+$0x0], $0xffff;
	v19 =	vpsel p0, v20, v0;
	v9 =	vpsel p1, v9, v0;
	v8 =	vadd.f32 @p1 v12, v8  }
0x23b: {  	v57 =	vld.idx.msk [tilespmem:v55+s13+$0x0], $0xffff;
	v12 =	vadd.f32 @p0 v18, v17;
	v16 =	vpsel p0, v18, v0;
	v9 =	vadd.f32 @p1 v9, v10  }
0x23c: {  	v59 =	vld.idx.msk [tilespmem:v22+s13+$0x0], $0xffff;
	v10 =	vadd.f32 @p1 v11, v15;
	v13 =	vmul.f32 @p0 v16, v13;
	v16 =	vmul.f32 @p0 v16, v19;
	v58 =	vpop (erf)  }
0x23d: {  	v8 =	vpsel p1, v8, v7;
	v4 =	vpsel p0, v12, v4;
	v11 =	vmul.f32 @p0 v18, v14;
	v60 =	vpop (erf)  }
0x23e: {  	v10 =	vpsel p1, v10, v6;
	v8 =	vadd.f32 @p0 v16, v8;
	v17 =	vsub.f32 v60, v58  }
0x23f: {  	v9 =	vpsel p1, v9, v5;
	v10 =	vadd.f32 @p0 v13, v10;
	v11 =	vpsel p0, v11, v0  }
0x240: {  	v7 =	vpsel p0, v8, v7;
	v9 =	vadd.f32 @p0 v11, v9;
	v62 =	vmul.f32 v17, v57  }
0x241: {  	v6 =	vpsel p0, v10, v6;
	v61 =	vmul.f32 v17, v56;
	v63 =	vmul.f32 v17, v59  }
0x242: {  	s21 =	spop (v2sf);
	v5 =	vpsel p0, v9, v5;
	v4 =	vadd.f32 v17, v4;
	v6 =	vadd.f32 v62, v6  }
0x243: {  	s30 =	sadd.f32 s21, s30;
	v5 =	vadd.f32 v61, v5;
	v7 =	vadd.f32 v63, v7  }
.LBB2_51:
0x244: {  	p0 =	seq.s32 s1, s31  }
.Ltmp37:
0x245: {  	_ = 	snop;
	(pc) =	sbr.rel @p0 .LBB2_66-.Ltmp37, $1  }
0x246: {  	_ =	sdelay $0x3  }
.LBB2_52:
0x247: {  	s1 =	smov.u32 s0;
	s0 =	sadd.s32 $0x1, s0  }
0x248: {  	s4 =	sshll.u32 s0, $0x8  }
0x249: {  	s4 =	sadd.s32 s23, s4  }
0x24a: {  	s5 =	sshrl.u32 s4, $0x3  }
0x24b: {  	s5 =	sadd.s32 s2, s5  }
0x24c: {  	[tilespmem:s11], [sflag:$0x7] =	stream.linear.gather [hbm4b:s5+s3], $0x118, $0x38;
	[tilespmem:$0x1600] =	vst v63  }
0x24d: {  	s19 =	sadd.s32 $0x40200, s4;
	_ =	swait.ge [sflag:s7], $0x118  }
0x24e: {  	s6 =	sand.u32 $0xFFFFFFF8, s4;
	s5 =	sshrl.u32 s19, $0x3;
	[sflag:s7] =	ssyncset.done $0x0  }
0x24f: {  	s6 =	smul.u32 $0x3, s6;
	s5 =	sadd.s32 s2, s5;
	[sflag:s7] =	ssyncadd.s32 $0xFFFFFEE8  }
0x250: {  	[tilespmem:s12], [sflag:$0x7] =	stream.linear.gather [hbm4b:s5+s3], $0x118, $0x38;
	[tilespmem:$0x1600] =	vst v63  }
0x251: {  	s20 =	sadd.s32 $0x80400, s6;
	_ =	swait.ge [sflag:s7], $0x118  }
0x252: {  	s5 =	sshrl.u32 s20, $0x3;
	[sflag:s7] =	ssyncset.done $0x0  }
0x253: {  	s5 =	sadd.s32 s2, s5;
	[sflag:s7] =	ssyncadd.s32 $0xFFFFFEE8  }
0x254: {  	[tilespmem:s13], [sflag:$0x7] =	stream.linear.gather [hbm4b:s5+s3], $0x348, $0x38;
	[tilespmem:$0x1600] =	vst v63  }
0x255: {  	s5 =	ssub.s32 s25, s4  }
0x256: {  	p0 =	slt.s32 s5, $0x100  }
0x257: {  	s5 =	simm.s32 @!p0 $0x100  }
0x258: {  	s21 =	sadd.s32 $0xF, s5  }
0x259: {  	s4 =	sshra.s32 s21, $0x4  }
0x25a: {  	p0 =	slt.s32 s4, $0x1  }
.Ltmp38:
0x25b: {  	_ = 	snop;
	(pc) =	sbr.rel @p0 .LBB2_51-.Ltmp38, $4  }
0x25c: {  	_ = 	snop  }
0x25d: {  	_ =	swait.ge [sflag:s7], $0x348  }
0x25e: {  	[sflag:s7] =	ssyncset.done $0x0  }
0x25f: {  	[sflag:s7] =	ssyncadd.s32 $0xFFFFFCB8  }
0x260: {  	v8 =	vld [tilespmem:s28+$0x0]  }
0x261: {  	p4 =	seq.s32 s4, $0x1  }
.Ltmp39:
0x262: {  	_ = 	snop;
	(pc) =	sbr.rel @p4 .LBB2_54-.Ltmp39, $3  }
0x263: {  	_ =	sdelay $0x1  }
0x264: {  	s20 =	simm.s32 $0x0;
	s4 =	sadd.s32 $0xFFFFFFFF, s4;
	p0 =	por $0x0, $0x0;
	v11 =	vld [tilespmem:s29+$0x0];
	v9 =	vmax.f32 v8, $0.0e+00  }
0x265: {  	p1 =	por $0x0, $0x0;
	p2 =	por $0x0, $0x0;
	p3 =	por $0x0, $0x0;
	v8 =	vmov s5;
	v15 =	vsub.f32 $0.0e+00, v9  }
0x266: {  	_ =	sdelay $0x2  }
0x267: {  	v9 =	vor.u32 s20, v0;
	v11 =	vmul.f32 v15, v11  }
0x268: {  	vm4 =	vlt.s32 v9, v8  }
0x269: {  	v9 =	vnsel vm4, $0x0, v11  }
0x26a: {  	(xrf2) =	vadd.scan.msk.f32 $0xffff, v9  }
0x26b: {  	s14 =	sadd.s32 $0x10, s28  }
0x26c: {  	v10 =	vld [tilespmem:s14+$0x0]  }
0x26d: {  	p4 =	seq.s32 s4, $0x1  }
.Ltmp40:
0x26e: {  	_ = 	snop;
	(pc) =	sbr.rel @p4 .LBB2_56-.Ltmp40, $4  }
0x26f: {  	_ = 	snop  }
0x270: {  	s15 =	sadd.s32 $0x10, s29  }
0x271: {  	v11 =	vld [tilespmem:s15+$0x0];
	v10 =	vmax.f32 v10, $0.0e+00  }
0x272: {  	s6 =	sadd.s32 $0xFFFFFFFF, s4;
	s5 =	simm.s32 $0x10;
	p0 =	por $0x1, $0x1;
	v15 =	vsub.f32 $0.0e+00, v10  }
0x273: {  	_ =	sdelay $0x2  }
0x274: {  	v10 =	vor.u32 s5, v0;
	v11 =	vmul.f32 v15, v11  }
0x275: {  	vm4 =	vlt.s32 v10, v8  }
0x276: {  	v10 =	vnsel vm4, $0x0, v11  }
0x277: {  	v12, _, _ =	vpop (xrf2);
	(xrf2) =	vadd.scan.msk.f32 $0xffff, v10  }
0x278: {  	s14 =	sadd.s32 $0x10, s14  }
0x279: {  	v13 =	vld [tilespmem:s14+$0x0]  }
0x27a: {  	p4 =	seq.s32 s6, $0x1  }
.Ltmp41:
0x27b: {  	_ = 	snop;
	(pc) =	sbr.rel @p4 .LBB2_58-.Ltmp41, $4  }
0x27c: {  	(v2sf) =	vpush v12, $0xF  }
0x27d: {  	s4 =	sadd.s32 $0x10, s15  }
0x27e: {  	v11 =	vld [tilespmem:s4+$0x0];
	v13 =	vmax.f32 v13, $0.0e+00  }
0x27f: {  	s6 =	sadd.s32 $0xFFFFFFFF, s6;
	s20 =	simm.s32 $0x20;
	p1 =	por $0x1, $0x1;
	v15 =	vsub.f32 $0.0e+00, v13  }
0x280: {  	_ =	sdelay $0x1  }
0x281: {  	v9 =	vsub.f32 v12, v9  }
0x282: {  	v13 =	vor.u32 s20, v0;
	s21 =	sadd.s32 $0x0, s26;
	v11 =	vmul.f32 v15, v11  }
0x283: {  	vm4 =	vlt.s32 v13, v8;
	v15 =	vadd.f32 s30, v9;
	v9 =	vmov s21  }
0x284: {  	v16 =	vmul.u32 $0x3, v9;
	v9 =	vnsel vm4, $0x0, v11  }
0x285: {  	s15 =	sadd.s32 $0x10, s14;
	v13, _, _ =	vpop (xrf2);
	(xrf2) =	vadd.scan.msk.f32 $0xffff, v9  }
0x286: {  	v14 =	vld [tilespmem:s15+$0x0]  }
0x287: {  	v12 =	vadd.f32 s30, v12  }
0x288: {  	p4 =	seq.s32 s6, $0x1  }
.Ltmp42:
0x289: {  	v12 =	vmul.f32 $1.442695020e+00, v12;
	(pc) =	sbr.rel @p4 .LBB2_60-.Ltmp42, $4  }
0x28a: {  	v11 =	vmul.f32 $1.442695020e+00, v15  }
0x28b: {  	s14 =	sadd.s32 $0x10, s4;
	(erf) = vpow2.f32 v12;
	v17 =	vbroadcast v16, $0x0;
	v12 =	vmax.f32 v14, $0.0e+00  }
0x28c: {  	s4 =	sadd.s32 $0xFFFFFFFF, s6;
	(v2sf) =	vpush v13, $0xF;
	(erf) = vpow2.f32 v11;
	v15 =	vsub.f32 $0.0e+00, v12;
	v11 =	vld [tilespmem:s14+$0x0]  }
0x28d: {  	s18 =	simm.s32 $0x30;
	p2 =	por $0x1, $0x1;
	v14 =	vadd.s32 v1, v17;
	v16 =	vadd.s32 v3, v17;
	v17 =	vadd.s32 v2, v17;
	s21 =	spop (v2sf)  }
0x28e: {  	_ =	sdelay $0x1  }
0x28f: {  	s6 =	sadd.f32 s21, s30;
	v12 =	vsub.f32 v13, v10  }
0x290: {  	v18 =	vor.u32 s18, v0;
	v11 =	vmul.f32 v15, v11  }
0x291: {  	s17 =	sadd.s32 $0x10, s26;
	vm4 =	vlt.s32 v18, v8;
	v20 =	vadd.f32 s6, v13  }
0x292: {  	s19 =	sadd.s32 $0x10, s15;
	v21 =	vmov s17;
	v15 =	vadd.f32 s6, v12;
	v30 =	vnsel vm4, $0x0, v11  }
0x293: {  	v19 =	vld [tilespmem:s19+$0x0];
	v12, _, _ =	vpop (xrf2);
	v18 =	vmul.f32 $1.442695020e+00, v20;
	v20 =	vmul.u32 $0x3, v21;
	(xrf2) =	vadd.scan.msk.f32 $0xffff, v30;
	_ =	sdelay $0x1  }
0x294: {  	v24 =	vld.idx.msk [tilespmem:v16+s13+$0x0], $0xffff;
	v11 =	vmul.f32 $1.442695020e+00, v15  }
0x295: {  	s14 =	sadd.s32 $0x10, s14;
	p4 =	seq.s32 s4, $0x1;
	(v2sf) =	vpush v12, $0xF;
	v15 =	vpop (erf);
	(erf) = vpow2.f32 v18;
	v18 =	vld.idx.msk [tilespmem:v14+s13+$0x0], $0xffff  }
.Ltmp43:
0x296: {  	v21 =	vbroadcast v20, $0x0;
	v20 =	vpop (erf);
	(erf) = vpow2.f32 v11;
	v11 =	vld [tilespmem:s14+$0x0];
	(pc) =	sbr.rel @p4 .LBB2_62-.Ltmp43, $4  }
0x297: {  	v19 =	vmax.f32 v19, $0.0e+00  }
0x298: {  	v23 =	vld.idx.msk [tilespmem:v17+s13+$0x0], $0xffff;
	v25 =	vadd.s32 v1, v21;
	v20 =	vsub.f32 v20, v15  }
0x299: {  	s15 =	sadd.s32 $0xFFFFFFFF, s4;
	v27 =	vadd.s32 v3, v21;
	v26 =	vadd.s32 v2, v21;
	v15 =	vsub.f32 $0.0e+00, v19  }
0x29a: {  	s4 =	simm.s32 $0x40;
	p3 =	por $0x1, $0x1;
	v19 =	vmovc v5;
	v21 =	vmovc v6;
	v22 =	vadd.f32 v20, v4;
	v28 =	vmul.f32 v20, v24;
	v24 =	vmov v7;
	s17 =	spop (v2sf)  }
.LBB2_63:
0x29b: {  	p4 =	seq.s32 s15, $0x1;
	v29 =	vor.u32 s4, v0;
	v11 =	vmul.f32 v15, v11;
	s6 =	sadd.f32 s17, s6;
	v15 =	vmul.f32 v20, v18  }
0x29c: {  	s19 =	sadd.s32 $0x10, s19;
	v18 =	vsub.f32 v12, v9;
	v9 =	vmovc v30;
	vm4 =	vlt.s32 v29, v8;
	v19 =	vadd.f32 v28, v19  }
0x29d: {  	s17 =	sadd.s32 s20, s26;
	s20 =	smov.u32 s18;
	s18 =	smov.u32 s4;
	v20 =	vmul.f32 v20, v23;
	v28 =	vld [tilespmem:s19+$0x0];
	v30 =	vnsel vm4, $0x0, v11;
	v11 =	vadd.f32 s6, v12  }
0x29e: {  	v23 =	vadd.f32 s6, v18;
	v18 =	vmov s17;
	v21 =	vadd.f32 v15, v21;
	(xrf2) =	vadd.scan.msk.f32 $0xffff, v30;
	v12, _, _ =	vpop (xrf2);
	v29 =	vld.idx.msk [tilespmem:v27+s13+$0x0], $0xffff  }
0x29f: {  	s14 =	sadd.s32 $0x10, s14;
	v27 =	vmul.u32 $0x3, v18;
	(v2sf) =	vpush v12, $0xF;
	v33 =	vmul.f32 $1.442695020e+00, v11;
	v18 =	vld.idx.msk [tilespmem:v25+s13+$0x0], $0xffff  }
.Ltmp44:
0x2a0: {  	v24 =	vadd.f32 v20, v24;
	v25 =	vmul.f32 $1.442695020e+00, v23;
	v11 =	vld [tilespmem:s14+$0x0];
	v31 =	vpop (erf);
	(pc) =	sbr.rel @!p4 .LBB2_63-.Ltmp44, $4  }
0x2a1: {  	v32 =	vbroadcast v27, $0x0;
	(erf) = vpow2.f32 v33;
	v23 =	vld.idx.msk [tilespmem:v26+s13+$0x0], $0xffff;
	v15 =	vpop (erf)  }
0x2a2: {  	v26 =	vmax.f32 v28, $0.0e+00;
	(erf) = vpow2.f32 v25;
	v20 =	vsub.f32 v15, v31  }
0x2a3: {  	v25 =	vadd.s32 v1, v32;
	v27 =	vadd.s32 v3, v32;
	v15 =	vsub.f32 $0.0e+00, v26  }
0x2a4: {  	s15 =	sadd.s32 $0xFFFFFFFF, s15;
	s4 =	sadd.s32 $0x10, s4;
	v26 =	vadd.s32 v2, v32;
	s17 =	spop (v2sf);
	v22 =	vadd.f32 v20, v22;
	v28 =	vmul.f32 v20, v29  }
.Ltmp45:
0x2a5: {  	(pc) =	sbr.rel .LBB2_65-.Ltmp45, $2  }
0x2a6: {  	_ =	sdelay $0x2  }
0x2a7: {  	v29 =	vmov v9;
	s19 =	smov.u32 s20;
	v9 =	vmov v30;
	s20 =	smov.u32 s18  }
.LBB2_56:
.Ltmp46:
0x2a8: {  	(pc) =	sbr.rel .LBB2_65-.Ltmp46, $2  }
0x2a9: {  	_ =	sdelay $0x2  }
0x2aa: {  	s4 =	simm.s32 $0x10;
	s6 =	smov.u32 s30;
	v19 =	vmovc v5;
	v21 =	vmov v6;
	v24 =	vmov v7;
	v22 =	vmov v4  }
.LBB2_58:
.Ltmp47:
0x2ab: {  	(pc) =	sbr.rel .LBB2_65-.Ltmp47, $3  }
0x2ac: {  	_ =	sdelay $0x1  }
0x2ad: {  	v29 =	vmov v9;
	s4 =	simm.s32 $0x20  }
0x2ae: {  	v9 =	vmovc v10;
	s6 =	smov.u32 s30;
	v19 =	vmovc v5;
	s19 =	simm.s32 $0x0;
	s20 =	simm.s32 $0x10;
	v21 =	vmov v6;
	v24 =	vmov v7;
	v22 =	vmov v4  }
.LBB2_60:
.Ltmp48:
0x2af: {  	(pc) =	sbr.rel .LBB2_65-.Ltmp48, $3  }
0x2b0: {  	_ =	sdelay $0x1  }
0x2b1: {  	s4 =	simm.s32 $0x30;
	v12 =	vmovc v13;
	v29 =	vmov v10;
	v19 =	vmov v5;
	v27 =	vmov v16  }
0x2b2: {  	s6 =	smov.u32 s30;
	s17 =	smov.u32 s21;
	s19 =	simm.s32 $0x10;
	v21 =	vmovc v6;
	v25 =	vmovc v14;
	v24 =	vmov v7;
	v26 =	vmov v17;
	v22 =	vmov v4  }
.LBB2_62:
.Ltmp49:
0x2b3: {  	(pc) =	sbr.rel .LBB2_65-.Ltmp49, $2  }
0x2b4: {  	_ =	sdelay $0x2  }
0x2b5: {  	v29 =	vmovc v9;
	v19 =	vmovc v5;
	v9 =	vmov v30;
	s19 =	simm.s32 $0x20;
	s20 =	simm.s32 $0x30;
	v21 =	vmov v6;
	v24 =	vmov v7  }
.LBB2_5:
.Ltmp50:
0x2b6: {  	(pc) =	sbr.rel .LBB2_16-.Ltmp50, $3  }
0x2b7: {  	_ =	sdelay $0x1  }
0x2b8: {  	v15 =	vimm.f32 $0.0e+00  }
0x2b9: {  	s5 =	simm.s32 $0x0;
	s6 =	simm.f32 $0.0e+00;
	v19 =	vimm.f32 $0.0e+00;
	v22 =	vimm.f32 $0.0e+00;
	v18 =	vimm.f32 $0.0e+00  }
.LBB2_37:
.Ltmp51:
0x2ba: {  	(pc) =	sbr.rel .LBB2_48-.Ltmp51, $3  }
0x2bb: {  	_ =	sdelay $0x1  }
0x2bc: {  	v15 =	vimm.f32 $0.0e+00  }
0x2bd: {  	s5 =	simm.s32 $0x0;
	s6 =	simm.f32 $0.0e+00;
	v19 =	vimm.f32 $0.0e+00;
	v22 =	vimm.f32 $0.0e+00;
	v18 =	vimm.f32 $0.0e+00  }
.LBB2_7:
.Ltmp52:
0x2be: {  	(pc) =	sbr.rel .LBB2_16-.Ltmp52, $3  }
0x2bf: {  	_ =	sdelay $0x1  }
0x2c0: {  	v15 =	vimm.f32 $0.0e+00  }
0x2c1: {  	s5 =	simm.s32 $0x10;
	s6 =	simm.f32 $0.0e+00;
	v19 =	vimm.f32 $0.0e+00;
	v22 =	vimm.f32 $0.0e+00;
	v18 =	vimm.f32 $0.0e+00  }
.LBB2_39:
.Ltmp53:
0x2c2: {  	(pc) =	sbr.rel .LBB2_48-.Ltmp53, $3  }
0x2c3: {  	_ =	sdelay $0x1  }
0x2c4: {  	v15 =	vimm.f32 $0.0e+00  }
0x2c5: {  	s5 =	simm.s32 $0x10;
	s6 =	simm.f32 $0.0e+00;
	v19 =	vimm.f32 $0.0e+00;
	v22 =	vimm.f32 $0.0e+00;
	v18 =	vimm.f32 $0.0e+00  }
.LBB2_9:
.Ltmp54:
0x2c6: {  	(pc) =	sbr.rel .LBB2_16-.Ltmp54, $3  }
0x2c7: {  	_ =	sdelay $0x1  }
0x2c8: {  	s5 =	simm.s32 $0x20;
	v15 =	vimm.f32 $0.0e+00  }
0x2c9: {  	v26 =	vmovc v6;
	v6 =	vmovc v7;
	s6 =	simm.f32 $0.0e+00;
	s18 =	simm.s32 $0x0;
	s30 =	simm.s32 $0x10;
	v19 =	vimm.f32 $0.0e+00;
	v22 =	vimm.f32 $0.0e+00;
	v18 =	vimm.f32 $0.0e+00  }
.LBB2_41:
.Ltmp55:
0x2ca: {  	(pc) =	sbr.rel .LBB2_48-.Ltmp55, $3  }
0x2cb: {  	_ =	sdelay $0x1  }
0x2cc: {  	s5 =	simm.s32 $0x20;
	v15 =	vimm.f32 $0.0e+00  }
0x2cd: {  	v26 =	vmovc v6;
	v6 =	vmovc v7;
	s6 =	simm.f32 $0.0e+00;
	s19 =	simm.s32 $0x0;
	s30 =	simm.s32 $0x10;
	v19 =	vimm.f32 $0.0e+00;
	v22 =	vimm.f32 $0.0e+00;
	v18 =	vimm.f32 $0.0e+00  }
.LBB2_11:
.Ltmp56:
0x2ce: {  	(pc) =	sbr.rel .LBB2_16-.Ltmp56, $3  }
0x2cf: {  	_ =	sdelay $0x1  }
0x2d0: {  	v15 =	vimm.f32 $0.0e+00;
	s5 =	simm.s32 $0x30;
	v10 =	vmovc v8;
	v26 =	vmov v7;
	v24 =	vmov v13  }
0x2d1: {  	s6 =	simm.f32 $0.0e+00;
	s17 =	smov.u32 s20;
	s18 =	simm.s32 $0x10;
	v19 =	vimm.f32 $0.0e+00;
	v20 =	vmovc v12;
	v22 =	vimm.f32 $0.0e+00;
	v23 =	vmovc v14;
	v18 =	vimm.f32 $0.0e+00  }
.LBB2_43:
.Ltmp57:
0x2d2: {  	(pc) =	sbr.rel .LBB2_48-.Ltmp57, $3  }
0x2d3: {  	_ =	sdelay $0x1  }
0x2d4: {  	v15 =	vimm.f32 $0.0e+00;
	s5 =	simm.s32 $0x30;
	v10 =	vmovc v8;
	v26 =	vmov v7;
	v24 =	vmov v13  }
0x2d5: {  	s6 =	simm.f32 $0.0e+00;
	s17 =	smov.u32 s20;
	s19 =	simm.s32 $0x10;
	v19 =	vimm.f32 $0.0e+00;
	v20 =	vmovc v12;
	v22 =	vimm.f32 $0.0e+00;
	v23 =	vmovc v14;
	v18 =	vimm.f32 $0.0e+00  }
.LBB2_13:
.Ltmp58:
0x2d6: {  	(pc) =	sbr.rel .LBB2_16-.Ltmp58, $2  }
0x2d7: {  	_ =	sdelay $0x2  }
0x2d8: {  	v26 =	vmovc v6;
	v15 =	vimm.f32 $0.0e+00;
	v6 =	vmovc v27;
	s18 =	simm.s32 $0x20;
	s30 =	simm.s32 $0x30;
	v19 =	vimm.f32 $0.0e+00;
	v22 =	vimm.f32 $0.0e+00  }
.LBB2_45:
.Ltmp59:
0x2d9: {  	(pc) =	sbr.rel .LBB2_48-.Ltmp59, $2  }
0x2da: {  	_ =	sdelay $0x2  }
0x2db: {  	v26 =	vmovc v6;
	v15 =	vimm.f32 $0.0e+00;
	v6 =	vmovc v27;
	s19 =	simm.s32 $0x20;
	s30 =	simm.s32 $0x30;
	v19 =	vimm.f32 $0.0e+00;
	v22 =	vimm.f32 $0.0e+00  }
.LBB2_68:
0x2dc: {  	_ =	sfence.sel $0x180000  }
0x2dd: {  	[bflag:$0x0] =	sbarrier.arrive $0xFFFF  }
0x2de: {  	_ =	strace $0x90000047  }
0x2df: {  	s0 =	stileid.u32;
	[bflag:$0x2] =	sbarrier.arrive $0xFFFF  }
0x2e0: {  	p0 =	sne.s32 s0, $0x0;
	s0 =	rddreg [dreg:$0x2]  }
0x2e1: {  	s0 =	sadd.s32 @!p0 $0x100000, s0  }
0x2e2: {  	[sflag:s0] =	ssyncadd.tile.s32 @!p0 $0x1;
	_ =	shalt  }
.Lfunc_end2:
_tile_overlayer_lowered:
.L_overlay_start_2:
0x2e3: {  	(tag) =	ssettag $0x2  }
0x2e4: {  	s0 =	rddreg [dreg:$0x0];
	s2 =	stileid.u32  }
0x2e5: {  	s1 =	rddreg [dreg:$0x1];
	p0 =	sne.s32 s2, $0x0  }
0x2e6: {  	s3 =	rddreg [dreg:$0x2];
	[bflag:$0x3] =	sbarrier.arrive $0xFFFF;
	s2 =	simm.s32 @!p0 $0x1C07  }
0x2e7: {  	[timem:s3], [sflag:s2] =	dma.local @!p0 [hbm:s0], s1  }
0x2e8: {  	s0 =	simm.s32 @!p0 $0x7  }
0x2e9: {  	_ =	swait.ge @!p0 [sflag:s0], s1  }
0x2ea: {  	s1 =	ssub.s32 @!p0 $0x0, s1;
	[sflag:s0] =	ssyncset.done @!p0 $0x0  }
0x2eb: {  	[sflag:s0] =	ssyncadd.s32 @!p0 s1  }
0x2ec: {  	[bflag:$0x3] =	sbarrier.arrive $0xFFFF  }
0x2ed: {  	_ =	shalt  }

</sc_bundles>
